<compile_context>
chip_gen: v7x
topology: tpu7x:2x2x1
jax: 0.10.2.dev20260603
libtpu: 0.0.44.dev20260713+nightly
codegen_flags: <defaults>
</compile_context>

<pallas_src>
import functools

import jax
import jax.numpy as jnp
from jax import lax
from jax.experimental import pallas as pl
from jax.experimental.pallas import tpu as pltpu
from jax.experimental.pallas import tpu_sc as plsc

B = 16384
F = 26
TABLE = 40000
L = 16
FSPLITS = [(0, 17), (17, 26)]

_info = plsc.get_sparse_core_info()
NC, NS = _info.num_cores, _info.num_subcores
NW = NC * NS
BPW = B // NW
NV = BPW // L


def _make_sc_body(f_lo, f_hi):
    nf = f_hi - f_lo

    def _sc_body(xt_hbm, w_hbm, out_hbm, idxv, valv, outv, sem_s, sem_g):
        wid = lax.axis_index("s") * NC + lax.axis_index("c")
        base = wid * BPW

        stages = [
            pltpu.async_copy(
                xt_hbm.at[f_lo + k, pl.ds(base, BPW)],
                idxv.at[pl.ds(k * BPW, BPW)],
                sem_s,
            )
            for k in range(nf)
        ]

        gathers = []
        for k in range(nf):
            stages[k].wait()
            gathers.append(
                pltpu.async_copy(
                    w_hbm.at[pl.ds(k * TABLE, TABLE)].at[idxv.at[pl.ds(k * BPW, BPW)]],
                    valv.at[pl.ds(k * BPW, BPW)],
                    sem_g,
                )
            )
        for g in gathers:
            g.wait()

        def reduce(j, _):
            acc = valv[pl.ds(j * L, L)]
            for k in range(1, nf):
                acc = acc + valv[pl.ds(k * BPW + j * L, L)]
            outv[pl.ds(j * L, L)] = acc
            return 0

        lax.fori_loop(0, NV, reduce, 0)

        pltpu.sync_copy(outv, out_hbm.at[pl.ds(base, BPW)])

    return _sc_body


@functools.partial(jax.jit, static_argnames=())
def kernel(x, fc_weight, bias):
    xt = x.astype(jnp.int32).T
    mesh = plsc.VectorSubcoreMesh(core_axis_name="c", subcore_axis_name="s")

    partials = []
    wsrc = fc_weight
    for i, (f_lo, f_hi) in enumerate(FSPLITS):
        if i:
            wsrc = lax.optimization_barrier(wsrc)
        nf = f_hi - f_lo
        wk = wsrc[f_lo * TABLE:f_hi * TABLE].reshape(-1)
        chunk = nf * BPW
        run = pl.kernel(
            _make_sc_body(f_lo, f_hi),
            mesh=mesh,
            out_type=jax.ShapeDtypeStruct((B,), jnp.float32),
            scratch_types=[
                pltpu.VMEM((chunk,), jnp.int32),
                pltpu.VMEM((chunk,), jnp.float32),
                pltpu.VMEM((BPW,), jnp.float32),
                pltpu.SemaphoreType.DMA,
                pltpu.SemaphoreType.DMA,
            ],
        )
        partials.append(run(xt, wk))

    out1 = partials[0]
    for p in partials[1:]:
        out1 = out1 + p
    out1 = out1 + bias.astype(jnp.float32)[0]
    return out1.reshape(B, 1)

# --- scband reference (transcript-rebuilt; emitter-appended) ---
"""Pipeline reference for scband-features-linear-22136261443934 (READ-ONLY COPY).

The authoritative reference and input builder live on the scoring server;
editing this copy changes nothing except your own understanding.
"""

import jax, jax.numpy as jnp
import numpy as np

FIELD_DIMS = [40000] * 26
NUM_EMB = int(sum(FIELD_DIMS))
OUTPUT_DIM = 1
BATCH = 16384
NUM_FIELDS = len(FIELD_DIMS)
OFFSETS = np.array((0, *np.cumsum(FIELD_DIMS)[:-1]), dtype=np.int64)


def setup_inputs(seed: int = 0) -> dict:
    key = jax.random.key(seed)
    k1, k2 = jax.random.split(key)
    x = jax.random.randint(k1, (BATCH, NUM_FIELDS), 0, 40000, dtype=jnp.int64)
    # nn.Embedding default init: N(0, 1)
    fc_weight = jax.random.normal(k2, (NUM_EMB, OUTPUT_DIM), dtype=jnp.float32)
    bias = jnp.zeros((OUTPUT_DIM,), dtype=jnp.float32)
    return {"x": x, "fc_weight": fc_weight, "bias": bias}


def reference(x, fc_weight, bias):
    offsets = jnp.asarray(OFFSETS, dtype=x.dtype)
    idx = x + offsets[None, :]  # (B, F)
    emb = jnp.take(fc_weight, idx, axis=0)  # (B, F, output_dim)
    return jnp.sum(emb, axis=1) + bias  # (B, output_dim)

if __name__ == "__main__":
    import jax
    _d = setup_inputs()
    print(jax.jit(kernel)(*tuple(_d.values())))

</pallas_src>

<mosaic_0001>
#map = affine_map<(d0, d1) -> (0, 0)>
#map1 = affine_map<(d0, d1) -> (0)>
module attributes {stable_mosaic.version = 14 : i64} {
  func.func @_sc_body(%arg0: i32, %arg1: i32, %arg2: memref<26x16384xi32, #tpu.memory_space<hbm>>, %arg3: memref<360000xf32, #tpu.memory_space<hbm>>, %arg4: memref<16384xf32, #tpu.memory_space<hbm>>, %arg5: memref<4608xi32, #tpu.memory_space<vmem>>, %arg6: memref<4608xf32, #tpu.memory_space<vmem>>, %arg7: memref<512xf32, #tpu.memory_space<vmem>>, %arg8: memref<!tpu.dma_semaphore, #tpu.memory_space<semaphore_mem>>, %arg9: memref<!tpu.dma_semaphore, #tpu.memory_space<semaphore_mem>>) attributes {dimension_semantics = [#tpu.dimension_semantics<core_parallel>, #tpu.dimension_semantics<subcore_parallel>], iteration_bounds = array<i64: 2, 16>, scalar_prefetch = 0 : i64, scratch_operands = 5 : i64, tpu.core_type = #tpu.core_type<sc_vector_subcore>, window_params = [{transform_indices = #map}, {transform_indices = #map1}, {transform_indices = #map1}]} {
    %mul3A = arith.constant 2 : i32
    %mul3A_0 = arith.muli %arg1, %mul3A : i32
    %add3A = arith.addi %mul3A_0, %arg0 : i32
    %mul3A_1 = arith.constant 512 : i32
    %mul3A_2 = arith.muli %add3A, %mul3A_1 : i32
    %dma_start3A = arith.constant 17 : i32
    %dma_start3A_3 = arith.constant 0 : i32
    %dma_start3A_4 = tpu.memref_slice %arg5[%dma_start3A_3] : memref<4608xi32, #tpu.memory_space<vmem>> -> memref<512xi32, #tpu.memory_space<vmem>>
    %dma_start3A_5 = tpu.memref_slice %arg2[%dma_start3A, %mul3A_2] : memref<26x16384xi32, #tpu.memory_space<hbm>> -> memref<1x512xi32, #tpu.memory_space<hbm>>
    %dma_start3A_6 = tpu.memref_squeeze %dma_start3A_5 : memref<1x512xi32, #tpu.memory_space<hbm>> -> memref<512xi32, #tpu.memory_space<hbm>>
    %dma_start3A_7 = arith.constant 0 : i32
    %dma_start3A_8 = tpu.memref_slice %arg5[%dma_start3A_7] : memref<4608xi32, #tpu.memory_space<vmem>> -> memref<512xi32, #tpu.memory_space<vmem>>
    %dma_start3A_9 = tpu.memref_slice %arg2[%dma_start3A, %mul3A_2] : memref<26x16384xi32, #tpu.memory_space<hbm>> -> memref<1x512xi32, #tpu.memory_space<hbm>>
    %dma_start3A_10 = tpu.memref_squeeze %dma_start3A_9 : memref<1x512xi32, #tpu.memory_space<hbm>> -> memref<512xi32, #tpu.memory_space<hbm>>
    tpu.enqueue_dma source(%dma_start3A_10 : memref<512xi32, #tpu.memory_space<hbm>>) target(%dma_start3A_8 : memref<512xi32, #tpu.memory_space<vmem>>) target_semaphore(%arg8 : memref<!tpu.dma_semaphore, #tpu.memory_space<semaphore_mem>>)
    %dma_start3A_11 = arith.constant 18 : i32
    %dma_start3A_12 = arith.constant 512 : i32
    %dma_start3A_13 = tpu.memref_slice %arg5[%dma_start3A_12] : memref<4608xi32, #tpu.memory_space<vmem>> -> memref<512xi32, #tpu.memory_space<vmem>>
    %dma_start3A_14 = tpu.memref_slice %arg2[%dma_start3A_11, %mul3A_2] : memref<26x16384xi32, #tpu.memory_space<hbm>> -> memref<1x512xi32, #tpu.memory_space<hbm>>
    %dma_start3A_15 = tpu.memref_squeeze %dma_start3A_14 : memref<1x512xi32, #tpu.memory_space<hbm>> -> memref<512xi32, #tpu.memory_space<hbm>>
    %dma_start3A_16 = arith.constant 512 : i32
    %dma_start3A_17 = tpu.memref_slice %arg5[%dma_start3A_16] : memref<4608xi32, #tpu.memory_space<vmem>> -> memref<512xi32, #tpu.memory_space<vmem>>
    %dma_start3A_18 = tpu.memref_slice %arg2[%dma_start3A_11, %mul3A_2] : memref<26x16384xi32, #tpu.memory_space<hbm>> -> memref<1x512xi32, #tpu.memory_space<hbm>>
    %dma_start3A_19 = tpu.memref_squeeze %dma_start3A_18 : memref<1x512xi32, #tpu.memory_space<hbm>> -> memref<512xi32, #tpu.memory_space<hbm>>
    tpu.enqueue_dma source(%dma_start3A_19 : memref<512xi32, #tpu.memory_space<hbm>>) target(%dma_start3A_17 : memref<512xi32, #tpu.memory_space<vmem>>) target_semaphore(%arg8 : memref<!tpu.dma_semaphore, #tpu.memory_space<semaphore_mem>>)
    %dma_start3A_20 = arith.constant 19 : i32
    %dma_start3A_21 = arith.constant 1024 : i32
    %dma_start3A_22 = tpu.memref_slice %arg5[%dma_start3A_21] : memref<4608xi32, #tpu.memory_space<vmem>> -> memref<512xi32, #tpu.memory_space<vmem>>
    %dma_start3A_23 = tpu.memref_slice %arg2[%dma_start3A_20, %mul3A_2] : memref<26x16384xi32, #tpu.memory_space<hbm>> -> memref<1x512xi32, #tpu.memory_space<hbm>>
    %dma_start3A_24 = tpu.memref_squeeze %dma_start3A_23 : memref<1x512xi32, #tpu.memory_space<hbm>> -> memref<512xi32, #tpu.memory_space<hbm>>
    %dma_start3A_25 = arith.constant 1024 : i32
    %dma_start3A_26 = tpu.memref_slice %arg5[%dma_start3A_25] : memref<4608xi32, #tpu.memory_space<vmem>> -> memref<512xi32, #tpu.memory_space<vmem>>
    %dma_start3A_27 = tpu.memref_slice %arg2[%dma_start3A_20, %mul3A_2] : memref<26x16384xi32, #tpu.memory_space<hbm>> -> memref<1x512xi32, #tpu.memory_space<hbm>>
    %dma_start3A_28 = tpu.memref_squeeze %dma_start3A_27 : memref<1x512xi32, #tpu.memory_space<hbm>> -> memref<512xi32, #tpu.memory_space<hbm>>
    tpu.enqueue_dma source(%dma_start3A_28 : memref<512xi32, #tpu.memory_space<hbm>>) target(%dma_start3A_26 : memref<512xi32, #tpu.memory_space<vmem>>) target_semaphore(%arg8 : memref<!tpu.dma_semaphore, #tpu.memory_space<semaphore_mem>>)
    %dma_start3A_29 = arith.constant 20 : i32
    %dma_start3A_30 = arith.constant 1536 : i32
    %dma_start3A_31 = tpu.memref_slice %arg5[%dma_start3A_30] : memref<4608xi32, #tpu.memory_space<vmem>> -> memref<512xi32, #tpu.memory_space<vmem>>
    %dma_start3A_32 = tpu.memref_slice %arg2[%dma_start3A_29, %mul3A_2] : memref<26x16384xi32, #tpu.memory_space<hbm>> -> memref<1x512xi32, #tpu.memory_space<hbm>>
    %dma_start3A_33 = tpu.memref_squeeze %dma_start3A_32 : memref<1x512xi32, #tpu.memory_space<hbm>> -> memref<512xi32, #tpu.memory_space<hbm>>
    %dma_start3A_34 = arith.constant 1536 : i32
    %dma_start3A_35 = tpu.memref_slice %arg5[%dma_start3A_34] : memref<4608xi32, #tpu.memory_space<vmem>> -> memref<512xi32, #tpu.memory_space<vmem>>
    %dma_start3A_36 = tpu.memref_slice %arg2[%dma_start3A_29, %mul3A_2] : memref<26x16384xi32, #tpu.memory_space<hbm>> -> memref<1x512xi32, #tpu.memory_space<hbm>>
    %dma_start3A_37 = tpu.memref_squeeze %dma_start3A_36 : memref<1x512xi32, #tpu.memory_space<hbm>> -> memref<512xi32, #tpu.memory_space<hbm>>
    tpu.enqueue_dma source(%dma_start3A_37 : memref<512xi32, #tpu.memory_space<hbm>>) target(%dma_start3A_35 : memref<512xi32, #tpu.memory_space<vmem>>) target_semaphore(%arg8 : memref<!tpu.dma_semaphore, #tpu.memory_space<semaphore_mem>>)
    %dma_start3A_38 = arith.constant 21 : i32
    %dma_start3A_39 = arith.constant 2048 : i32
    %dma_start3A_40 = tpu.memref_slice %arg5[%dma_start3A_39] : memref<4608xi32, #tpu.memory_space<vmem>> -> memref<512xi32, #tpu.memory_space<vmem>>
    %dma_start3A_41 = tpu.memref_slice %arg2[%dma_start3A_38, %mul3A_2] : memref<26x16384xi32, #tpu.memory_space<hbm>> -> memref<1x512xi32, #tpu.memory_space<hbm>>
    %dma_start3A_42 = tpu.memref_squeeze %dma_start3A_41 : memref<1x512xi32, #tpu.memory_space<hbm>> -> memref<512xi32, #tpu.memory_space<hbm>>
    %dma_start3A_43 = arith.constant 2048 : i32
    %dma_start3A_44 = tpu.memref_slice %arg5[%dma_start3A_43] : memref<4608xi32, #tpu.memory_space<vmem>> -> memref<512xi32, #tpu.memory_space<vmem>>
    %dma_start3A_45 = tpu.memref_slice %arg2[%dma_start3A_38, %mul3A_2] : memref<26x16384xi32, #tpu.memory_space<hbm>> -> memref<1x512xi32, #tpu.memory_space<hbm>>
    %dma_start3A_46 = tpu.memref_squeeze %dma_start3A_45 : memref<1x512xi32, #tpu.memory_space<hbm>> -> memref<512xi32, #tpu.memory_space<hbm>>
    tpu.enqueue_dma source(%dma_start3A_46 : memref<512xi32, #tpu.memory_space<hbm>>) target(%dma_start3A_44 : memref<512xi32, #tpu.memory_space<vmem>>) target_semaphore(%arg8 : memref<!tpu.dma_semaphore, #tpu.memory_space<semaphore_mem>>)
    %dma_start3A_47 = arith.constant 22 : i32
    %dma_start3A_48 = arith.constant 2560 : i32
    %dma_start3A_49 = tpu.memref_slice %arg5[%dma_start3A_48] : memref<4608xi32, #tpu.memory_space<vmem>> -> memref<512xi32, #tpu.memory_space<vmem>>
    %dma_start3A_50 = tpu.memref_slice %arg2[%dma_start3A_47, %mul3A_2] : memref<26x16384xi32, #tpu.memory_space<hbm>> -> memref<1x512xi32, #tpu.memory_space<hbm>>
    %dma_start3A_51 = tpu.memref_squeeze %dma_start3A_50 : memref<1x512xi32, #tpu.memory_space<hbm>> -> memref<512xi32, #tpu.memory_space<hbm>>
    %dma_start3A_52 = arith.constant 2560 : i32
    %dma_start3A_53 = tpu.memref_slice %arg5[%dma_start3A_52] : memref<4608xi32, #tpu.memory_space<vmem>> -> memref<512xi32, #tpu.memory_space<vmem>>
    %dma_start3A_54 = tpu.memref_slice %arg2[%dma_start3A_47, %mul3A_2] : memref<26x16384xi32, #tpu.memory_space<hbm>> -> memref<1x512xi32, #tpu.memory_space<hbm>>
    %dma_start3A_55 = tpu.memref_squeeze %dma_start3A_54 : memref<1x512xi32, #tpu.memory_space<hbm>> -> memref<512xi32, #tpu.memory_space<hbm>>
    tpu.enqueue_dma source(%dma_start3A_55 : memref<512xi32, #tpu.memory_space<hbm>>) target(%dma_start3A_53 : memref<512xi32, #tpu.memory_space<vmem>>) target_semaphore(%arg8 : memref<!tpu.dma_semaphore, #tpu.memory_space<semaphore_mem>>)
    %dma_start3A_56 = arith.constant 23 : i32
    %dma_start3A_57 = arith.constant 3072 : i32
    %dma_start3A_58 = tpu.memref_slice %arg5[%dma_start3A_57] : memref<4608xi32, #tpu.memory_space<vmem>> -> memref<512xi32, #tpu.memory_space<vmem>>
    %dma_start3A_59 = tpu.memref_slice %arg2[%dma_start3A_56, %mul3A_2] : memref<26x16384xi32, #tpu.memory_space<hbm>> -> memref<1x512xi32, #tpu.memory_space<hbm>>
    %dma_start3A_60 = tpu.memref_squeeze %dma_start3A_59 : memref<1x512xi32, #tpu.memory_space<hbm>> -> memref<512xi32, #tpu.memory_space<hbm>>
    %dma_start3A_61 = arith.constant 3072 : i32
    %dma_start3A_62 = tpu.memref_slice %arg5[%dma_start3A_61] : memref<4608xi32, #tpu.memory_space<vmem>> -> memref<512xi32, #tpu.memory_space<vmem>>
    %dma_start3A_63 = tpu.memref_slice %arg2[%dma_start3A_56, %mul3A_2] : memref<26x16384xi32, #tpu.memory_space<hbm>> -> memref<1x512xi32, #tpu.memory_space<hbm>>
    %dma_start3A_64 = tpu.memref_squeeze %dma_start3A_63 : memref<1x512xi32, #tpu.memory_space<hbm>> -> memref<512xi32, #tpu.memory_space<hbm>>
    tpu.enqueue_dma source(%dma_start3A_64 : memref<512xi32, #tpu.memory_space<hbm>>) target(%dma_start3A_62 : memref<512xi32, #tpu.memory_space<vmem>>) target_semaphore(%arg8 : memref<!tpu.dma_semaphore, #tpu.memory_space<semaphore_mem>>)
    %dma_start3A_65 = arith.constant 24 : i32
    %dma_start3A_66 = arith.constant 3584 : i32
    %dma_start3A_67 = tpu.memref_slice %arg5[%dma_start3A_66] : memref<4608xi32, #tpu.memory_space<vmem>> -> memref<512xi32, #tpu.memory_space<vmem>>
    %dma_start3A_68 = tpu.memref_slice %arg2[%dma_start3A_65, %mul3A_2] : memref<26x16384xi32, #tpu.memory_space<hbm>> -> memref<1x512xi32, #tpu.memory_space<hbm>>
    %dma_start3A_69 = tpu.memref_squeeze %dma_start3A_68 : memref<1x512xi32, #tpu.memory_space<hbm>> -> memref<512xi32, #tpu.memory_space<hbm>>
    %dma_start3A_70 = arith.constant 3584 : i32
    %dma_start3A_71 = tpu.memref_slice %arg5[%dma_start3A_70] : memref<4608xi32, #tpu.memory_space<vmem>> -> memref<512xi32, #tpu.memory_space<vmem>>
    %dma_start3A_72 = tpu.memref_slice %arg2[%dma_start3A_65, %mul3A_2] : memref<26x16384xi32, #tpu.memory_space<hbm>> -> memref<1x512xi32, #tpu.memory_space<hbm>>
    %dma_start3A_73 = tpu.memref_squeeze %dma_start3A_72 : memref<1x512xi32, #tpu.memory_space<hbm>> -> memref<512xi32, #tpu.memory_space<hbm>>
    tpu.enqueue_dma source(%dma_start3A_73 : memref<512xi32, #tpu.memory_space<hbm>>) target(%dma_start3A_71 : memref<512xi32, #tpu.memory_space<vmem>>) target_semaphore(%arg8 : memref<!tpu.dma_semaphore, #tpu.memory_space<semaphore_mem>>)
    %dma_start3A_74 = arith.constant 25 : i32
    %dma_start3A_75 = arith.constant 4096 : i32
    %dma_start3A_76 = tpu.memref_slice %arg5[%dma_start3A_75] : memref<4608xi32, #tpu.memory_space<vmem>> -> memref<512xi32, #tpu.memory_space<vmem>>
    %dma_start3A_77 = tpu.memref_slice %arg2[%dma_start3A_74, %mul3A_2] : memref<26x16384xi32, #tpu.memory_space<hbm>> -> memref<1x512xi32, #tpu.memory_space<hbm>>
    %dma_start3A_78 = tpu.memref_squeeze %dma_start3A_77 : memref<1x512xi32, #tpu.memory_space<hbm>> -> memref<512xi32, #tpu.memory_space<hbm>>
    %dma_start3A_79 = arith.constant 4096 : i32
    %dma_start3A_80 = tpu.memref_slice %arg5[%dma_start3A_79] : memref<4608xi32, #tpu.memory_space<vmem>> -> memref<512xi32, #tpu.memory_space<vmem>>
    %dma_start3A_81 = tpu.memref_slice %arg2[%dma_start3A_74, %mul3A_2] : memref<26x16384xi32, #tpu.memory_space<hbm>> -> memref<1x512xi32, #tpu.memory_space<hbm>>
    %dma_start3A_82 = tpu.memref_squeeze %dma_start3A_81 : memref<1x512xi32, #tpu.memory_space<hbm>> -> memref<512xi32, #tpu.memory_space<hbm>>
    tpu.enqueue_dma source(%dma_start3A_82 : memref<512xi32, #tpu.memory_space<hbm>>) target(%dma_start3A_80 : memref<512xi32, #tpu.memory_space<vmem>>) target_semaphore(%arg8 : memref<!tpu.dma_semaphore, #tpu.memory_space<semaphore_mem>>)
    %dma_wait3A = arith.constant 17 : i32
    %dma_wait3A_83 = arith.constant 0 : i32
    %dma_wait3A_84 = tpu.memref_slice %arg5[%dma_wait3A_83] : memref<4608xi32, #tpu.memory_space<vmem>> -> memref<512xi32, #tpu.memory_space<vmem>>
    %dma_wait3A_85 = tpu.memref_slice %arg2[%dma_wait3A, %mul3A_2] : memref<26x16384xi32, #tpu.memory_space<hbm>> -> memref<1x512xi32, #tpu.memory_space<hbm>>
    %dma_wait3A_86 = tpu.memref_squeeze %dma_wait3A_85 : memref<1x512xi32, #tpu.memory_space<hbm>> -> memref<512xi32, #tpu.memory_space<hbm>>
    %dma_wait3A_87 = arith.constant 0 : i32
    %dma_wait3A_88 = tpu.memref_slice %arg5[%dma_wait3A_87] : memref<4608xi32, #tpu.memory_space<vmem>> -> memref<512xi32, #tpu.memory_space<vmem>>
    %dma_wait3A_89 = tpu.memref_slice %arg2[%dma_wait3A, %mul3A_2] : memref<26x16384xi32, #tpu.memory_space<hbm>> -> memref<1x512xi32, #tpu.memory_space<hbm>>
    %dma_wait3A_90 = tpu.memref_squeeze %dma_wait3A_89 : memref<1x512xi32, #tpu.memory_space<hbm>> -> memref<512xi32, #tpu.memory_space<hbm>>
    tpu.wait_dma2 semaphore(%arg8 : memref<!tpu.dma_semaphore, #tpu.memory_space<semaphore_mem>>) src(%dma_wait3A_90 : memref<512xi32, #tpu.memory_space<hbm>>) dst(%dma_wait3A_88 : memref<512xi32, #tpu.memory_space<vmem>>)
    %dma_start3A_91 = arith.constant 0 : i32
    %dma_start3A_92 = tpu.memref_slice %arg6[%dma_start3A_91] : memref<4608xf32, #tpu.memory_space<vmem>> -> memref<512xf32, #tpu.memory_space<vmem>>
    %dma_start3A_93 = arith.constant 0 : i32
    %dma_start3A_94 = tpu.memref_slice %arg5[%dma_start3A_93] : memref<4608xi32, #tpu.memory_space<vmem>> -> memref<512xi32, #tpu.memory_space<vmem>>
    %dma_start3A_95 = arith.constant 0 : i32
    %dma_start3A_96 = tpu.memref_slice %arg3[%dma_start3A_95] : memref<360000xf32, #tpu.memory_space<hbm>> -> memref<40000xf32, #tpu.memory_space<hbm>>
    %dma_start3A_97 = arith.constant 0 : i32
    %dma_start3A_98 = tpu.memref_slice %dma_start3A_96[%dma_start3A_97] : memref<40000xf32, #tpu.memory_space<hbm>> -> memref<40000xf32, #tpu.memory_space<hbm>>
    tpu.enqueue_indirect_dma source(%dma_start3A_98 : memref<40000xf32, #tpu.memory_space<hbm>>) target(%dma_start3A_92 : memref<512xf32, #tpu.memory_space<vmem>>) offsets(%dma_start3A_94 : memref<512xi32, #tpu.memory_space<vmem>>) semaphore(%arg9 : memref<!tpu.dma_semaphore, #tpu.memory_space<semaphore_mem>>)
    %dma_wait3A_99 = arith.constant 18 : i32
    %dma_wait3A_100 = arith.constant 512 : i32
    %dma_wait3A_101 = tpu.memref_slice %arg5[%dma_wait3A_100] : memref<4608xi32, #tpu.memory_space<vmem>> -> memref<512xi32, #tpu.memory_space<vmem>>
    %dma_wait3A_102 = tpu.memref_slice %arg2[%dma_wait3A_99, %mul3A_2] : memref<26x16384xi32, #tpu.memory_space<hbm>> -> memref<1x512xi32, #tpu.memory_space<hbm>>
    %dma_wait3A_103 = tpu.memref_squeeze %dma_wait3A_102 : memref<1x512xi32, #tpu.memory_space<hbm>> -> memref<512xi32, #tpu.memory_space<hbm>>
    %dma_wait3A_104 = arith.constant 512 : i32
    %dma_wait3A_105 = tpu.memref_slice %arg5[%dma_wait3A_104] : memref<4608xi32, #tpu.memory_space<vmem>> -> memref<512xi32, #tpu.memory_space<vmem>>
    %dma_wait3A_106 = tpu.memref_slice %arg2[%dma_wait3A_99, %mul3A_2] : memref<26x16384xi32, #tpu.memory_space<hbm>> -> memref<1x512xi32, #tpu.memory_space<hbm>>
    %dma_wait3A_107 = tpu.memref_squeeze %dma_wait3A_106 : memref<1x512xi32, #tpu.memory_space<hbm>> -> memref<512xi32, #tpu.memory_space<hbm>>
    tpu.wait_dma2 semaphore(%arg8 : memref<!tpu.dma_semaphore, #tpu.memory_space<semaphore_mem>>) src(%dma_wait3A_107 : memref<512xi32, #tpu.memory_space<hbm>>) dst(%dma_wait3A_105 : memref<512xi32, #tpu.memory_space<vmem>>)
    %dma_start3A_108 = arith.constant 512 : i32
    %dma_start3A_109 = tpu.memref_slice %arg6[%dma_start3A_108] : memref<4608xf32, #tpu.memory_space<vmem>> -> memref<512xf32, #tpu.memory_space<vmem>>
    %dma_start3A_110 = arith.constant 512 : i32
    %dma_start3A_111 = tpu.memref_slice %arg5[%dma_start3A_110] : memref<4608xi32, #tpu.memory_space<vmem>> -> memref<512xi32, #tpu.memory_space<vmem>>
    %dma_start3A_112 = arith.constant 40000 : i32
    %dma_start3A_113 = tpu.memref_slice %arg3[%dma_start3A_112] : memref<360000xf32, #tpu.memory_space<hbm>> -> memref<40000xf32, #tpu.memory_space<hbm>>
    %dma_start3A_114 = arith.constant 0 : i32
    %dma_start3A_115 = tpu.memref_slice %dma_start3A_113[%dma_start3A_114] : memref<40000xf32, #tpu.memory_space<hbm>> -> memref<40000xf32, #tpu.memory_space<hbm>>
    tpu.enqueue_indirect_dma source(%dma_start3A_115 : memref<40000xf32, #tpu.memory_space<hbm>>) target(%dma_start3A_109 : memref<512xf32, #tpu.memory_space<vmem>>) offsets(%dma_start3A_111 : memref<512xi32, #tpu.memory_space<vmem>>) semaphore(%arg9 : memref<!tpu.dma_semaphore, #tpu.memory_space<semaphore_mem>>)
    %dma_wait3A_116 = arith.constant 19 : i32
    %dma_wait3A_117 = arith.constant 1024 : i32
    %dma_wait3A_118 = tpu.memref_slice %arg5[%dma_wait3A_117] : memref<4608xi32, #tpu.memory_space<vmem>> -> memref<512xi32, #tpu.memory_space<vmem>>
    %dma_wait3A_119 = tpu.memref_slice %arg2[%dma_wait3A_116, %mul3A_2] : memref<26x16384xi32, #tpu.memory_space<hbm>> -> memref<1x512xi32, #tpu.memory_space<hbm>>
    %dma_wait3A_120 = tpu.memref_squeeze %dma_wait3A_119 : memref<1x512xi32, #tpu.memory_space<hbm>> -> memref<512xi32, #tpu.memory_space<hbm>>
    %dma_wait3A_121 = arith.constant 1024 : i32
    %dma_wait3A_122 = tpu.memref_slice %arg5[%dma_wait3A_121] : memref<4608xi32, #tpu.memory_space<vmem>> -> memref<512xi32, #tpu.memory_space<vmem>>
    %dma_wait3A_123 = tpu.memref_slice %arg2[%dma_wait3A_116, %mul3A_2] : memref<26x16384xi32, #tpu.memory_space<hbm>> -> memref<1x512xi32, #tpu.memory_space<hbm>>
    %dma_wait3A_124 = tpu.memref_squeeze %dma_wait3A_123 : memref<1x512xi32, #tpu.memory_space<hbm>> -> memref<512xi32, #tpu.memory_space<hbm>>
    tpu.wait_dma2 semaphore(%arg8 : memref<!tpu.dma_semaphore, #tpu.memory_space<semaphore_mem>>) src(%dma_wait3A_124 : memref<512xi32, #tpu.memory_space<hbm>>) dst(%dma_wait3A_122 : memref<512xi32, #tpu.memory_space<vmem>>)
    %dma_start3A_125 = arith.constant 1024 : i32
    %dma_start3A_126 = tpu.memref_slice %arg6[%dma_start3A_125] : memref<4608xf32, #tpu.memory_space<vmem>> -> memref<512xf32, #tpu.memory_space<vmem>>
    %dma_start3A_127 = arith.constant 1024 : i32
    %dma_start3A_128 = tpu.memref_slice %arg5[%dma_start3A_127] : memref<4608xi32, #tpu.memory_space<vmem>> -> memref<512xi32, #tpu.memory_space<vmem>>
    %dma_start3A_129 = arith.constant 80000 : i32
    %dma_start3A_130 = tpu.memref_slice %arg3[%dma_start3A_129] : memref<360000xf32, #tpu.memory_space<hbm>> -> memref<40000xf32, #tpu.memory_space<hbm>>
    %dma_start3A_131 = arith.constant 0 : i32
    %dma_start3A_132 = tpu.memref_slice %dma_start3A_130[%dma_start3A_131] : memref<40000xf32, #tpu.memory_space<hbm>> -> memref<40000xf32, #tpu.memory_space<hbm>>
    tpu.enqueue_indirect_dma source(%dma_start3A_132 : memref<40000xf32, #tpu.memory_space<hbm>>) target(%dma_start3A_126 : memref<512xf32, #tpu.memory_space<vmem>>) offsets(%dma_start3A_128 : memref<512xi32, #tpu.memory_space<vmem>>) semaphore(%arg9 : memref<!tpu.dma_semaphore, #tpu.memory_space<semaphore_mem>>)
    %dma_wait3A_133 = arith.constant 20 : i32
    %dma_wait3A_134 = arith.constant 1536 : i32
    %dma_wait3A_135 = tpu.memref_slice %arg5[%dma_wait3A_134] : memref<4608xi32, #tpu.memory_space<vmem>> -> memref<512xi32, #tpu.memory_space<vmem>>
    %dma_wait3A_136 = tpu.memref_slice %arg2[%dma_wait3A_133, %mul3A_2] : memref<26x16384xi32, #tpu.memory_space<hbm>> -> memref<1x512xi32, #tpu.memory_space<hbm>>
    %dma_wait3A_137 = tpu.memref_squeeze %dma_wait3A_136 : memref<1x512xi32, #tpu.memory_space<hbm>> -> memref<512xi32, #tpu.memory_space<hbm>>
    %dma_wait3A_138 = arith.constant 1536 : i32
    %dma_wait3A_139 = tpu.memref_slice %arg5[%dma_wait3A_138] : memref<4608xi32, #tpu.memory_space<vmem>> -> memref<512xi32, #tpu.memory_space<vmem>>
    %dma_wait3A_140 = tpu.memref_slice %arg2[%dma_wait3A_133, %mul3A_2] : memref<26x16384xi32, #tpu.memory_space<hbm>> -> memref<1x512xi32, #tpu.memory_space<hbm>>
    %dma_wait3A_141 = tpu.memref_squeeze %dma_wait3A_140 : memref<1x512xi32, #tpu.memory_space<hbm>> -> memref<512xi32, #tpu.memory_space<hbm>>
    tpu.wait_dma2 semaphore(%arg8 : memref<!tpu.dma_semaphore, #tpu.memory_space<semaphore_mem>>) src(%dma_wait3A_141 : memref<512xi32, #tpu.memory_space<hbm>>) dst(%dma_wait3A_139 : memref<512xi32, #tpu.memory_space<vmem>>)
    %dma_start3A_142 = arith.constant 1536 : i32
    %dma_start3A_143 = tpu.memref_slice %arg6[%dma_start3A_142] : memref<4608xf32, #tpu.memory_space<vmem>> -> memref<512xf32, #tpu.memory_space<vmem>>
    %dma_start3A_144 = arith.constant 1536 : i32
    %dma_start3A_145 = tpu.memref_slice %arg5[%dma_start3A_144] : memref<4608xi32, #tpu.memory_space<vmem>> -> memref<512xi32, #tpu.memory_space<vmem>>
    %dma_start3A_146 = arith.constant 120000 : i32
    %dma_start3A_147 = tpu.memref_slice %arg3[%dma_start3A_146] : memref<360000xf32, #tpu.memory_space<hbm>> -> memref<40000xf32, #tpu.memory_space<hbm>>
    %dma_start3A_148 = arith.constant 0 : i32
    %dma_start3A_149 = tpu.memref_slice %dma_start3A_147[%dma_start3A_148] : memref<40000xf32, #tpu.memory_space<hbm>> -> memref<40000xf32, #tpu.memory_space<hbm>>
    tpu.enqueue_indirect_dma source(%dma_start3A_149 : memref<40000xf32, #tpu.memory_space<hbm>>) target(%dma_start3A_143 : memref<512xf32, #tpu.memory_space<vmem>>) offsets(%dma_start3A_145 : memref<512xi32, #tpu.memory_space<vmem>>) semaphore(%arg9 : memref<!tpu.dma_semaphore, #tpu.memory_space<semaphore_mem>>)
    %dma_wait3A_150 = arith.constant 21 : i32
    %dma_wait3A_151 = arith.constant 2048 : i32
    %dma_wait3A_152 = tpu.memref_slice %arg5[%dma_wait3A_151] : memref<4608xi32, #tpu.memory_space<vmem>> -> memref<512xi32, #tpu.memory_space<vmem>>
    %dma_wait3A_153 = tpu.memref_slice %arg2[%dma_wait3A_150, %mul3A_2] : memref<26x16384xi32, #tpu.memory_space<hbm>> -> memref<1x512xi32, #tpu.memory_space<hbm>>
    %dma_wait3A_154 = tpu.memref_squeeze %dma_wait3A_153 : memref<1x512xi32, #tpu.memory_space<hbm>> -> memref<512xi32, #tpu.memory_space<hbm>>
    %dma_wait3A_155 = arith.constant 2048 : i32
    %dma_wait3A_156 = tpu.memref_slice %arg5[%dma_wait3A_155] : memref<4608xi32, #tpu.memory_space<vmem>> -> memref<512xi32, #tpu.memory_space<vmem>>
    %dma_wait3A_157 = tpu.memref_slice %arg2[%dma_wait3A_150, %mul3A_2] : memref<26x16384xi32, #tpu.memory_space<hbm>> -> memref<1x512xi32, #tpu.memory_space<hbm>>
    %dma_wait3A_158 = tpu.memref_squeeze %dma_wait3A_157 : memref<1x512xi32, #tpu.memory_space<hbm>> -> memref<512xi32, #tpu.memory_space<hbm>>
    tpu.wait_dma2 semaphore(%arg8 : memref<!tpu.dma_semaphore, #tpu.memory_space<semaphore_mem>>) src(%dma_wait3A_158 : memref<512xi32, #tpu.memory_space<hbm>>) dst(%dma_wait3A_156 : memref<512xi32, #tpu.memory_space<vmem>>)
    %dma_start3A_159 = arith.constant 2048 : i32
    %dma_start3A_160 = tpu.memref_slice %arg6[%dma_start3A_159] : memref<4608xf32, #tpu.memory_space<vmem>> -> memref<512xf32, #tpu.memory_space<vmem>>
    %dma_start3A_161 = arith.constant 2048 : i32
    %dma_start3A_162 = tpu.memref_slice %arg5[%dma_start3A_161] : memref<4608xi32, #tpu.memory_space<vmem>> -> memref<512xi32, #tpu.memory_space<vmem>>
    %dma_start3A_163 = arith.constant 160000 : i32
    %dma_start3A_164 = tpu.memref_slice %arg3[%dma_start3A_163] : memref<360000xf32, #tpu.memory_space<hbm>> -> memref<40000xf32, #tpu.memory_space<hbm>>
    %dma_start3A_165 = arith.constant 0 : i32
    %dma_start3A_166 = tpu.memref_slice %dma_start3A_164[%dma_start3A_165] : memref<40000xf32, #tpu.memory_space<hbm>> -> memref<40000xf32, #tpu.memory_space<hbm>>
    tpu.enqueue_indirect_dma source(%dma_start3A_166 : memref<40000xf32, #tpu.memory_space<hbm>>) target(%dma_start3A_160 : memref<512xf32, #tpu.memory_space<vmem>>) offsets(%dma_start3A_162 : memref<512xi32, #tpu.memory_space<vmem>>) semaphore(%arg9 : memref<!tpu.dma_semaphore, #tpu.memory_space<semaphore_mem>>)
    %dma_wait3A_167 = arith.constant 22 : i32
    %dma_wait3A_168 = arith.constant 2560 : i32
    %dma_wait3A_169 = tpu.memref_slice %arg5[%dma_wait3A_168] : memref<4608xi32, #tpu.memory_space<vmem>> -> memref<512xi32, #tpu.memory_space<vmem>>
    %dma_wait3A_170 = tpu.memref_slice %arg2[%dma_wait3A_167, %mul3A_2] : memref<26x16384xi32, #tpu.memory_space<hbm>> -> memref<1x512xi32, #tpu.memory_space<hbm>>
    %dma_wait3A_171 = tpu.memref_squeeze %dma_wait3A_170 : memref<1x512xi32, #tpu.memory_space<hbm>> -> memref<512xi32, #tpu.memory_space<hbm>>
    %dma_wait3A_172 = arith.constant 2560 : i32
    %dma_wait3A_173 = tpu.memref_slice %arg5[%dma_wait3A_172] : memref<4608xi32, #tpu.memory_space<vmem>> -> memref<512xi32, #tpu.memory_space<vmem>>
    %dma_wait3A_174 = tpu.memref_slice %arg2[%dma_wait3A_167, %mul3A_2] : memref<26x16384xi32, #tpu.memory_space<hbm>> -> memref<1x512xi32, #tpu.memory_space<hbm>>
    %dma_wait3A_175 = tpu.memref_squeeze %dma_wait3A_174 : memref<1x512xi32, #tpu.memory_space<hbm>> -> memref<512xi32, #tpu.memory_space<hbm>>
    tpu.wait_dma2 semaphore(%arg8 : memref<!tpu.dma_semaphore, #tpu.memory_space<semaphore_mem>>) src(%dma_wait3A_175 : memref<512xi32, #tpu.memory_space<hbm>>) dst(%dma_wait3A_173 : memref<512xi32, #tpu.memory_space<vmem>>)
    %dma_start3A_176 = arith.constant 2560 : i32
    %dma_start3A_177 = tpu.memref_slice %arg6[%dma_start3A_176] : memref<4608xf32, #tpu.memory_space<vmem>> -> memref<512xf32, #tpu.memory_space<vmem>>
    %dma_start3A_178 = arith.constant 2560 : i32
    %dma_start3A_179 = tpu.memref_slice %arg5[%dma_start3A_178] : memref<4608xi32, #tpu.memory_space<vmem>> -> memref<512xi32, #tpu.memory_space<vmem>>
    %dma_start3A_180 = arith.constant 200000 : i32
    %dma_start3A_181 = tpu.memref_slice %arg3[%dma_start3A_180] : memref<360000xf32, #tpu.memory_space<hbm>> -> memref<40000xf32, #tpu.memory_space<hbm>>
    %dma_start3A_182 = arith.constant 0 : i32
    %dma_start3A_183 = tpu.memref_slice %dma_start3A_181[%dma_start3A_182] : memref<40000xf32, #tpu.memory_space<hbm>> -> memref<40000xf32, #tpu.memory_space<hbm>>
    tpu.enqueue_indirect_dma source(%dma_start3A_183 : memref<40000xf32, #tpu.memory_space<hbm>>) target(%dma_start3A_177 : memref<512xf32, #tpu.memory_space<vmem>>) offsets(%dma_start3A_179 : memref<512xi32, #tpu.memory_space<vmem>>) semaphore(%arg9 : memref<!tpu.dma_semaphore, #tpu.memory_space<semaphore_mem>>)
    %dma_wait3A_184 = arith.constant 23 : i32
    %dma_wait3A_185 = arith.constant 3072 : i32
    %dma_wait3A_186 = tpu.memref_slice %arg5[%dma_wait3A_185] : memref<4608xi32, #tpu.memory_space<vmem>> -> memref<512xi32, #tpu.memory_space<vmem>>
    %dma_wait3A_187 = tpu.memref_slice %arg2[%dma_wait3A_184, %mul3A_2] : memref<26x16384xi32, #tpu.memory_space<hbm>> -> memref<1x512xi32, #tpu.memory_space<hbm>>
    %dma_wait3A_188 = tpu.memref_squeeze %dma_wait3A_187 : memref<1x512xi32, #tpu.memory_space<hbm>> -> memref<512xi32, #tpu.memory_space<hbm>>
    %dma_wait3A_189 = arith.constant 3072 : i32
    %dma_wait3A_190 = tpu.memref_slice %arg5[%dma_wait3A_189] : memref<4608xi32, #tpu.memory_space<vmem>> -> memref<512xi32, #tpu.memory_space<vmem>>
    %dma_wait3A_191 = tpu.memref_slice %arg2[%dma_wait3A_184, %mul3A_2] : memref<26x16384xi32, #tpu.memory_space<hbm>> -> memref<1x512xi32, #tpu.memory_space<hbm>>
    %dma_wait3A_192 = tpu.memref_squeeze %dma_wait3A_191 : memref<1x512xi32, #tpu.memory_space<hbm>> -> memref<512xi32, #tpu.memory_space<hbm>>
    tpu.wait_dma2 semaphore(%arg8 : memref<!tpu.dma_semaphore, #tpu.memory_space<semaphore_mem>>) src(%dma_wait3A_192 : memref<512xi32, #tpu.memory_space<hbm>>) dst(%dma_wait3A_190 : memref<512xi32, #tpu.memory_space<vmem>>)
    %dma_start3A_193 = arith.constant 3072 : i32
    %dma_start3A_194 = tpu.memref_slice %arg6[%dma_start3A_193] : memref<4608xf32, #tpu.memory_space<vmem>> -> memref<512xf32, #tpu.memory_space<vmem>>
    %dma_start3A_195 = arith.constant 3072 : i32
    %dma_start3A_196 = tpu.memref_slice %arg5[%dma_start3A_195] : memref<4608xi32, #tpu.memory_space<vmem>> -> memref<512xi32, #tpu.memory_space<vmem>>
    %dma_start3A_197 = arith.constant 240000 : i32
    %dma_start3A_198 = tpu.memref_slice %arg3[%dma_start3A_197] : memref<360000xf32, #tpu.memory_space<hbm>> -> memref<40000xf32, #tpu.memory_space<hbm>>
    %dma_start3A_199 = arith.constant 0 : i32
    %dma_start3A_200 = tpu.memref_slice %dma_start3A_198[%dma_start3A_199] : memref<40000xf32, #tpu.memory_space<hbm>> -> memref<40000xf32, #tpu.memory_space<hbm>>
    tpu.enqueue_indirect_dma source(%dma_start3A_200 : memref<40000xf32, #tpu.memory_space<hbm>>) target(%dma_start3A_194 : memref<512xf32, #tpu.memory_space<vmem>>) offsets(%dma_start3A_196 : memref<512xi32, #tpu.memory_space<vmem>>) semaphore(%arg9 : memref<!tpu.dma_semaphore, #tpu.memory_space<semaphore_mem>>)
    %dma_wait3A_201 = arith.constant 24 : i32
    %dma_wait3A_202 = arith.constant 3584 : i32
    %dma_wait3A_203 = tpu.memref_slice %arg5[%dma_wait3A_202] : memref<4608xi32, #tpu.memory_space<vmem>> -> memref<512xi32, #tpu.memory_space<vmem>>
    %dma_wait3A_204 = tpu.memref_slice %arg2[%dma_wait3A_201, %mul3A_2] : memref<26x16384xi32, #tpu.memory_space<hbm>> -> memref<1x512xi32, #tpu.memory_space<hbm>>
    %dma_wait3A_205 = tpu.memref_squeeze %dma_wait3A_204 : memref<1x512xi32, #tpu.memory_space<hbm>> -> memref<512xi32, #tpu.memory_space<hbm>>
    %dma_wait3A_206 = arith.constant 3584 : i32
    %dma_wait3A_207 = tpu.memref_slice %arg5[%dma_wait3A_206] : memref<4608xi32, #tpu.memory_space<vmem>> -> memref<512xi32, #tpu.memory_space<vmem>>
    %dma_wait3A_208 = tpu.memref_slice %arg2[%dma_wait3A_201, %mul3A_2] : memref<26x16384xi32, #tpu.memory_space<hbm>> -> memref<1x512xi32, #tpu.memory_space<hbm>>
    %dma_wait3A_209 = tpu.memref_squeeze %dma_wait3A_208 : memref<1x512xi32, #tpu.memory_space<hbm>> -> memref<512xi32, #tpu.memory_space<hbm>>
    tpu.wait_dma2 semaphore(%arg8 : memref<!tpu.dma_semaphore, #tpu.memory_space<semaphore_mem>>) src(%dma_wait3A_209 : memref<512xi32, #tpu.memory_space<hbm>>) dst(%dma_wait3A_207 : memref<512xi32, #tpu.memory_space<vmem>>)
    %dma_start3A_210 = arith.constant 3584 : i32
    %dma_start3A_211 = tpu.memref_slice %arg6[%dma_start3A_210] : memref<4608xf32, #tpu.memory_space<vmem>> -> memref<512xf32, #tpu.memory_space<vmem>>
    %dma_start3A_212 = arith.constant 3584 : i32
    %dma_start3A_213 = tpu.memref_slice %arg5[%dma_start3A_212] : memref<4608xi32, #tpu.memory_space<vmem>> -> memref<512xi32, #tpu.memory_space<vmem>>
    %dma_start3A_214 = arith.constant 280000 : i32
    %dma_start3A_215 = tpu.memref_slice %arg3[%dma_start3A_214] : memref<360000xf32, #tpu.memory_space<hbm>> -> memref<40000xf32, #tpu.memory_space<hbm>>
    %dma_start3A_216 = arith.constant 0 : i32
    %dma_start3A_217 = tpu.memref_slice %dma_start3A_215[%dma_start3A_216] : memref<40000xf32, #tpu.memory_space<hbm>> -> memref<40000xf32, #tpu.memory_space<hbm>>
    tpu.enqueue_indirect_dma source(%dma_start3A_217 : memref<40000xf32, #tpu.memory_space<hbm>>) target(%dma_start3A_211 : memref<512xf32, #tpu.memory_space<vmem>>) offsets(%dma_start3A_213 : memref<512xi32, #tpu.memory_space<vmem>>) semaphore(%arg9 : memref<!tpu.dma_semaphore, #tpu.memory_space<semaphore_mem>>)
    %dma_wait3A_218 = arith.constant 25 : i32
    %dma_wait3A_219 = arith.constant 4096 : i32
    %dma_wait3A_220 = tpu.memref_slice %arg5[%dma_wait3A_219] : memref<4608xi32, #tpu.memory_space<vmem>> -> memref<512xi32, #tpu.memory_space<vmem>>
    %dma_wait3A_221 = tpu.memref_slice %arg2[%dma_wait3A_218, %mul3A_2] : memref<26x16384xi32, #tpu.memory_space<hbm>> -> memref<1x512xi32, #tpu.memory_space<hbm>>
    %dma_wait3A_222 = tpu.memref_squeeze %dma_wait3A_221 : memref<1x512xi32, #tpu.memory_space<hbm>> -> memref<512xi32, #tpu.memory_space<hbm>>
    %dma_wait3A_223 = arith.constant 4096 : i32
    %dma_wait3A_224 = tpu.memref_slice %arg5[%dma_wait3A_223] : memref<4608xi32, #tpu.memory_space<vmem>> -> memref<512xi32, #tpu.memory_space<vmem>>
    %dma_wait3A_225 = tpu.memref_slice %arg2[%dma_wait3A_218, %mul3A_2] : memref<26x16384xi32, #tpu.memory_space<hbm>> -> memref<1x512xi32, #tpu.memory_space<hbm>>
    %dma_wait3A_226 = tpu.memref_squeeze %dma_wait3A_225 : memref<1x512xi32, #tpu.memory_space<hbm>> -> memref<512xi32, #tpu.memory_space<hbm>>
    tpu.wait_dma2 semaphore(%arg8 : memref<!tpu.dma_semaphore, #tpu.memory_space<semaphore_mem>>) src(%dma_wait3A_226 : memref<512xi32, #tpu.memory_space<hbm>>) dst(%dma_wait3A_224 : memref<512xi32, #tpu.memory_space<vmem>>)
    %dma_start3A_227 = arith.constant 4096 : i32
    %dma_start3A_228 = tpu.memref_slice %arg6[%dma_start3A_227] : memref<4608xf32, #tpu.memory_space<vmem>> -> memref<512xf32, #tpu.memory_space<vmem>>
    %dma_start3A_229 = arith.constant 4096 : i32
    %dma_start3A_230 = tpu.memref_slice %arg5[%dma_start3A_229] : memref<4608xi32, #tpu.memory_space<vmem>> -> memref<512xi32, #tpu.memory_space<vmem>>
    %dma_start3A_231 = arith.constant 320000 : i32
    %dma_start3A_232 = tpu.memref_slice %arg3[%dma_start3A_231] : memref<360000xf32, #tpu.memory_space<hbm>> -> memref<40000xf32, #tpu.memory_space<hbm>>
    %dma_start3A_233 = arith.constant 0 : i32
    %dma_start3A_234 = tpu.memref_slice %dma_start3A_232[%dma_start3A_233] : memref<40000xf32, #tpu.memory_space<hbm>> -> memref<40000xf32, #tpu.memory_space<hbm>>
    tpu.enqueue_indirect_dma source(%dma_start3A_234 : memref<40000xf32, #tpu.memory_space<hbm>>) target(%dma_start3A_228 : memref<512xf32, #tpu.memory_space<vmem>>) offsets(%dma_start3A_230 : memref<512xi32, #tpu.memory_space<vmem>>) semaphore(%arg9 : memref<!tpu.dma_semaphore, #tpu.memory_space<semaphore_mem>>)
    %dma_wait3A_235 = arith.constant 0 : i32
    %dma_wait3A_236 = tpu.memref_slice %arg6[%dma_wait3A_235] : memref<4608xf32, #tpu.memory_space<vmem>> -> memref<512xf32, #tpu.memory_space<vmem>>
    %dma_wait3A_237 = arith.constant 0 : i32
    %dma_wait3A_238 = tpu.memref_slice %arg5[%dma_wait3A_237] : memref<4608xi32, #tpu.memory_space<vmem>> -> memref<512xi32, #tpu.memory_space<vmem>>
    %dma_wait3A_239 = arith.constant 0 : i32
    %dma_wait3A_240 = tpu.memref_slice %arg3[%dma_wait3A_239] : memref<360000xf32, #tpu.memory_space<hbm>> -> memref<40000xf32, #tpu.memory_space<hbm>>
    %dma_wait3A_241 = arith.constant 0 : i32
    %dma_wait3A_242 = tpu.memref_slice %dma_wait3A_240[%dma_wait3A_241] : memref<40000xf32, #tpu.memory_space<hbm>> -> memref<40000xf32, #tpu.memory_space<hbm>>
    tpu.wait_indirect_dma semaphore(%arg9 : memref<!tpu.dma_semaphore, #tpu.memory_space<semaphore_mem>>) src(%dma_wait3A_242 : memref<40000xf32, #tpu.memory_space<hbm>>) dst(%dma_wait3A_236 : memref<512xf32, #tpu.memory_space<vmem>>)
    %dma_wait3A_243 = arith.constant 512 : i32
    %dma_wait3A_244 = tpu.memref_slice %arg6[%dma_wait3A_243] : memref<4608xf32, #tpu.memory_space<vmem>> -> memref<512xf32, #tpu.memory_space<vmem>>
    %dma_wait3A_245 = arith.constant 512 : i32
    %dma_wait3A_246 = tpu.memref_slice %arg5[%dma_wait3A_245] : memref<4608xi32, #tpu.memory_space<vmem>> -> memref<512xi32, #tpu.memory_space<vmem>>
    %dma_wait3A_247 = arith.constant 40000 : i32
    %dma_wait3A_248 = tpu.memref_slice %arg3[%dma_wait3A_247] : memref<360000xf32, #tpu.memory_space<hbm>> -> memref<40000xf32, #tpu.memory_space<hbm>>
    %dma_wait3A_249 = arith.constant 0 : i32
    %dma_wait3A_250 = tpu.memref_slice %dma_wait3A_248[%dma_wait3A_249] : memref<40000xf32, #tpu.memory_space<hbm>> -> memref<40000xf32, #tpu.memory_space<hbm>>
    tpu.wait_indirect_dma semaphore(%arg9 : memref<!tpu.dma_semaphore, #tpu.memory_space<semaphore_mem>>) src(%dma_wait3A_250 : memref<40000xf32, #tpu.memory_space<hbm>>) dst(%dma_wait3A_244 : memref<512xf32, #tpu.memory_space<vmem>>)
    %dma_wait3A_251 = arith.constant 1024 : i32
    %dma_wait3A_252 = tpu.memref_slice %arg6[%dma_wait3A_251] : memref<4608xf32, #tpu.memory_space<vmem>> -> memref<512xf32, #tpu.memory_space<vmem>>
    %dma_wait3A_253 = arith.constant 1024 : i32
    %dma_wait3A_254 = tpu.memref_slice %arg5[%dma_wait3A_253] : memref<4608xi32, #tpu.memory_space<vmem>> -> memref<512xi32, #tpu.memory_space<vmem>>
    %dma_wait3A_255 = arith.constant 80000 : i32
    %dma_wait3A_256 = tpu.memref_slice %arg3[%dma_wait3A_255] : memref<360000xf32, #tpu.memory_space<hbm>> -> memref<40000xf32, #tpu.memory_space<hbm>>
    %dma_wait3A_257 = arith.constant 0 : i32
    %dma_wait3A_258 = tpu.memref_slice %dma_wait3A_256[%dma_wait3A_257] : memref<40000xf32, #tpu.memory_space<hbm>> -> memref<40000xf32, #tpu.memory_space<hbm>>
    tpu.wait_indirect_dma semaphore(%arg9 : memref<!tpu.dma_semaphore, #tpu.memory_space<semaphore_mem>>) src(%dma_wait3A_258 : memref<40000xf32, #tpu.memory_space<hbm>>) dst(%dma_wait3A_252 : memref<512xf32, #tpu.memory_space<vmem>>)
    %dma_wait3A_259 = arith.constant 1536 : i32
    %dma_wait3A_260 = tpu.memref_slice %arg6[%dma_wait3A_259] : memref<4608xf32, #tpu.memory_space<vmem>> -> memref<512xf32, #tpu.memory_space<vmem>>
    %dma_wait3A_261 = arith.constant 1536 : i32
    %dma_wait3A_262 = tpu.memref_slice %arg5[%dma_wait3A_261] : memref<4608xi32, #tpu.memory_space<vmem>> -> memref<512xi32, #tpu.memory_space<vmem>>
    %dma_wait3A_263 = arith.constant 120000 : i32
    %dma_wait3A_264 = tpu.memref_slice %arg3[%dma_wait3A_263] : memref<360000xf32, #tpu.memory_space<hbm>> -> memref<40000xf32, #tpu.memory_space<hbm>>
    %dma_wait3A_265 = arith.constant 0 : i32
    %dma_wait3A_266 = tpu.memref_slice %dma_wait3A_264[%dma_wait3A_265] : memref<40000xf32, #tpu.memory_space<hbm>> -> memref<40000xf32, #tpu.memory_space<hbm>>
    tpu.wait_indirect_dma semaphore(%arg9 : memref<!tpu.dma_semaphore, #tpu.memory_space<semaphore_mem>>) src(%dma_wait3A_266 : memref<40000xf32, #tpu.memory_space<hbm>>) dst(%dma_wait3A_260 : memref<512xf32, #tpu.memory_space<vmem>>)
    %dma_wait3A_267 = arith.constant 2048 : i32
    %dma_wait3A_268 = tpu.memref_slice %arg6[%dma_wait3A_267] : memref<4608xf32, #tpu.memory_space<vmem>> -> memref<512xf32, #tpu.memory_space<vmem>>
    %dma_wait3A_269 = arith.constant 2048 : i32
    %dma_wait3A_270 = tpu.memref_slice %arg5[%dma_wait3A_269] : memref<4608xi32, #tpu.memory_space<vmem>> -> memref<512xi32, #tpu.memory_space<vmem>>
    %dma_wait3A_271 = arith.constant 160000 : i32
    %dma_wait3A_272 = tpu.memref_slice %arg3[%dma_wait3A_271] : memref<360000xf32, #tpu.memory_space<hbm>> -> memref<40000xf32, #tpu.memory_space<hbm>>
    %dma_wait3A_273 = arith.constant 0 : i32
    %dma_wait3A_274 = tpu.memref_slice %dma_wait3A_272[%dma_wait3A_273] : memref<40000xf32, #tpu.memory_space<hbm>> -> memref<40000xf32, #tpu.memory_space<hbm>>
    tpu.wait_indirect_dma semaphore(%arg9 : memref<!tpu.dma_semaphore, #tpu.memory_space<semaphore_mem>>) src(%dma_wait3A_274 : memref<40000xf32, #tpu.memory_space<hbm>>) dst(%dma_wait3A_268 : memref<512xf32, #tpu.memory_space<vmem>>)
    %dma_wait3A_275 = arith.constant 2560 : i32
    %dma_wait3A_276 = tpu.memref_slice %arg6[%dma_wait3A_275] : memref<4608xf32, #tpu.memory_space<vmem>> -> memref<512xf32, #tpu.memory_space<vmem>>
    %dma_wait3A_277 = arith.constant 2560 : i32
    %dma_wait3A_278 = tpu.memref_slice %arg5[%dma_wait3A_277] : memref<4608xi32, #tpu.memory_space<vmem>> -> memref<512xi32, #tpu.memory_space<vmem>>
    %dma_wait3A_279 = arith.constant 200000 : i32
    %dma_wait3A_280 = tpu.memref_slice %arg3[%dma_wait3A_279] : memref<360000xf32, #tpu.memory_space<hbm>> -> memref<40000xf32, #tpu.memory_space<hbm>>
    %dma_wait3A_281 = arith.constant 0 : i32
    %dma_wait3A_282 = tpu.memref_slice %dma_wait3A_280[%dma_wait3A_281] : memref<40000xf32, #tpu.memory_space<hbm>> -> memref<40000xf32, #tpu.memory_space<hbm>>
    tpu.wait_indirect_dma semaphore(%arg9 : memref<!tpu.dma_semaphore, #tpu.memory_space<semaphore_mem>>) src(%dma_wait3A_282 : memref<40000xf32, #tpu.memory_space<hbm>>) dst(%dma_wait3A_276 : memref<512xf32, #tpu.memory_space<vmem>>)
    %dma_wait3A_283 = arith.constant 3072 : i32
    %dma_wait3A_284 = tpu.memref_slice %arg6[%dma_wait3A_283] : memref<4608xf32, #tpu.memory_space<vmem>> -> memref<512xf32, #tpu.memory_space<vmem>>
    %dma_wait3A_285 = arith.constant 3072 : i32
    %dma_wait3A_286 = tpu.memref_slice %arg5[%dma_wait3A_285] : memref<4608xi32, #tpu.memory_space<vmem>> -> memref<512xi32, #tpu.memory_space<vmem>>
    %dma_wait3A_287 = arith.constant 240000 : i32
    %dma_wait3A_288 = tpu.memref_slice %arg3[%dma_wait3A_287] : memref<360000xf32, #tpu.memory_space<hbm>> -> memref<40000xf32, #tpu.memory_space<hbm>>
    %dma_wait3A_289 = arith.constant 0 : i32
    %dma_wait3A_290 = tpu.memref_slice %dma_wait3A_288[%dma_wait3A_289] : memref<40000xf32, #tpu.memory_space<hbm>> -> memref<40000xf32, #tpu.memory_space<hbm>>
    tpu.wait_indirect_dma semaphore(%arg9 : memref<!tpu.dma_semaphore, #tpu.memory_space<semaphore_mem>>) src(%dma_wait3A_290 : memref<40000xf32, #tpu.memory_space<hbm>>) dst(%dma_wait3A_284 : memref<512xf32, #tpu.memory_space<vmem>>)
    %dma_wait3A_291 = arith.constant 3584 : i32
    %dma_wait3A_292 = tpu.memref_slice %arg6[%dma_wait3A_291] : memref<4608xf32, #tpu.memory_space<vmem>> -> memref<512xf32, #tpu.memory_space<vmem>>
    %dma_wait3A_293 = arith.constant 3584 : i32
    %dma_wait3A_294 = tpu.memref_slice %arg5[%dma_wait3A_293] : memref<4608xi32, #tpu.memory_space<vmem>> -> memref<512xi32, #tpu.memory_space<vmem>>
    %dma_wait3A_295 = arith.constant 280000 : i32
    %dma_wait3A_296 = tpu.memref_slice %arg3[%dma_wait3A_295] : memref<360000xf32, #tpu.memory_space<hbm>> -> memref<40000xf32, #tpu.memory_space<hbm>>
    %dma_wait3A_297 = arith.constant 0 : i32
    %dma_wait3A_298 = tpu.memref_slice %dma_wait3A_296[%dma_wait3A_297] : memref<40000xf32, #tpu.memory_space<hbm>> -> memref<40000xf32, #tpu.memory_space<hbm>>
    tpu.wait_indirect_dma semaphore(%arg9 : memref<!tpu.dma_semaphore, #tpu.memory_space<semaphore_mem>>) src(%dma_wait3A_298 : memref<40000xf32, #tpu.memory_space<hbm>>) dst(%dma_wait3A_292 : memref<512xf32, #tpu.memory_space<vmem>>)
    %dma_wait3A_299 = arith.constant 4096 : i32
    %dma_wait3A_300 = tpu.memref_slice %arg6[%dma_wait3A_299] : memref<4608xf32, #tpu.memory_space<vmem>> -> memref<512xf32, #tpu.memory_space<vmem>>
    %dma_wait3A_301 = arith.constant 4096 : i32
    %dma_wait3A_302 = tpu.memref_slice %arg5[%dma_wait3A_301] : memref<4608xi32, #tpu.memory_space<vmem>> -> memref<512xi32, #tpu.memory_space<vmem>>
    %dma_wait3A_303 = arith.constant 320000 : i32
    %dma_wait3A_304 = tpu.memref_slice %arg3[%dma_wait3A_303] : memref<360000xf32, #tpu.memory_space<hbm>> -> memref<40000xf32, #tpu.memory_space<hbm>>
    %dma_wait3A_305 = arith.constant 0 : i32
    %dma_wait3A_306 = tpu.memref_slice %dma_wait3A_304[%dma_wait3A_305] : memref<40000xf32, #tpu.memory_space<hbm>> -> memref<40000xf32, #tpu.memory_space<hbm>>
    tpu.wait_indirect_dma semaphore(%arg9 : memref<!tpu.dma_semaphore, #tpu.memory_space<semaphore_mem>>) src(%dma_wait3A_306 : memref<40000xf32, #tpu.memory_space<hbm>>) dst(%dma_wait3A_300 : memref<512xf32, #tpu.memory_space<vmem>>)
    %scan3A = arith.constant 0 : i32
    %scan3A_307 = arith.constant 0 : i32
    %scan3A_308 = arith.constant 32 : i32
    %scan3A_309 = arith.addi %scan3A_307, %scan3A_308 : i32
    %scan3A_310 = arith.constant 1 : i32
    %scan3A_311 = scf.for %scan3A_313 = %scan3A_307 to %scan3A_309 step %scan3A_310 iter_args(%scan3A_314 = %scan3A) -> (i32)  : i32 {
      %mul3A_315 = arith.constant 16 : i32
      %mul3A_316 = arith.muli %scan3A_313, %mul3A_315 : i32
      %get3A = arith.index_cast %mul3A_316 : i32 to index
      %get3A_317 = tpu.vector_load %arg6[%get3A] {strides = array<i32>} : memref<4608xf32, #tpu.memory_space<vmem>>, vector<16xf32>,
      %get3A_318 = vector.shape_cast %get3A_317 : vector<16xf32> to vector<16xf32>
      %mul3A_319 = arith.constant 16 : i32
      %mul3A_320 = arith.muli %scan3A_313, %mul3A_319 : i32
      %add3A_321 = arith.constant 512 : i32
      %add3A_322 = arith.addi %add3A_321, %mul3A_320 : i32
      %get3A_323 = arith.index_cast %add3A_322 : i32 to index
      %get3A_324 = tpu.vector_load %arg6[%get3A_323] {strides = array<i32>} : memref<4608xf32, #tpu.memory_space<vmem>>, vector<16xf32>,
      %get3A_325 = vector.shape_cast %get3A_324 : vector<16xf32> to vector<16xf32>
      %add3A_326 = arith.addf %get3A_318, %get3A_325 : vector<16xf32>
      %mul3A_327 = arith.constant 16 : i32
      %mul3A_328 = arith.muli %scan3A_313, %mul3A_327 : i32
      %add3A_329 = arith.constant 1024 : i32
      %add3A_330 = arith.addi %add3A_329, %mul3A_328 : i32
      %get3A_331 = arith.index_cast %add3A_330 : i32 to index
      %get3A_332 = tpu.vector_load %arg6[%get3A_331] {strides = array<i32>} : memref<4608xf32, #tpu.memory_space<vmem>>, vector<16xf32>,
      %get3A_333 = vector.shape_cast %get3A_332 : vector<16xf32> to vector<16xf32>
      %add3A_334 = arith.addf %add3A_326, %get3A_333 : vector<16xf32>
      %mul3A_335 = arith.constant 16 : i32
      %mul3A_336 = arith.muli %scan3A_313, %mul3A_335 : i32
      %add3A_337 = arith.constant 1536 : i32
      %add3A_338 = arith.addi %add3A_337, %mul3A_336 : i32
      %get3A_339 = arith.index_cast %add3A_338 : i32 to index
      %get3A_340 = tpu.vector_load %arg6[%get3A_339] {strides = array<i32>} : memref<4608xf32, #tpu.memory_space<vmem>>, vector<16xf32>,
      %get3A_341 = vector.shape_cast %get3A_340 : vector<16xf32> to vector<16xf32>
      %add3A_342 = arith.addf %add3A_334, %get3A_341 : vector<16xf32>
      %mul3A_343 = arith.constant 16 : i32
      %mul3A_344 = arith.muli %scan3A_313, %mul3A_343 : i32
      %add3A_345 = arith.constant 2048 : i32
      %add3A_346 = arith.addi %add3A_345, %mul3A_344 : i32
      %get3A_347 = arith.index_cast %add3A_346 : i32 to index
      %get3A_348 = tpu.vector_load %arg6[%get3A_347] {strides = array<i32>} : memref<4608xf32, #tpu.memory_space<vmem>>, vector<16xf32>,
      %get3A_349 = vector.shape_cast %get3A_348 : vector<16xf32> to vector<16xf32>
      %add3A_350 = arith.addf %add3A_342, %get3A_349 : vector<16xf32>
      %mul3A_351 = arith.constant 16 : i32
      %mul3A_352 = arith.muli %scan3A_313, %mul3A_351 : i32
      %add3A_353 = arith.constant 2560 : i32
      %add3A_354 = arith.addi %add3A_353, %mul3A_352 : i32
      %get3A_355 = arith.index_cast %add3A_354 : i32 to index
      %get3A_356 = tpu.vector_load %arg6[%get3A_355] {strides = array<i32>} : memref<4608xf32, #tpu.memory_space<vmem>>, vector<16xf32>,
      %get3A_357 = vector.shape_cast %get3A_356 : vector<16xf32> to vector<16xf32>
      %add3A_358 = arith.addf %add3A_350, %get3A_357 : vector<16xf32>
      %mul3A_359 = arith.constant 16 : i32
      %mul3A_360 = arith.muli %scan3A_313, %mul3A_359 : i32
      %add3A_361 = arith.constant 3072 : i32
      %add3A_362 = arith.addi %add3A_361, %mul3A_360 : i32
      %get3A_363 = arith.index_cast %add3A_362 : i32 to index
      %get3A_364 = tpu.vector_load %arg6[%get3A_363] {strides = array<i32>} : memref<4608xf32, #tpu.memory_space<vmem>>, vector<16xf32>,
      %get3A_365 = vector.shape_cast %get3A_364 : vector<16xf32> to vector<16xf32>
      %add3A_366 = arith.addf %add3A_358, %get3A_365 : vector<16xf32>
      %mul3A_367 = arith.constant 16 : i32
      %mul3A_368 = arith.muli %scan3A_313, %mul3A_367 : i32
      %add3A_369 = arith.constant 3584 : i32
      %add3A_370 = arith.addi %add3A_369, %mul3A_368 : i32
      %get3A_371 = arith.index_cast %add3A_370 : i32 to index
      %get3A_372 = tpu.vector_load %arg6[%get3A_371] {strides = array<i32>} : memref<4608xf32, #tpu.memory_space<vmem>>, vector<16xf32>,
      %get3A_373 = vector.shape_cast %get3A_372 : vector<16xf32> to vector<16xf32>
      %add3A_374 = arith.addf %add3A_366, %get3A_373 : vector<16xf32>
      %mul3A_375 = arith.constant 16 : i32
      %mul3A_376 = arith.muli %scan3A_313, %mul3A_375 : i32
      %add3A_377 = arith.constant 4096 : i32
      %add3A_378 = arith.addi %add3A_377, %mul3A_376 : i32
      %get3A_379 = arith.index_cast %add3A_378 : i32 to index
      %get3A_380 = tpu.vector_load %arg6[%get3A_379] {strides = array<i32>} : memref<4608xf32, #tpu.memory_space<vmem>>, vector<16xf32>,
      %get3A_381 = vector.shape_cast %get3A_380 : vector<16xf32> to vector<16xf32>
      %add3A_382 = arith.addf %add3A_374, %get3A_381 : vector<16xf32>
      %mul3A_383 = arith.constant 16 : i32
      %mul3A_384 = arith.muli %scan3A_313, %mul3A_383 : i32
      %swap3A = arith.index_cast %mul3A_384 : i32 to index
      %swap3A_385 = tpu.vector_load %arg7[%swap3A] {strides = array<i32>} : memref<512xf32, #tpu.memory_space<vmem>>, vector<16xf32>,
      %swap3A_386 = vector.shape_cast %swap3A_385 : vector<16xf32> to vector<16xf32>
      %swap3A_387 = vector.shape_cast %add3A_382 : vector<16xf32> to vector<16xf32>
      tpu.vector_store %arg7[%swap3A], %swap3A_387 {strides = array<i32>} : memref<512xf32, #tpu.memory_space<vmem>>, vector<16xf32>,
      %scan3A_388 = arith.constant 0 : i32
      scf.yield %scan3A_388 : i32
    }
    %scan3A_312 = arith.constant 32 : i32
    "tpu.region"() ({
      %run_scoped3A = tpu.sem_alloc : memref<!tpu.dma_semaphore, #tpu.memory_space<semaphore_mem>>
      %dma_start3A_313 = tpu.memref_slice %arg4[%mul3A_2] : memref<16384xf32, #tpu.memory_space<hbm>> -> memref<512xf32, #tpu.memory_space<hbm>>
      %dma_start3A_314 = tpu.memref_slice %arg4[%mul3A_2] : memref<16384xf32, #tpu.memory_space<hbm>> -> memref<512xf32, #tpu.memory_space<hbm>>
      tpu.enqueue_dma source(%arg7 : memref<512xf32, #tpu.memory_space<vmem>>) target(%dma_start3A_314 : memref<512xf32, #tpu.memory_space<hbm>>) target_semaphore(%run_scoped3A : memref<!tpu.dma_semaphore, #tpu.memory_space<semaphore_mem>>)
      %dma_wait3A_315 = tpu.memref_slice %arg4[%mul3A_2] : memref<16384xf32, #tpu.memory_space<hbm>> -> memref<512xf32, #tpu.memory_space<hbm>>
      %dma_wait3A_316 = tpu.memref_slice %arg4[%mul3A_2] : memref<16384xf32, #tpu.memory_space<hbm>> -> memref<512xf32, #tpu.memory_space<hbm>>
      tpu.wait_dma2 semaphore(%run_scoped3A : memref<!tpu.dma_semaphore, #tpu.memory_space<semaphore_mem>>) src(%arg7 : memref<512xf32, #tpu.memory_space<vmem>>) dst(%dma_wait3A_316 : memref<512xf32, #tpu.memory_space<hbm>>)
      tpu.yield
    }) : () -> ()
    return
  }
}

#map = affine_map<(d0, d1) -> (0, 0)>
#map1 = affine_map<(d0, d1) -> (0)>
module attributes {stable_mosaic.version = 14 : i64} {
  func.func @_sc_body(%arg0: i32, %arg1: i32, %arg2: memref<26x16384xi32, #tpu.memory_space<hbm>>, %arg3: memref<680000xf32, #tpu.memory_space<hbm>>, %arg4: memref<16384xf32, #tpu.memory_space<hbm>>, %arg5: memref<8704xi32, #tpu.memory_space<vmem>>, %arg6: memref<8704xf32, #tpu.memory_space<vmem>>, %arg7: memref<512xf32, #tpu.memory_space<vmem>>, %arg8: memref<!tpu.dma_semaphore, #tpu.memory_space<semaphore_mem>>, %arg9: memref<!tpu.dma_semaphore, #tpu.memory_space<semaphore_mem>>) attributes {dimension_semantics = [#tpu.dimension_semantics<core_parallel>, #tpu.dimension_semantics<subcore_parallel>], iteration_bounds = array<i64: 2, 16>, scalar_prefetch = 0 : i64, scratch_operands = 5 : i64, tpu.core_type = #tpu.core_type<sc_vector_subcore>, window_params = [{transform_indices = #map}, {transform_indices = #map1}, {transform_indices = #map1}]} {
    %mul3A = arith.constant 2 : i32
    %mul3A_0 = arith.muli %arg1, %mul3A : i32
    %add3A = arith.addi %mul3A_0, %arg0 : i32
    %mul3A_1 = arith.constant 512 : i32
    %mul3A_2 = arith.muli %add3A, %mul3A_1 : i32
    %dma_start3A = arith.constant 0 : i32
    %dma_start3A_3 = arith.constant 0 : i32
    %dma_start3A_4 = tpu.memref_slice %arg5[%dma_start3A_3] : memref<8704xi32, #tpu.memory_space<vmem>> -> memref<512xi32, #tpu.memory_space<vmem>>
    %dma_start3A_5 = tpu.memref_slice %arg2[%dma_start3A, %mul3A_2] : memref<26x16384xi32, #tpu.memory_space<hbm>> -> memref<1x512xi32, #tpu.memory_space<hbm>>
    %dma_start3A_6 = tpu.memref_squeeze %dma_start3A_5 : memref<1x512xi32, #tpu.memory_space<hbm>> -> memref<512xi32, #tpu.memory_space<hbm>>
    %dma_start3A_7 = arith.constant 0 : i32
    %dma_start3A_8 = tpu.memref_slice %arg5[%dma_start3A_7] : memref<8704xi32, #tpu.memory_space<vmem>> -> memref<512xi32, #tpu.memory_space<vmem>>
    %dma_start3A_9 = tpu.memref_slice %arg2[%dma_start3A, %mul3A_2] : memref<26x16384xi32, #tpu.memory_space<hbm>> -> memref<1x512xi32, #tpu.memory_space<hbm>>
    %dma_start3A_10 = tpu.memref_squeeze %dma_start3A_9 : memref<1x512xi32, #tpu.memory_space<hbm>> -> memref<512xi32, #tpu.memory_space<hbm>>
    tpu.enqueue_dma source(%dma_start3A_10 : memref<512xi32, #tpu.memory_space<hbm>>) target(%dma_start3A_8 : memref<512xi32, #tpu.memory_space<vmem>>) target_semaphore(%arg8 : memref<!tpu.dma_semaphore, #tpu.memory_space<semaphore_mem>>)
    %dma_start3A_11 = arith.constant 1 : i32
    %dma_start3A_12 = arith.constant 512 : i32
    %dma_start3A_13 = tpu.memref_slice %arg5[%dma_start3A_12] : memref<8704xi32, #tpu.memory_space<vmem>> -> memref<512xi32, #tpu.memory_space<vmem>>
    %dma_start3A_14 = tpu.memref_slice %arg2[%dma_start3A_11, %mul3A_2] : memref<26x16384xi32, #tpu.memory_space<hbm>> -> memref<1x512xi32, #tpu.memory_space<hbm>>
    %dma_start3A_15 = tpu.memref_squeeze %dma_start3A_14 : memref<1x512xi32, #tpu.memory_space<hbm>> -> memref<512xi32, #tpu.memory_space<hbm>>
    %dma_start3A_16 = arith.constant 512 : i32
    %dma_start3A_17 = tpu.memref_slice %arg5[%dma_start3A_16] : memref<8704xi32, #tpu.memory_space<vmem>> -> memref<512xi32, #tpu.memory_space<vmem>>
    %dma_start3A_18 = tpu.memref_slice %arg2[%dma_start3A_11, %mul3A_2] : memref<26x16384xi32, #tpu.memory_space<hbm>> -> memref<1x512xi32, #tpu.memory_space<hbm>>
    %dma_start3A_19 = tpu.memref_squeeze %dma_start3A_18 : memref<1x512xi32, #tpu.memory_space<hbm>> -> memref<512xi32, #tpu.memory_space<hbm>>
    tpu.enqueue_dma source(%dma_start3A_19 : memref<512xi32, #tpu.memory_space<hbm>>) target(%dma_start3A_17 : memref<512xi32, #tpu.memory_space<vmem>>) target_semaphore(%arg8 : memref<!tpu.dma_semaphore, #tpu.memory_space<semaphore_mem>>)
    %dma_start3A_20 = arith.constant 2 : i32
    %dma_start3A_21 = arith.constant 1024 : i32
    %dma_start3A_22 = tpu.memref_slice %arg5[%dma_start3A_21] : memref<8704xi32, #tpu.memory_space<vmem>> -> memref<512xi32, #tpu.memory_space<vmem>>
    %dma_start3A_23 = tpu.memref_slice %arg2[%dma_start3A_20, %mul3A_2] : memref<26x16384xi32, #tpu.memory_space<hbm>> -> memref<1x512xi32, #tpu.memory_space<hbm>>
    %dma_start3A_24 = tpu.memref_squeeze %dma_start3A_23 : memref<1x512xi32, #tpu.memory_space<hbm>> -> memref<512xi32, #tpu.memory_space<hbm>>
    %dma_start3A_25 = arith.constant 1024 : i32
    %dma_start3A_26 = tpu.memref_slice %arg5[%dma_start3A_25] : memref<8704xi32, #tpu.memory_space<vmem>> -> memref<512xi32, #tpu.memory_space<vmem>>
    %dma_start3A_27 = tpu.memref_slice %arg2[%dma_start3A_20, %mul3A_2] : memref<26x16384xi32, #tpu.memory_space<hbm>> -> memref<1x512xi32, #tpu.memory_space<hbm>>
    %dma_start3A_28 = tpu.memref_squeeze %dma_start3A_27 : memref<1x512xi32, #tpu.memory_space<hbm>> -> memref<512xi32, #tpu.memory_space<hbm>>
    tpu.enqueue_dma source(%dma_start3A_28 : memref<512xi32, #tpu.memory_space<hbm>>) target(%dma_start3A_26 : memref<512xi32, #tpu.memory_space<vmem>>) target_semaphore(%arg8 : memref<!tpu.dma_semaphore, #tpu.memory_space<semaphore_mem>>)
    %dma_start3A_29 = arith.constant 3 : i32
    %dma_start3A_30 = arith.constant 1536 : i32
    %dma_start3A_31 = tpu.memref_slice %arg5[%dma_start3A_30] : memref<8704xi32, #tpu.memory_space<vmem>> -> memref<512xi32, #tpu.memory_space<vmem>>
    %dma_start3A_32 = tpu.memref_slice %arg2[%dma_start3A_29, %mul3A_2] : memref<26x16384xi32, #tpu.memory_space<hbm>> -> memref<1x512xi32, #tpu.memory_space<hbm>>
    %dma_start3A_33 = tpu.memref_squeeze %dma_start3A_32 : memref<1x512xi32, #tpu.memory_space<hbm>> -> memref<512xi32, #tpu.memory_space<hbm>>
    %dma_start3A_34 = arith.constant 1536 : i32
    %dma_start3A_35 = tpu.memref_slice %arg5[%dma_start3A_34] : memref<8704xi32, #tpu.memory_space<vmem>> -> memref<512xi32, #tpu.memory_space<vmem>>
    %dma_start3A_36 = tpu.memref_slice %arg2[%dma_start3A_29, %mul3A_2] : memref<26x16384xi32, #tpu.memory_space<hbm>> -> memref<1x512xi32, #tpu.memory_space<hbm>>
    %dma_start3A_37 = tpu.memref_squeeze %dma_start3A_36 : memref<1x512xi32, #tpu.memory_space<hbm>> -> memref<512xi32, #tpu.memory_space<hbm>>
    tpu.enqueue_dma source(%dma_start3A_37 : memref<512xi32, #tpu.memory_space<hbm>>) target(%dma_start3A_35 : memref<512xi32, #tpu.memory_space<vmem>>) target_semaphore(%arg8 : memref<!tpu.dma_semaphore, #tpu.memory_space<semaphore_mem>>)
    %dma_start3A_38 = arith.constant 4 : i32
    %dma_start3A_39 = arith.constant 2048 : i32
    %dma_start3A_40 = tpu.memref_slice %arg5[%dma_start3A_39] : memref<8704xi32, #tpu.memory_space<vmem>> -> memref<512xi32, #tpu.memory_space<vmem>>
    %dma_start3A_41 = tpu.memref_slice %arg2[%dma_start3A_38, %mul3A_2] : memref<26x16384xi32, #tpu.memory_space<hbm>> -> memref<1x512xi32, #tpu.memory_space<hbm>>
    %dma_start3A_42 = tpu.memref_squeeze %dma_start3A_41 : memref<1x512xi32, #tpu.memory_space<hbm>> -> memref<512xi32, #tpu.memory_space<hbm>>
    %dma_start3A_43 = arith.constant 2048 : i32
    %dma_start3A_44 = tpu.memref_slice %arg5[%dma_start3A_43] : memref<8704xi32, #tpu.memory_space<vmem>> -> memref<512xi32, #tpu.memory_space<vmem>>
    %dma_start3A_45 = tpu.memref_slice %arg2[%dma_start3A_38, %mul3A_2] : memref<26x16384xi32, #tpu.memory_space<hbm>> -> memref<1x512xi32, #tpu.memory_space<hbm>>
    %dma_start3A_46 = tpu.memref_squeeze %dma_start3A_45 : memref<1x512xi32, #tpu.memory_space<hbm>> -> memref<512xi32, #tpu.memory_space<hbm>>
    tpu.enqueue_dma source(%dma_start3A_46 : memref<512xi32, #tpu.memory_space<hbm>>) target(%dma_start3A_44 : memref<512xi32, #tpu.memory_space<vmem>>) target_semaphore(%arg8 : memref<!tpu.dma_semaphore, #tpu.memory_space<semaphore_mem>>)
    %dma_start3A_47 = arith.constant 5 : i32
    %dma_start3A_48 = arith.constant 2560 : i32
    %dma_start3A_49 = tpu.memref_slice %arg5[%dma_start3A_48] : memref<8704xi32, #tpu.memory_space<vmem>> -> memref<512xi32, #tpu.memory_space<vmem>>
    %dma_start3A_50 = tpu.memref_slice %arg2[%dma_start3A_47, %mul3A_2] : memref<26x16384xi32, #tpu.memory_space<hbm>> -> memref<1x512xi32, #tpu.memory_space<hbm>>
    %dma_start3A_51 = tpu.memref_squeeze %dma_start3A_50 : memref<1x512xi32, #tpu.memory_space<hbm>> -> memref<512xi32, #tpu.memory_space<hbm>>
    %dma_start3A_52 = arith.constant 2560 : i32
    %dma_start3A_53 = tpu.memref_slice %arg5[%dma_start3A_52] : memref<8704xi32, #tpu.memory_space<vmem>> -> memref<512xi32, #tpu.memory_space<vmem>>
    %dma_start3A_54 = tpu.memref_slice %arg2[%dma_start3A_47, %mul3A_2] : memref<26x16384xi32, #tpu.memory_space<hbm>> -> memref<1x512xi32, #tpu.memory_space<hbm>>
    %dma_start3A_55 = tpu.memref_squeeze %dma_start3A_54 : memref<1x512xi32, #tpu.memory_space<hbm>> -> memref<512xi32, #tpu.memory_space<hbm>>
    tpu.enqueue_dma source(%dma_start3A_55 : memref<512xi32, #tpu.memory_space<hbm>>) target(%dma_start3A_53 : memref<512xi32, #tpu.memory_space<vmem>>) target_semaphore(%arg8 : memref<!tpu.dma_semaphore, #tpu.memory_space<semaphore_mem>>)
    %dma_start3A_56 = arith.constant 6 : i32
    %dma_start3A_57 = arith.constant 3072 : i32
    %dma_start3A_58 = tpu.memref_slice %arg5[%dma_start3A_57] : memref<8704xi32, #tpu.memory_space<vmem>> -> memref<512xi32, #tpu.memory_space<vmem>>
    %dma_start3A_59 = tpu.memref_slice %arg2[%dma_start3A_56, %mul3A_2] : memref<26x16384xi32, #tpu.memory_space<hbm>> -> memref<1x512xi32, #tpu.memory_space<hbm>>
    %dma_start3A_60 = tpu.memref_squeeze %dma_start3A_59 : memref<1x512xi32, #tpu.memory_space<hbm>> -> memref<512xi32, #tpu.memory_space<hbm>>
    %dma_start3A_61 = arith.constant 3072 : i32
    %dma_start3A_62 = tpu.memref_slice %arg5[%dma_start3A_61] : memref<8704xi32, #tpu.memory_space<vmem>> -> memref<512xi32, #tpu.memory_space<vmem>>
    %dma_start3A_63 = tpu.memref_slice %arg2[%dma_start3A_56, %mul3A_2] : memref<26x16384xi32, #tpu.memory_space<hbm>> -> memref<1x512xi32, #tpu.memory_space<hbm>>
    %dma_start3A_64 = tpu.memref_squeeze %dma_start3A_63 : memref<1x512xi32, #tpu.memory_space<hbm>> -> memref<512xi32, #tpu.memory_space<hbm>>
    tpu.enqueue_dma source(%dma_start3A_64 : memref<512xi32, #tpu.memory_space<hbm>>) target(%dma_start3A_62 : memref<512xi32, #tpu.memory_space<vmem>>) target_semaphore(%arg8 : memref<!tpu.dma_semaphore, #tpu.memory_space<semaphore_mem>>)
    %dma_start3A_65 = arith.constant 7 : i32
    %dma_start3A_66 = arith.constant 3584 : i32
    %dma_start3A_67 = tpu.memref_slice %arg5[%dma_start3A_66] : memref<8704xi32, #tpu.memory_space<vmem>> -> memref<512xi32, #tpu.memory_space<vmem>>
    %dma_start3A_68 = tpu.memref_slice %arg2[%dma_start3A_65, %mul3A_2] : memref<26x16384xi32, #tpu.memory_space<hbm>> -> memref<1x512xi32, #tpu.memory_space<hbm>>
    %dma_start3A_69 = tpu.memref_squeeze %dma_start3A_68 : memref<1x512xi32, #tpu.memory_space<hbm>> -> memref<512xi32, #tpu.memory_space<hbm>>
    %dma_start3A_70 = arith.constant 3584 : i32
    %dma_start3A_71 = tpu.memref_slice %arg5[%dma_start3A_70] : memref<8704xi32, #tpu.memory_space<vmem>> -> memref<512xi32, #tpu.memory_space<vmem>>
    %dma_start3A_72 = tpu.memref_slice %arg2[%dma_start3A_65, %mul3A_2] : memref<26x16384xi32, #tpu.memory_space<hbm>> -> memref<1x512xi32, #tpu.memory_space<hbm>>
    %dma_start3A_73 = tpu.memref_squeeze %dma_start3A_72 : memref<1x512xi32, #tpu.memory_space<hbm>> -> memref<512xi32, #tpu.memory_space<hbm>>
    tpu.enqueue_dma source(%dma_start3A_73 : memref<512xi32, #tpu.memory_space<hbm>>) target(%dma_start3A_71 : memref<512xi32, #tpu.memory_space<vmem>>) target_semaphore(%arg8 : memref<!tpu.dma_semaphore, #tpu.memory_space<semaphore_mem>>)
    %dma_start3A_74 = arith.constant 8 : i32
    %dma_start3A_75 = arith.constant 4096 : i32
    %dma_start3A_76 = tpu.memref_slice %arg5[%dma_start3A_75] : memref<8704xi32, #tpu.memory_space<vmem>> -> memref<512xi32, #tpu.memory_space<vmem>>
    %dma_start3A_77 = tpu.memref_slice %arg2[%dma_start3A_74, %mul3A_2] : memref<26x16384xi32, #tpu.memory_space<hbm>> -> memref<1x512xi32, #tpu.memory_space<hbm>>
    %dma_start3A_78 = tpu.memref_squeeze %dma_start3A_77 : memref<1x512xi32, #tpu.memory_space<hbm>> -> memref<512xi32, #tpu.memory_space<hbm>>
    %dma_start3A_79 = arith.constant 4096 : i32
    %dma_start3A_80 = tpu.memref_slice %arg5[%dma_start3A_79] : memref<8704xi32, #tpu.memory_space<vmem>> -> memref<512xi32, #tpu.memory_space<vmem>>
    %dma_start3A_81 = tpu.memref_slice %arg2[%dma_start3A_74, %mul3A_2] : memref<26x16384xi32, #tpu.memory_space<hbm>> -> memref<1x512xi32, #tpu.memory_space<hbm>>
    %dma_start3A_82 = tpu.memref_squeeze %dma_start3A_81 : memref<1x512xi32, #tpu.memory_space<hbm>> -> memref<512xi32, #tpu.memory_space<hbm>>
    tpu.enqueue_dma source(%dma_start3A_82 : memref<512xi32, #tpu.memory_space<hbm>>) target(%dma_start3A_80 : memref<512xi32, #tpu.memory_space<vmem>>) target_semaphore(%arg8 : memref<!tpu.dma_semaphore, #tpu.memory_space<semaphore_mem>>)
    %dma_start3A_83 = arith.constant 9 : i32
    %dma_start3A_84 = arith.constant 4608 : i32
    %dma_start3A_85 = tpu.memref_slice %arg5[%dma_start3A_84] : memref<8704xi32, #tpu.memory_space<vmem>> -> memref<512xi32, #tpu.memory_space<vmem>>
    %dma_start3A_86 = tpu.memref_slice %arg2[%dma_start3A_83, %mul3A_2] : memref<26x16384xi32, #tpu.memory_space<hbm>> -> memref<1x512xi32, #tpu.memory_space<hbm>>
    %dma_start3A_87 = tpu.memref_squeeze %dma_start3A_86 : memref<1x512xi32, #tpu.memory_space<hbm>> -> memref<512xi32, #tpu.memory_space<hbm>>
    %dma_start3A_88 = arith.constant 4608 : i32
    %dma_start3A_89 = tpu.memref_slice %arg5[%dma_start3A_88] : memref<8704xi32, #tpu.memory_space<vmem>> -> memref<512xi32, #tpu.memory_space<vmem>>
    %dma_start3A_90 = tpu.memref_slice %arg2[%dma_start3A_83, %mul3A_2] : memref<26x16384xi32, #tpu.memory_space<hbm>> -> memref<1x512xi32, #tpu.memory_space<hbm>>
    %dma_start3A_91 = tpu.memref_squeeze %dma_start3A_90 : memref<1x512xi32, #tpu.memory_space<hbm>> -> memref<512xi32, #tpu.memory_space<hbm>>
    tpu.enqueue_dma source(%dma_start3A_91 : memref<512xi32, #tpu.memory_space<hbm>>) target(%dma_start3A_89 : memref<512xi32, #tpu.memory_space<vmem>>) target_semaphore(%arg8 : memref<!tpu.dma_semaphore, #tpu.memory_space<semaphore_mem>>)
    %dma_start3A_92 = arith.constant 10 : i32
    %dma_start3A_93 = arith.constant 5120 : i32
    %dma_start3A_94 = tpu.memref_slice %arg5[%dma_start3A_93] : memref<8704xi32, #tpu.memory_space<vmem>> -> memref<512xi32, #tpu.memory_space<vmem>>
    %dma_start3A_95 = tpu.memref_slice %arg2[%dma_start3A_92, %mul3A_2] : memref<26x16384xi32, #tpu.memory_space<hbm>> -> memref<1x512xi32, #tpu.memory_space<hbm>>
    %dma_start3A_96 = tpu.memref_squeeze %dma_start3A_95 : memref<1x512xi32, #tpu.memory_space<hbm>> -> memref<512xi32, #tpu.memory_space<hbm>>
    %dma_start3A_97 = arith.constant 5120 : i32
    %dma_start3A_98 = tpu.memref_slice %arg5[%dma_start3A_97] : memref<8704xi32, #tpu.memory_space<vmem>> -> memref<512xi32, #tpu.memory_space<vmem>>
    %dma_start3A_99 = tpu.memref_slice %arg2[%dma_start3A_92, %mul3A_2] : memref<26x16384xi32, #tpu.memory_space<hbm>> -> memref<1x512xi32, #tpu.memory_space<hbm>>
    %dma_start3A_100 = tpu.memref_squeeze %dma_start3A_99 : memref<1x512xi32, #tpu.memory_space<hbm>> -> memref<512xi32, #tpu.memory_space<hbm>>
    tpu.enqueue_dma source(%dma_start3A_100 : memref<512xi32, #tpu.memory_space<hbm>>) target(%dma_start3A_98 : memref<512xi32, #tpu.memory_space<vmem>>) target_semaphore(%arg8 : memref<!tpu.dma_semaphore, #tpu.memory_space<semaphore_mem>>)
    %dma_start3A_101 = arith.constant 11 : i32
    %dma_start3A_102 = arith.constant 5632 : i32
    %dma_start3A_103 = tpu.memref_slice %arg5[%dma_start3A_102] : memref<8704xi32, #tpu.memory_space<vmem>> -> memref<512xi32, #tpu.memory_space<vmem>>
    %dma_start3A_104 = tpu.memref_slice %arg2[%dma_start3A_101, %mul3A_2] : memref<26x16384xi32, #tpu.memory_space<hbm>> -> memref<1x512xi32, #tpu.memory_space<hbm>>
    %dma_start3A_105 = tpu.memref_squeeze %dma_start3A_104 : memref<1x512xi32, #tpu.memory_space<hbm>> -> memref<512xi32, #tpu.memory_space<hbm>>
    %dma_start3A_106 = arith.constant 5632 : i32
    %dma_start3A_107 = tpu.memref_slice %arg5[%dma_start3A_106] : memref<8704xi32, #tpu.memory_space<vmem>> -> memref<512xi32, #tpu.memory_space<vmem>>
    %dma_start3A_108 = tpu.memref_slice %arg2[%dma_start3A_101, %mul3A_2] : memref<26x16384xi32, #tpu.memory_space<hbm>> -> memref<1x512xi32, #tpu.memory_space<hbm>>
    %dma_start3A_109 = tpu.memref_squeeze %dma_start3A_108 : memref<1x512xi32, #tpu.memory_space<hbm>> -> memref<512xi32, #tpu.memory_space<hbm>>
    tpu.enqueue_dma source(%dma_start3A_109 : memref<512xi32, #tpu.memory_space<hbm>>) target(%dma_start3A_107 : memref<512xi32, #tpu.memory_space<vmem>>) target_semaphore(%arg8 : memref<!tpu.dma_semaphore, #tpu.memory_space<semaphore_mem>>)
    %dma_start3A_110 = arith.constant 12 : i32
    %dma_start3A_111 = arith.constant 6144 : i32
    %dma_start3A_112 = tpu.memref_slice %arg5[%dma_start3A_111] : memref<8704xi32, #tpu.memory_space<vmem>> -> memref<512xi32, #tpu.memory_space<vmem>>
    %dma_start3A_113 = tpu.memref_slice %arg2[%dma_start3A_110, %mul3A_2] : memref<26x16384xi32, #tpu.memory_space<hbm>> -> memref<1x512xi32, #tpu.memory_space<hbm>>
    %dma_start3A_114 = tpu.memref_squeeze %dma_start3A_113 : memref<1x512xi32, #tpu.memory_space<hbm>> -> memref<512xi32, #tpu.memory_space<hbm>>
    %dma_start3A_115 = arith.constant 6144 : i32
    %dma_start3A_116 = tpu.memref_slice %arg5[%dma_start3A_115] : memref<8704xi32, #tpu.memory_space<vmem>> -> memref<512xi32, #tpu.memory_space<vmem>>
    %dma_start3A_117 = tpu.memref_slice %arg2[%dma_start3A_110, %mul3A_2] : memref<26x16384xi32, #tpu.memory_space<hbm>> -> memref<1x512xi32, #tpu.memory_space<hbm>>
    %dma_start3A_118 = tpu.memref_squeeze %dma_start3A_117 : memref<1x512xi32, #tpu.memory_space<hbm>> -> memref<512xi32, #tpu.memory_space<hbm>>
    tpu.enqueue_dma source(%dma_start3A_118 : memref<512xi32, #tpu.memory_space<hbm>>) target(%dma_start3A_116 : memref<512xi32, #tpu.memory_space<vmem>>) target_semaphore(%arg8 : memref<!tpu.dma_semaphore, #tpu.memory_space<semaphore_mem>>)
    %dma_start3A_119 = arith.constant 13 : i32
    %dma_start3A_120 = arith.constant 6656 : i32
    %dma_start3A_121 = tpu.memref_slice %arg5[%dma_start3A_120] : memref<8704xi32, #tpu.memory_space<vmem>> -> memref<512xi32, #tpu.memory_space<vmem>>
    %dma_start3A_122 = tpu.memref_slice %arg2[%dma_start3A_119, %mul3A_2] : memref<26x16384xi32, #tpu.memory_space<hbm>> -> memref<1x512xi32, #tpu.memory_space<hbm>>
    %dma_start3A_123 = tpu.memref_squeeze %dma_start3A_122 : memref<1x512xi32, #tpu.memory_space<hbm>> -> memref<512xi32, #tpu.memory_space<hbm>>
    %dma_start3A_124 = arith.constant 6656 : i32
    %dma_start3A_125 = tpu.memref_slice %arg5[%dma_start3A_124] : memref<8704xi32, #tpu.memory_space<vmem>> -> memref<512xi32, #tpu.memory_space<vmem>>
    %dma_start3A_126 = tpu.memref_slice %arg2[%dma_start3A_119, %mul3A_2] : memref<26x16384xi32, #tpu.memory_space<hbm>> -> memref<1x512xi32, #tpu.memory_space<hbm>>
    %dma_start3A_127 = tpu.memref_squeeze %dma_start3A_126 : memref<1x512xi32, #tpu.memory_space<hbm>> -> memref<512xi32, #tpu.memory_space<hbm>>
    tpu.enqueue_dma source(%dma_start3A_127 : memref<512xi32, #tpu.memory_space<hbm>>) target(%dma_start3A_125 : memref<512xi32, #tpu.memory_space<vmem>>) target_semaphore(%arg8 : memref<!tpu.dma_semaphore, #tpu.memory_space<semaphore_mem>>)
    %dma_start3A_128 = arith.constant 14 : i32
    %dma_start3A_129 = arith.constant 7168 : i32
    %dma_start3A_130 = tpu.memref_slice %arg5[%dma_start3A_129] : memref<8704xi32, #tpu.memory_space<vmem>> -> memref<512xi32, #tpu.memory_space<vmem>>
    %dma_start3A_131 = tpu.memref_slice %arg2[%dma_start3A_128, %mul3A_2] : memref<26x16384xi32, #tpu.memory_space<hbm>> -> memref<1x512xi32, #tpu.memory_space<hbm>>
    %dma_start3A_132 = tpu.memref_squeeze %dma_start3A_131 : memref<1x512xi32, #tpu.memory_space<hbm>> -> memref<512xi32, #tpu.memory_space<hbm>>
    %dma_start3A_133 = arith.constant 7168 : i32
    %dma_start3A_134 = tpu.memref_slice %arg5[%dma_start3A_133] : memref<8704xi32, #tpu.memory_space<vmem>> -> memref<512xi32, #tpu.memory_space<vmem>>
    %dma_start3A_135 = tpu.memref_slice %arg2[%dma_start3A_128, %mul3A_2] : memref<26x16384xi32, #tpu.memory_space<hbm>> -> memref<1x512xi32, #tpu.memory_space<hbm>>
    %dma_start3A_136 = tpu.memref_squeeze %dma_start3A_135 : memref<1x512xi32, #tpu.memory_space<hbm>> -> memref<512xi32, #tpu.memory_space<hbm>>
    tpu.enqueue_dma source(%dma_start3A_136 : memref<512xi32, #tpu.memory_space<hbm>>) target(%dma_start3A_134 : memref<512xi32, #tpu.memory_space<vmem>>) target_semaphore(%arg8 : memref<!tpu.dma_semaphore, #tpu.memory_space<semaphore_mem>>)
    %dma_start3A_137 = arith.constant 15 : i32
    %dma_start3A_138 = arith.constant 7680 : i32
    %dma_start3A_139 = tpu.memref_slice %arg5[%dma_start3A_138] : memref<8704xi32, #tpu.memory_space<vmem>> -> memref<512xi32, #tpu.memory_space<vmem>>
    %dma_start3A_140 = tpu.memref_slice %arg2[%dma_start3A_137, %mul3A_2] : memref<26x16384xi32, #tpu.memory_space<hbm>> -> memref<1x512xi32, #tpu.memory_space<hbm>>
    %dma_start3A_141 = tpu.memref_squeeze %dma_start3A_140 : memref<1x512xi32, #tpu.memory_space<hbm>> -> memref<512xi32, #tpu.memory_space<hbm>>
    %dma_start3A_142 = arith.constant 7680 : i32
    %dma_start3A_143 = tpu.memref_slice %arg5[%dma_start3A_142] : memref<8704xi32, #tpu.memory_space<vmem>> -> memref<512xi32, #tpu.memory_space<vmem>>
    %dma_start3A_144 = tpu.memref_slice %arg2[%dma_start3A_137, %mul3A_2] : memref<26x16384xi32, #tpu.memory_space<hbm>> -> memref<1x512xi32, #tpu.memory_space<hbm>>
    %dma_start3A_145 = tpu.memref_squeeze %dma_start3A_144 : memref<1x512xi32, #tpu.memory_space<hbm>> -> memref<512xi32, #tpu.memory_space<hbm>>
    tpu.enqueue_dma source(%dma_start3A_145 : memref<512xi32, #tpu.memory_space<hbm>>) target(%dma_start3A_143 : memref<512xi32, #tpu.memory_space<vmem>>) target_semaphore(%arg8 : memref<!tpu.dma_semaphore, #tpu.memory_space<semaphore_mem>>)
    %dma_start3A_146 = arith.constant 16 : i32
    %dma_start3A_147 = arith.constant 8192 : i32
    %dma_start3A_148 = tpu.memref_slice %arg5[%dma_start3A_147] : memref<8704xi32, #tpu.memory_space<vmem>> -> memref<512xi32, #tpu.memory_space<vmem>>
    %dma_start3A_149 = tpu.memref_slice %arg2[%dma_start3A_146, %mul3A_2] : memref<26x16384xi32, #tpu.memory_space<hbm>> -> memref<1x512xi32, #tpu.memory_space<hbm>>
    %dma_start3A_150 = tpu.memref_squeeze %dma_start3A_149 : memref<1x512xi32, #tpu.memory_space<hbm>> -> memref<512xi32, #tpu.memory_space<hbm>>
    %dma_start3A_151 = arith.constant 8192 : i32
    %dma_start3A_152 = tpu.memref_slice %arg5[%dma_start3A_151] : memref<8704xi32, #tpu.memory_space<vmem>> -> memref<512xi32, #tpu.memory_space<vmem>>
    %dma_start3A_153 = tpu.memref_slice %arg2[%dma_start3A_146, %mul3A_2] : memref<26x16384xi32, #tpu.memory_space<hbm>> -> memref<1x512xi32, #tpu.memory_space<hbm>>
    %dma_start3A_154 = tpu.memref_squeeze %dma_start3A_153 : memref<1x512xi32, #tpu.memory_space<hbm>> -> memref<512xi32, #tpu.memory_space<hbm>>
    tpu.enqueue_dma source(%dma_start3A_154 : memref<512xi32, #tpu.memory_space<hbm>>) target(%dma_start3A_152 : memref<512xi32, #tpu.memory_space<vmem>>) target_semaphore(%arg8 : memref<!tpu.dma_semaphore, #tpu.memory_space<semaphore_mem>>)
    %dma_wait3A = arith.constant 0 : i32
    %dma_wait3A_155 = arith.constant 0 : i32
    %dma_wait3A_156 = tpu.memref_slice %arg5[%dma_wait3A_155] : memref<8704xi32, #tpu.memory_space<vmem>> -> memref<512xi32, #tpu.memory_space<vmem>>
    %dma_wait3A_157 = tpu.memref_slice %arg2[%dma_wait3A, %mul3A_2] : memref<26x16384xi32, #tpu.memory_space<hbm>> -> memref<1x512xi32, #tpu.memory_space<hbm>>
    %dma_wait3A_158 = tpu.memref_squeeze %dma_wait3A_157 : memref<1x512xi32, #tpu.memory_space<hbm>> -> memref<512xi32, #tpu.memory_space<hbm>>
    %dma_wait3A_159 = arith.constant 0 : i32
    %dma_wait3A_160 = tpu.memref_slice %arg5[%dma_wait3A_159] : memref<8704xi32, #tpu.memory_space<vmem>> -> memref<512xi32, #tpu.memory_space<vmem>>
    %dma_wait3A_161 = tpu.memref_slice %arg2[%dma_wait3A, %mul3A_2] : memref<26x16384xi32, #tpu.memory_space<hbm>> -> memref<1x512xi32, #tpu.memory_space<hbm>>
    %dma_wait3A_162 = tpu.memref_squeeze %dma_wait3A_161 : memref<1x512xi32, #tpu.memory_space<hbm>> -> memref<512xi32, #tpu.memory_space<hbm>>
    tpu.wait_dma2 semaphore(%arg8 : memref<!tpu.dma_semaphore, #tpu.memory_space<semaphore_mem>>) src(%dma_wait3A_162 : memref<512xi32, #tpu.memory_space<hbm>>) dst(%dma_wait3A_160 : memref<512xi32, #tpu.memory_space<vmem>>)
    %dma_start3A_163 = arith.constant 0 : i32
    %dma_start3A_164 = tpu.memref_slice %arg6[%dma_start3A_163] : memref<8704xf32, #tpu.memory_space<vmem>> -> memref<512xf32, #tpu.memory_space<vmem>>
    %dma_start3A_165 = arith.constant 0 : i32
    %dma_start3A_166 = tpu.memref_slice %arg5[%dma_start3A_165] : memref<8704xi32, #tpu.memory_space<vmem>> -> memref<512xi32, #tpu.memory_space<vmem>>
    %dma_start3A_167 = arith.constant 0 : i32
    %dma_start3A_168 = tpu.memref_slice %arg3[%dma_start3A_167] : memref<680000xf32, #tpu.memory_space<hbm>> -> memref<40000xf32, #tpu.memory_space<hbm>>
    %dma_start3A_169 = arith.constant 0 : i32
    %dma_start3A_170 = tpu.memref_slice %dma_start3A_168[%dma_start3A_169] : memref<40000xf32, #tpu.memory_space<hbm>> -> memref<40000xf32, #tpu.memory_space<hbm>>
    tpu.enqueue_indirect_dma source(%dma_start3A_170 : memref<40000xf32, #tpu.memory_space<hbm>>) target(%dma_start3A_164 : memref<512xf32, #tpu.memory_space<vmem>>) offsets(%dma_start3A_166 : memref<512xi32, #tpu.memory_space<vmem>>) semaphore(%arg9 : memref<!tpu.dma_semaphore, #tpu.memory_space<semaphore_mem>>)
    %dma_wait3A_171 = arith.constant 1 : i32
    %dma_wait3A_172 = arith.constant 512 : i32
    %dma_wait3A_173 = tpu.memref_slice %arg5[%dma_wait3A_172] : memref<8704xi32, #tpu.memory_space<vmem>> -> memref<512xi32, #tpu.memory_space<vmem>>
    %dma_wait3A_174 = tpu.memref_slice %arg2[%dma_wait3A_171, %mul3A_2] : memref<26x16384xi32, #tpu.memory_space<hbm>> -> memref<1x512xi32, #tpu.memory_space<hbm>>
    %dma_wait3A_175 = tpu.memref_squeeze %dma_wait3A_174 : memref<1x512xi32, #tpu.memory_space<hbm>> -> memref<512xi32, #tpu.memory_space<hbm>>
    %dma_wait3A_176 = arith.constant 512 : i32
    %dma_wait3A_177 = tpu.memref_slice %arg5[%dma_wait3A_176] : memref<8704xi32, #tpu.memory_space<vmem>> -> memref<512xi32, #tpu.memory_space<vmem>>
    %dma_wait3A_178 = tpu.memref_slice %arg2[%dma_wait3A_171, %mul3A_2] : memref<26x16384xi32, #tpu.memory_space<hbm>> -> memref<1x512xi32, #tpu.memory_space<hbm>>
    %dma_wait3A_179 = tpu.memref_squeeze %dma_wait3A_178 : memref<1x512xi32, #tpu.memory_space<hbm>> -> memref<512xi32, #tpu.memory_space<hbm>>
    tpu.wait_dma2 semaphore(%arg8 : memref<!tpu.dma_semaphore, #tpu.memory_space<semaphore_mem>>) src(%dma_wait3A_179 : memref<512xi32, #tpu.memory_space<hbm>>) dst(%dma_wait3A_177 : memref<512xi32, #tpu.memory_space<vmem>>)
    %dma_start3A_180 = arith.constant 512 : i32
    %dma_start3A_181 = tpu.memref_slice %arg6[%dma_start3A_180] : memref<8704xf32, #tpu.memory_space<vmem>> -> memref<512xf32, #tpu.memory_space<vmem>>
    %dma_start3A_182 = arith.constant 512 : i32
    %dma_start3A_183 = tpu.memref_slice %arg5[%dma_start3A_182] : memref<8704xi32, #tpu.memory_space<vmem>> -> memref<512xi32, #tpu.memory_space<vmem>>
    %dma_start3A_184 = arith.constant 40000 : i32
    %dma_start3A_185 = tpu.memref_slice %arg3[%dma_start3A_184] : memref<680000xf32, #tpu.memory_space<hbm>> -> memref<40000xf32, #tpu.memory_space<hbm>>
    %dma_start3A_186 = arith.constant 0 : i32
    %dma_start3A_187 = tpu.memref_slice %dma_start3A_185[%dma_start3A_186] : memref<40000xf32, #tpu.memory_space<hbm>> -> memref<40000xf32, #tpu.memory_space<hbm>>
    tpu.enqueue_indirect_dma source(%dma_start3A_187 : memref<40000xf32, #tpu.memory_space<hbm>>) target(%dma_start3A_181 : memref<512xf32, #tpu.memory_space<vmem>>) offsets(%dma_start3A_183 : memref<512xi32, #tpu.memory_space<vmem>>) semaphore(%arg9 : memref<!tpu.dma_semaphore, #tpu.memory_space<semaphore_mem>>)
    %dma_wait3A_188 = arith.constant 2 : i32
    %dma_wait3A_189 = arith.constant 1024 : i32
    %dma_wait3A_190 = tpu.memref_slice %arg5[%dma_wait3A_189] : memref<8704xi32, #tpu.memory_space<vmem>> -> memref<512xi32, #tpu.memory_space<vmem>>
    %dma_wait3A_191 = tpu.memref_slice %arg2[%dma_wait3A_188, %mul3A_2] : memref<26x16384xi32, #tpu.memory_space<hbm>> -> memref<1x512xi32, #tpu.memory_space<hbm>>
    %dma_wait3A_192 = tpu.memref_squeeze %dma_wait3A_191 : memref<1x512xi32, #tpu.memory_space<hbm>> -> memref<512xi32, #tpu.memory_space<hbm>>
    %dma_wait3A_193 = arith.constant 1024 : i32
    %dma_wait3A_194 = tpu.memref_slice %arg5[%dma_wait3A_193] : memref<8704xi32, #tpu.memory_space<vmem>> -> memref<512xi32, #tpu.memory_space<vmem>>
    %dma_wait3A_195 = tpu.memref_slice %arg2[%dma_wait3A_188, %mul3A_2] : memref<26x16384xi32, #tpu.memory_space<hbm>> -> memref<1x512xi32, #tpu.memory_space<hbm>>
    %dma_wait3A_196 = tpu.memref_squeeze %dma_wait3A_195 : memref<1x512xi32, #tpu.memory_space<hbm>> -> memref<512xi32, #tpu.memory_space<hbm>>
    tpu.wait_dma2 semaphore(%arg8 : memref<!tpu.dma_semaphore, #tpu.memory_space<semaphore_mem>>) src(%dma_wait3A_196 : memref<512xi32, #tpu.memory_space<hbm>>) dst(%dma_wait3A_194 : memref<512xi32, #tpu.memory_space<vmem>>)
    %dma_start3A_197 = arith.constant 1024 : i32
    %dma_start3A_198 = tpu.memref_slice %arg6[%dma_start3A_197] : memref<8704xf32, #tpu.memory_space<vmem>> -> memref<512xf32, #tpu.memory_space<vmem>>
    %dma_start3A_199 = arith.constant 1024 : i32
    %dma_start3A_200 = tpu.memref_slice %arg5[%dma_start3A_199] : memref<8704xi32, #tpu.memory_space<vmem>> -> memref<512xi32, #tpu.memory_space<vmem>>
    %dma_start3A_201 = arith.constant 80000 : i32
    %dma_start3A_202 = tpu.memref_slice %arg3[%dma_start3A_201] : memref<680000xf32, #tpu.memory_space<hbm>> -> memref<40000xf32, #tpu.memory_space<hbm>>
    %dma_start3A_203 = arith.constant 0 : i32
    %dma_start3A_204 = tpu.memref_slice %dma_start3A_202[%dma_start3A_203] : memref<40000xf32, #tpu.memory_space<hbm>> -> memref<40000xf32, #tpu.memory_space<hbm>>
    tpu.enqueue_indirect_dma source(%dma_start3A_204 : memref<40000xf32, #tpu.memory_space<hbm>>) target(%dma_start3A_198 : memref<512xf32, #tpu.memory_space<vmem>>) offsets(%dma_start3A_200 : memref<512xi32, #tpu.memory_space<vmem>>) semaphore(%arg9 : memref<!tpu.dma_semaphore, #tpu.memory_space<semaphore_mem>>)
    %dma_wait3A_205 = arith.constant 3 : i32
    %dma_wait3A_206 = arith.constant 1536 : i32
    %dma_wait3A_207 = tpu.memref_slice %arg5[%dma_wait3A_206] : memref<8704xi32, #tpu.memory_space<vmem>> -> memref<512xi32, #tpu.memory_space<vmem>>
    %dma_wait3A_208 = tpu.memref_slice %arg2[%dma_wait3A_205, %mul3A_2] : memref<26x16384xi32, #tpu.memory_space<hbm>> -> memref<1x512xi32, #tpu.memory_space<hbm>>
    %dma_wait3A_209 = tpu.memref_squeeze %dma_wait3A_208 : memref<1x512xi32, #tpu.memory_space<hbm>> -> memref<512xi32, #tpu.memory_space<hbm>>
    %dma_wait3A_210 = arith.constant 1536 : i32
    %dma_wait3A_211 = tpu.memref_slice %arg5[%dma_wait3A_210] : memref<8704xi32, #tpu.memory_space<vmem>> -> memref<512xi32, #tpu.memory_space<vmem>>
    %dma_wait3A_212 = tpu.memref_slice %arg2[%dma_wait3A_205, %mul3A_2] : memref<26x16384xi32, #tpu.memory_space<hbm>> -> memref<1x512xi32, #tpu.memory_space<hbm>>
    %dma_wait3A_213 = tpu.memref_squeeze %dma_wait3A_212 : memref<1x512xi32, #tpu.memory_space<hbm>> -> memref<512xi32, #tpu.memory_space<hbm>>
    tpu.wait_dma2 semaphore(%arg8 : memref<!tpu.dma_semaphore, #tpu.memory_space<semaphore_mem>>) src(%dma_wait3A_213 : memref<512xi32, #tpu.memory_space<hbm>>) dst(%dma_wait3A_211 : memref<512xi32, #tpu.memory_space<vmem>>)
    %dma_start3A_214 = arith.constant 1536 : i32
    %dma_start3A_215 = tpu.memref_slice %arg6[%dma_start3A_214] : memref<8704xf32, #tpu.memory_space<vmem>> -> memref<512xf32, #tpu.memory_space<vmem>>
    %dma_start3A_216 = arith.constant 1536 : i32
    %dma_start3A_217 = tpu.memref_slice %arg5[%dma_start3A_216] : memref<8704xi32, #tpu.memory_space<vmem>> -> memref<512xi32, #tpu.memory_space<vmem>>
    %dma_start3A_218 = arith.constant 120000 : i32
    %dma_start3A_219 = tpu.memref_slice %arg3[%dma_start3A_218] : memref<680000xf32, #tpu.memory_space<hbm>> -> memref<40000xf32, #tpu.memory_space<hbm>>
    %dma_start3A_220 = arith.constant 0 : i32
    %dma_start3A_221 = tpu.memref_slice %dma_start3A_219[%dma_start3A_220] : memref<40000xf32, #tpu.memory_space<hbm>> -> memref<40000xf32, #tpu.memory_space<hbm>>
    tpu.enqueue_indirect_dma source(%dma_start3A_221 : memref<40000xf32, #tpu.memory_space<hbm>>) target(%dma_start3A_215 : memref<512xf32, #tpu.memory_space<vmem>>) offsets(%dma_start3A_217 : memref<512xi32, #tpu.memory_space<vmem>>) semaphore(%arg9 : memref<!tpu.dma_semaphore, #tpu.memory_space<semaphore_mem>>)
    %dma_wait3A_222 = arith.constant 4 : i32
    %dma_wait3A_223 = arith.constant 2048 : i32
    %dma_wait3A_224 = tpu.memref_slice %arg5[%dma_wait3A_223] : memref<8704xi32, #tpu.memory_space<vmem>> -> memref<512xi32, #tpu.memory_space<vmem>>
    %dma_wait3A_225 = tpu.memref_slice %arg2[%dma_wait3A_222, %mul3A_2] : memref<26x16384xi32, #tpu.memory_space<hbm>> -> memref<1x512xi32, #tpu.memory_space<hbm>>
    %dma_wait3A_226 = tpu.memref_squeeze %dma_wait3A_225 : memref<1x512xi32, #tpu.memory_space<hbm>> -> memref<512xi32, #tpu.memory_space<hbm>>
    %dma_wait3A_227 = arith.constant 2048 : i32
    %dma_wait3A_228 = tpu.memref_slice %arg5[%dma_wait3A_227] : memref<8704xi32, #tpu.memory_space<vmem>> -> memref<512xi32, #tpu.memory_space<vmem>>
    %dma_wait3A_229 = tpu.memref_slice %arg2[%dma_wait3A_222, %mul3A_2] : memref<26x16384xi32, #tpu.memory_space<hbm>> -> memref<1x512xi32, #tpu.memory_space<hbm>>
    %dma_wait3A_230 = tpu.memref_squeeze %dma_wait3A_229 : memref<1x512xi32, #tpu.memory_space<hbm>> -> memref<512xi32, #tpu.memory_space<hbm>>
    tpu.wait_dma2 semaphore(%arg8 : memref<!tpu.dma_semaphore, #tpu.memory_space<semaphore_mem>>) src(%dma_wait3A_230 : memref<512xi32, #tpu.memory_space<hbm>>) dst(%dma_wait3A_228 : memref<512xi32, #tpu.memory_space<vmem>>)
    %dma_start3A_231 = arith.constant 2048 : i32
    %dma_start3A_232 = tpu.memref_slice %arg6[%dma_start3A_231] : memref<8704xf32, #tpu.memory_space<vmem>> -> memref<512xf32, #tpu.memory_space<vmem>>
    %dma_start3A_233 = arith.constant 2048 : i32
    %dma_start3A_234 = tpu.memref_slice %arg5[%dma_start3A_233] : memref<8704xi32, #tpu.memory_space<vmem>> -> memref<512xi32, #tpu.memory_space<vmem>>
    %dma_start3A_235 = arith.constant 160000 : i32
    %dma_start3A_236 = tpu.memref_slice %arg3[%dma_start3A_235] : memref<680000xf32, #tpu.memory_space<hbm>> -> memref<40000xf32, #tpu.memory_space<hbm>>
    %dma_start3A_237 = arith.constant 0 : i32
    %dma_start3A_238 = tpu.memref_slice %dma_start3A_236[%dma_start3A_237] : memref<40000xf32, #tpu.memory_space<hbm>> -> memref<40000xf32, #tpu.memory_space<hbm>>
    tpu.enqueue_indirect_dma source(%dma_start3A_238 : memref<40000xf32, #tpu.memory_space<hbm>>) target(%dma_start3A_232 : memref<512xf32, #tpu.memory_space<vmem>>) offsets(%dma_start3A_234 : memref<512xi32, #tpu.memory_space<vmem>>) semaphore(%arg9 : memref<!tpu.dma_semaphore, #tpu.memory_space<semaphore_mem>>)
    %dma_wait3A_239 = arith.constant 5 : i32
    %dma_wait3A_240 = arith.constant 2560 : i32
    %dma_wait3A_241 = tpu.memref_slice %arg5[%dma_wait3A_240] : memref<8704xi32, #tpu.memory_space<vmem>> -> memref<512xi32, #tpu.memory_space<vmem>>
    %dma_wait3A_242 = tpu.memref_slice %arg2[%dma_wait3A_239, %mul3A_2] : memref<26x16384xi32, #tpu.memory_space<hbm>> -> memref<1x512xi32, #tpu.memory_space<hbm>>
    %dma_wait3A_243 = tpu.memref_squeeze %dma_wait3A_242 : memref<1x512xi32, #tpu.memory_space<hbm>> -> memref<512xi32, #tpu.memory_space<hbm>>
    %dma_wait3A_244 = arith.constant 2560 : i32
    %dma_wait3A_245 = tpu.memref_slice %arg5[%dma_wait3A_244] : memref<8704xi32, #tpu.memory_space<vmem>> -> memref<512xi32, #tpu.memory_space<vmem>>
    %dma_wait3A_246 = tpu.memref_slice %arg2[%dma_wait3A_239, %mul3A_2] : memref<26x16384xi32, #tpu.memory_space<hbm>> -> memref<1x512xi32, #tpu.memory_space<hbm>>
    %dma_wait3A_247 = tpu.memref_squeeze %dma_wait3A_246 : memref<1x512xi32, #tpu.memory_space<hbm>> -> memref<512xi32, #tpu.memory_space<hbm>>
    tpu.wait_dma2 semaphore(%arg8 : memref<!tpu.dma_semaphore, #tpu.memory_space<semaphore_mem>>) src(%dma_wait3A_247 : memref<512xi32, #tpu.memory_space<hbm>>) dst(%dma_wait3A_245 : memref<512xi32, #tpu.memory_space<vmem>>)
    %dma_start3A_248 = arith.constant 2560 : i32
    %dma_start3A_249 = tpu.memref_slice %arg6[%dma_start3A_248] : memref<8704xf32, #tpu.memory_space<vmem>> -> memref<512xf32, #tpu.memory_space<vmem>>
    %dma_start3A_250 = arith.constant 2560 : i32
    %dma_start3A_251 = tpu.memref_slice %arg5[%dma_start3A_250] : memref<8704xi32, #tpu.memory_space<vmem>> -> memref<512xi32, #tpu.memory_space<vmem>>
    %dma_start3A_252 = arith.constant 200000 : i32
    %dma_start3A_253 = tpu.memref_slice %arg3[%dma_start3A_252] : memref<680000xf32, #tpu.memory_space<hbm>> -> memref<40000xf32, #tpu.memory_space<hbm>>
    %dma_start3A_254 = arith.constant 0 : i32
    %dma_start3A_255 = tpu.memref_slice %dma_start3A_253[%dma_start3A_254] : memref<40000xf32, #tpu.memory_space<hbm>> -> memref<40000xf32, #tpu.memory_space<hbm>>
    tpu.enqueue_indirect_dma source(%dma_start3A_255 : memref<40000xf32, #tpu.memory_space<hbm>>) target(%dma_start3A_249 : memref<512xf32, #tpu.memory_space<vmem>>) offsets(%dma_start3A_251 : memref<512xi32, #tpu.memory_space<vmem>>) semaphore(%arg9 : memref<!tpu.dma_semaphore, #tpu.memory_space<semaphore_mem>>)
    %dma_wait3A_256 = arith.constant 6 : i32
    %dma_wait3A_257 = arith.constant 3072 : i32
    %dma_wait3A_258 = tpu.memref_slice %arg5[%dma_wait3A_257] : memref<8704xi32, #tpu.memory_space<vmem>> -> memref<512xi32, #tpu.memory_space<vmem>>
    %dma_wait3A_259 = tpu.memref_slice %arg2[%dma_wait3A_256, %mul3A_2] : memref<26x16384xi32, #tpu.memory_space<hbm>> -> memref<1x512xi32, #tpu.memory_space<hbm>>
    %dma_wait3A_260 = tpu.memref_squeeze %dma_wait3A_259 : memref<1x512xi32, #tpu.memory_space<hbm>> -> memref<512xi32, #tpu.memory_space<hbm>>
    %dma_wait3A_261 = arith.constant 3072 : i32
    %dma_wait3A_262 = tpu.memref_slice %arg5[%dma_wait3A_261] : memref<8704xi32, #tpu.memory_space<vmem>> -> memref<512xi32, #tpu.memory_space<vmem>>
    %dma_wait3A_263 = tpu.memref_slice %arg2[%dma_wait3A_256, %mul3A_2] : memref<26x16384xi32, #tpu.memory_space<hbm>> -> memref<1x512xi32, #tpu.memory_space<hbm>>
    %dma_wait3A_264 = tpu.memref_squeeze %dma_wait3A_263 : memref<1x512xi32, #tpu.memory_space<hbm>> -> memref<512xi32, #tpu.memory_space<hbm>>
    tpu.wait_dma2 semaphore(%arg8 : memref<!tpu.dma_semaphore, #tpu.memory_space<semaphore_mem>>) src(%dma_wait3A_264 : memref<512xi32, #tpu.memory_space<hbm>>) dst(%dma_wait3A_262 : memref<512xi32, #tpu.memory_space<vmem>>)
    %dma_start3A_265 = arith.constant 3072 : i32
    %dma_start3A_266 = tpu.memref_slice %arg6[%dma_start3A_265] : memref<8704xf32, #tpu.memory_space<vmem>> -> memref<512xf32, #tpu.memory_space<vmem>>
    %dma_start3A_267 = arith.constant 3072 : i32
    %dma_start3A_268 = tpu.memref_slice %arg5[%dma_start3A_267] : memref<8704xi32, #tpu.memory_space<vmem>> -> memref<512xi32, #tpu.memory_space<vmem>>
    %dma_start3A_269 = arith.constant 240000 : i32
    %dma_start3A_270 = tpu.memref_slice %arg3[%dma_start3A_269] : memref<680000xf32, #tpu.memory_space<hbm>> -> memref<40000xf32, #tpu.memory_space<hbm>>
    %dma_start3A_271 = arith.constant 0 : i32
    %dma_start3A_272 = tpu.memref_slice %dma_start3A_270[%dma_start3A_271] : memref<40000xf32, #tpu.memory_space<hbm>> -> memref<40000xf32, #tpu.memory_space<hbm>>
    tpu.enqueue_indirect_dma source(%dma_start3A_272 : memref<40000xf32, #tpu.memory_space<hbm>>) target(%dma_start3A_266 : memref<512xf32, #tpu.memory_space<vmem>>) offsets(%dma_start3A_268 : memref<512xi32, #tpu.memory_space<vmem>>) semaphore(%arg9 : memref<!tpu.dma_semaphore, #tpu.memory_space<semaphore_mem>>)
    %dma_wait3A_273 = arith.constant 7 : i32
    %dma_wait3A_274 = arith.constant 3584 : i32
    %dma_wait3A_275 = tpu.memref_slice %arg5[%dma_wait3A_274] : memref<8704xi32, #tpu.memory_space<vmem>> -> memref<512xi32, #tpu.memory_space<vmem>>
    %dma_wait3A_276 = tpu.memref_slice %arg2[%dma_wait3A_273, %mul3A_2] : memref<26x16384xi32, #tpu.memory_space<hbm>> -> memref<1x512xi32, #tpu.memory_space<hbm>>
    %dma_wait3A_277 = tpu.memref_squeeze %dma_wait3A_276 : memref<1x512xi32, #tpu.memory_space<hbm>> -> memref<512xi32, #tpu.memory_space<hbm>>
    %dma_wait3A_278 = arith.constant 3584 : i32
    %dma_wait3A_279 = tpu.memref_slice %arg5[%dma_wait3A_278] : memref<8704xi32, #tpu.memory_space<vmem>> -> memref<512xi32, #tpu.memory_space<vmem>>
    %dma_wait3A_280 = tpu.memref_slice %arg2[%dma_wait3A_273, %mul3A_2] : memref<26x16384xi32, #tpu.memory_space<hbm>> -> memref<1x512xi32, #tpu.memory_space<hbm>>
    %dma_wait3A_281 = tpu.memref_squeeze %dma_wait3A_280 : memref<1x512xi32, #tpu.memory_space<hbm>> -> memref<512xi32, #tpu.memory_space<hbm>>
    tpu.wait_dma2 semaphore(%arg8 : memref<!tpu.dma_semaphore, #tpu.memory_space<semaphore_mem>>) src(%dma_wait3A_281 : memref<512xi32, #tpu.memory_space<hbm>>) dst(%dma_wait3A_279 : memref<512xi32, #tpu.memory_space<vmem>>)
    %dma_start3A_282 = arith.constant 3584 : i32
    %dma_start3A_283 = tpu.memref_slice %arg6[%dma_start3A_282] : memref<8704xf32, #tpu.memory_space<vmem>> -> memref<512xf32, #tpu.memory_space<vmem>>
    %dma_start3A_284 = arith.constant 3584 : i32
    %dma_start3A_285 = tpu.memref_slice %arg5[%dma_start3A_284] : memref<8704xi32, #tpu.memory_space<vmem>> -> memref<512xi32, #tpu.memory_space<vmem>>
    %dma_start3A_286 = arith.constant 280000 : i32
    %dma_start3A_287 = tpu.memref_slice %arg3[%dma_start3A_286] : memref<680000xf32, #tpu.memory_space<hbm>> -> memref<40000xf32, #tpu.memory_space<hbm>>
    %dma_start3A_288 = arith.constant 0 : i32
    %dma_start3A_289 = tpu.memref_slice %dma_start3A_287[%dma_start3A_288] : memref<40000xf32, #tpu.memory_space<hbm>> -> memref<40000xf32, #tpu.memory_space<hbm>>
    tpu.enqueue_indirect_dma source(%dma_start3A_289 : memref<40000xf32, #tpu.memory_space<hbm>>) target(%dma_start3A_283 : memref<512xf32, #tpu.memory_space<vmem>>) offsets(%dma_start3A_285 : memref<512xi32, #tpu.memory_space<vmem>>) semaphore(%arg9 : memref<!tpu.dma_semaphore, #tpu.memory_space<semaphore_mem>>)
    %dma_wait3A_290 = arith.constant 8 : i32
    %dma_wait3A_291 = arith.constant 4096 : i32
    %dma_wait3A_292 = tpu.memref_slice %arg5[%dma_wait3A_291] : memref<8704xi32, #tpu.memory_space<vmem>> -> memref<512xi32, #tpu.memory_space<vmem>>
    %dma_wait3A_293 = tpu.memref_slice %arg2[%dma_wait3A_290, %mul3A_2] : memref<26x16384xi32, #tpu.memory_space<hbm>> -> memref<1x512xi32, #tpu.memory_space<hbm>>
    %dma_wait3A_294 = tpu.memref_squeeze %dma_wait3A_293 : memref<1x512xi32, #tpu.memory_space<hbm>> -> memref<512xi32, #tpu.memory_space<hbm>>
    %dma_wait3A_295 = arith.constant 4096 : i32
    %dma_wait3A_296 = tpu.memref_slice %arg5[%dma_wait3A_295] : memref<8704xi32, #tpu.memory_space<vmem>> -> memref<512xi32, #tpu.memory_space<vmem>>
    %dma_wait3A_297 = tpu.memref_slice %arg2[%dma_wait3A_290, %mul3A_2] : memref<26x16384xi32, #tpu.memory_space<hbm>> -> memref<1x512xi32, #tpu.memory_space<hbm>>
    %dma_wait3A_298 = tpu.memref_squeeze %dma_wait3A_297 : memref<1x512xi32, #tpu.memory_space<hbm>> -> memref<512xi32, #tpu.memory_space<hbm>>
    tpu.wait_dma2 semaphore(%arg8 : memref<!tpu.dma_semaphore, #tpu.memory_space<semaphore_mem>>) src(%dma_wait3A_298 : memref<512xi32, #tpu.memory_space<hbm>>) dst(%dma_wait3A_296 : memref<512xi32, #tpu.memory_space<vmem>>)
    %dma_start3A_299 = arith.constant 4096 : i32
    %dma_start3A_300 = tpu.memref_slice %arg6[%dma_start3A_299] : memref<8704xf32, #tpu.memory_space<vmem>> -> memref<512xf32, #tpu.memory_space<vmem>>
    %dma_start3A_301 = arith.constant 4096 : i32
    %dma_start3A_302 = tpu.memref_slice %arg5[%dma_start3A_301] : memref<8704xi32, #tpu.memory_space<vmem>> -> memref<512xi32, #tpu.memory_space<vmem>>
    %dma_start3A_303 = arith.constant 320000 : i32
    %dma_start3A_304 = tpu.memref_slice %arg3[%dma_start3A_303] : memref<680000xf32, #tpu.memory_space<hbm>> -> memref<40000xf32, #tpu.memory_space<hbm>>
    %dma_start3A_305 = arith.constant 0 : i32
    %dma_start3A_306 = tpu.memref_slice %dma_start3A_304[%dma_start3A_305] : memref<40000xf32, #tpu.memory_space<hbm>> -> memref<40000xf32, #tpu.memory_space<hbm>>
    tpu.enqueue_indirect_dma source(%dma_start3A_306 : memref<40000xf32, #tpu.memory_space<hbm>>) target(%dma_start3A_300 : memref<512xf32, #tpu.memory_space<vmem>>) offsets(%dma_start3A_302 : memref<512xi32, #tpu.memory_space<vmem>>) semaphore(%arg9 : memref<!tpu.dma_semaphore, #tpu.memory_space<semaphore_mem>>)
    %dma_wait3A_307 = arith.constant 9 : i32
    %dma_wait3A_308 = arith.constant 4608 : i32
    %dma_wait3A_309 = tpu.memref_slice %arg5[%dma_wait3A_308] : memref<8704xi32, #tpu.memory_space<vmem>> -> memref<512xi32, #tpu.memory_space<vmem>>
    %dma_wait3A_310 = tpu.memref_slice %arg2[%dma_wait3A_307, %mul3A_2] : memref<26x16384xi32, #tpu.memory_space<hbm>> -> memref<1x512xi32, #tpu.memory_space<hbm>>
    %dma_wait3A_311 = tpu.memref_squeeze %dma_wait3A_310 : memref<1x512xi32, #tpu.memory_space<hbm>> -> memref<512xi32, #tpu.memory_space<hbm>>
    %dma_wait3A_312 = arith.constant 4608 : i32
    %dma_wait3A_313 = tpu.memref_slice %arg5[%dma_wait3A_312] : memref<8704xi32, #tpu.memory_space<vmem>> -> memref<512xi32, #tpu.memory_space<vmem>>
    %dma_wait3A_314 = tpu.memref_slice %arg2[%dma_wait3A_307, %mul3A_2] : memref<26x16384xi32, #tpu.memory_space<hbm>> -> memref<1x512xi32, #tpu.memory_space<hbm>>
    %dma_wait3A_315 = tpu.memref_squeeze %dma_wait3A_314 : memref<1x512xi32, #tpu.memory_space<hbm>> -> memref<512xi32, #tpu.memory_space<hbm>>
    tpu.wait_dma2 semaphore(%arg8 : memref<!tpu.dma_semaphore, #tpu.memory_space<semaphore_mem>>) src(%dma_wait3A_315 : memref<512xi32, #tpu.memory_space<hbm>>) dst(%dma_wait3A_313 : memref<512xi32, #tpu.memory_space<vmem>>)
    %dma_start3A_316 = arith.constant 4608 : i32
    %dma_start3A_317 = tpu.memref_slice %arg6[%dma_start3A_316] : memref<8704xf32, #tpu.memory_space<vmem>> -> memref<512xf32, #tpu.memory_space<vmem>>
    %dma_start3A_318 = arith.constant 4608 : i32
    %dma_start3A_319 = tpu.memref_slice %arg5[%dma_start3A_318] : memref<8704xi32, #tpu.memory_space<vmem>> -> memref<512xi32, #tpu.memory_space<vmem>>
    %dma_start3A_320 = arith.constant 360000 : i32
    %dma_start3A_321 = tpu.memref_slice %arg3[%dma_start3A_320] : memref<680000xf32, #tpu.memory_space<hbm>> -> memref<40000xf32, #tpu.memory_space<hbm>>
    %dma_start3A_322 = arith.constant 0 : i32
    %dma_start3A_323 = tpu.memref_slice %dma_start3A_321[%dma_start3A_322] : memref<40000xf32, #tpu.memory_space<hbm>> -> memref<40000xf32, #tpu.memory_space<hbm>>
    tpu.enqueue_indirect_dma source(%dma_start3A_323 : memref<40000xf32, #tpu.memory_space<hbm>>) target(%dma_start3A_317 : memref<512xf32, #tpu.memory_space<vmem>>) offsets(%dma_start3A_319 : memref<512xi32, #tpu.memory_space<vmem>>) semaphore(%arg9 : memref<!tpu.dma_semaphore, #tpu.memory_space<semaphore_mem>>)
    %dma_wait3A_324 = arith.constant 10 : i32
    %dma_wait3A_325 = arith.constant 5120 : i32
    %dma_wait3A_326 = tpu.memref_slice %arg5[%dma_wait3A_325] : memref<8704xi32, #tpu.memory_space<vmem>> -> memref<512xi32, #tpu.memory_space<vmem>>
    %dma_wait3A_327 = tpu.memref_slice %arg2[%dma_wait3A_324, %mul3A_2] : memref<26x16384xi32, #tpu.memory_space<hbm>> -> memref<1x512xi32, #tpu.memory_space<hbm>>
    %dma_wait3A_328 = tpu.memref_squeeze %dma_wait3A_327 : memref<1x512xi32, #tpu.memory_space<hbm>> -> memref<512xi32, #tpu.memory_space<hbm>>
    %dma_wait3A_329 = arith.constant 5120 : i32
    %dma_wait3A_330 = tpu.memref_slice %arg5[%dma_wait3A_329] : memref<8704xi32, #tpu.memory_space<vmem>> -> memref<512xi32, #tpu.memory_space<vmem>>
    %dma_wait3A_331 = tpu.memref_slice %arg2[%dma_wait3A_324, %mul3A_2] : memref<26x16384xi32, #tpu.memory_space<hbm>> -> memref<1x512xi32, #tpu.memory_space<hbm>>
    %dma_wait3A_332 = tpu.memref_squeeze %dma_wait3A_331 : memref<1x512xi32, #tpu.memory_space<hbm>> -> memref<512xi32, #tpu.memory_space<hbm>>
    tpu.wait_dma2 semaphore(%arg8 : memref<!tpu.dma_semaphore, #tpu.memory_space<semaphore_mem>>) src(%dma_wait3A_332 : memref<512xi32, #tpu.memory_space<hbm>>) dst(%dma_wait3A_330 : memref<512xi32, #tpu.memory_space<vmem>>)
    %dma_start3A_333 = arith.constant 5120 : i32
    %dma_start3A_334 = tpu.memref_slice %arg6[%dma_start3A_333] : memref<8704xf32, #tpu.memory_space<vmem>> -> memref<512xf32, #tpu.memory_space<vmem>>
    %dma_start3A_335 = arith.constant 5120 : i32
    %dma_start3A_336 = tpu.memref_slice %arg5[%dma_start3A_335] : memref<8704xi32, #tpu.memory_space<vmem>> -> memref<512xi32, #tpu.memory_space<vmem>>
    %dma_start3A_337 = arith.constant 400000 : i32
    %dma_start3A_338 = tpu.memref_slice %arg3[%dma_start3A_337] : memref<680000xf32, #tpu.memory_space<hbm>> -> memref<40000xf32, #tpu.memory_space<hbm>>
    %dma_start3A_339 = arith.constant 0 : i32
    %dma_start3A_340 = tpu.memref_slice %dma_start3A_338[%dma_start3A_339] : memref<40000xf32, #tpu.memory_space<hbm>> -> memref<40000xf32, #tpu.memory_space<hbm>>
    tpu.enqueue_indirect_dma source(%dma_start3A_340 : memref<40000xf32, #tpu.memory_space<hbm>>) target(%dma_start3A_334 : memref<512xf32, #tpu.memory_space<vmem>>) offsets(%dma_start3A_336 : memref<512xi32, #tpu.memory_space<vmem>>) semaphore(%arg9 : memref<!tpu.dma_semaphore, #tpu.memory_space<semaphore_mem>>)
    %dma_wait3A_341 = arith.constant 11 : i32
    %dma_wait3A_342 = arith.constant 5632 : i32
    %dma_wait3A_343 = tpu.memref_slice %arg5[%dma_wait3A_342] : memref<8704xi32, #tpu.memory_space<vmem>> -> memref<512xi32, #tpu.memory_space<vmem>>
    %dma_wait3A_344 = tpu.memref_slice %arg2[%dma_wait3A_341, %mul3A_2] : memref<26x16384xi32, #tpu.memory_space<hbm>> -> memref<1x512xi32, #tpu.memory_space<hbm>>
    %dma_wait3A_345 = tpu.memref_squeeze %dma_wait3A_344 : memref<1x512xi32, #tpu.memory_space<hbm>> -> memref<512xi32, #tpu.memory_space<hbm>>
    %dma_wait3A_346 = arith.constant 5632 : i32
    %dma_wait3A_347 = tpu.memref_slice %arg5[%dma_wait3A_346] : memref<8704xi32, #tpu.memory_space<vmem>> -> memref<512xi32, #tpu.memory_space<vmem>>
    %dma_wait3A_348 = tpu.memref_slice %arg2[%dma_wait3A_341, %mul3A_2] : memref<26x16384xi32, #tpu.memory_space<hbm>> -> memref<1x512xi32, #tpu.memory_space<hbm>>
    %dma_wait3A_349 = tpu.memref_squeeze %dma_wait3A_348 : memref<1x512xi32, #tpu.memory_space<hbm>> -> memref<512xi32, #tpu.memory_space<hbm>>
    tpu.wait_dma2 semaphore(%arg8 : memref<!tpu.dma_semaphore, #tpu.memory_space<semaphore_mem>>) src(%dma_wait3A_349 : memref<512xi32, #tpu.memory_space<hbm>>) dst(%dma_wait3A_347 : memref<512xi32, #tpu.memory_space<vmem>>)
    %dma_start3A_350 = arith.constant 5632 : i32
    %dma_start3A_351 = tpu.memref_slice %arg6[%dma_start3A_350] : memref<8704xf32, #tpu.memory_space<vmem>> -> memref<512xf32, #tpu.memory_space<vmem>>
    %dma_start3A_352 = arith.constant 5632 : i32
    %dma_start3A_353 = tpu.memref_slice %arg5[%dma_start3A_352] : memref<8704xi32, #tpu.memory_space<vmem>> -> memref<512xi32, #tpu.memory_space<vmem>>
    %dma_start3A_354 = arith.constant 440000 : i32
    %dma_start3A_355 = tpu.memref_slice %arg3[%dma_start3A_354] : memref<680000xf32, #tpu.memory_space<hbm>> -> memref<40000xf32, #tpu.memory_space<hbm>>
    %dma_start3A_356 = arith.constant 0 : i32
    %dma_start3A_357 = tpu.memref_slice %dma_start3A_355[%dma_start3A_356] : memref<40000xf32, #tpu.memory_space<hbm>> -> memref<40000xf32, #tpu.memory_space<hbm>>
    tpu.enqueue_indirect_dma source(%dma_start3A_357 : memref<40000xf32, #tpu.memory_space<hbm>>) target(%dma_start3A_351 : memref<512xf32, #tpu.memory_space<vmem>>) offsets(%dma_start3A_353 : memref<512xi32, #tpu.memory_space<vmem>>) semaphore(%arg9 : memref<!tpu.dma_semaphore, #tpu.memory_space<semaphore_mem>>)
    %dma_wait3A_358 = arith.constant 12 : i32
    %dma_wait3A_359 = arith.constant 6144 : i32
    %dma_wait3A_360 = tpu.memref_slice %arg5[%dma_wait3A_359] : memref<8704xi32, #tpu.memory_space<vmem>> -> memref<512xi32, #tpu.memory_space<vmem>>
    %dma_wait3A_361 = tpu.memref_slice %arg2[%dma_wait3A_358, %mul3A_2] : memref<26x16384xi32, #tpu.memory_space<hbm>> -> memref<1x512xi32, #tpu.memory_space<hbm>>
    %dma_wait3A_362 = tpu.memref_squeeze %dma_wait3A_361 : memref<1x512xi32, #tpu.memory_space<hbm>> -> memref<512xi32, #tpu.memory_space<hbm>>
    %dma_wait3A_363 = arith.constant 6144 : i32
    %dma_wait3A_364 = tpu.memref_slice %arg5[%dma_wait3A_363] : memref<8704xi32, #tpu.memory_space<vmem>> -> memref<512xi32, #tpu.memory_space<vmem>>
    %dma_wait3A_365 = tpu.memref_slice %arg2[%dma_wait3A_358, %mul3A_2] : memref<26x16384xi32, #tpu.memory_space<hbm>> -> memref<1x512xi32, #tpu.memory_space<hbm>>
    %dma_wait3A_366 = tpu.memref_squeeze %dma_wait3A_365 : memref<1x512xi32, #tpu.memory_space<hbm>> -> memref<512xi32, #tpu.memory_space<hbm>>
    tpu.wait_dma2 semaphore(%arg8 : memref<!tpu.dma_semaphore, #tpu.memory_space<semaphore_mem>>) src(%dma_wait3A_366 : memref<512xi32, #tpu.memory_space<hbm>>) dst(%dma_wait3A_364 : memref<512xi32, #tpu.memory_space<vmem>>)
    %dma_start3A_367 = arith.constant 6144 : i32
    %dma_start3A_368 = tpu.memref_slice %arg6[%dma_start3A_367] : memref<8704xf32, #tpu.memory_space<vmem>> -> memref<512xf32, #tpu.memory_space<vmem>>
    %dma_start3A_369 = arith.constant 6144 : i32
    %dma_start3A_370 = tpu.memref_slice %arg5[%dma_start3A_369] : memref<8704xi32, #tpu.memory_space<vmem>> -> memref<512xi32, #tpu.memory_space<vmem>>
    %dma_start3A_371 = arith.constant 480000 : i32
    %dma_start3A_372 = tpu.memref_slice %arg3[%dma_start3A_371] : memref<680000xf32, #tpu.memory_space<hbm>> -> memref<40000xf32, #tpu.memory_space<hbm>>
    %dma_start3A_373 = arith.constant 0 : i32
    %dma_start3A_374 = tpu.memref_slice %dma_start3A_372[%dma_start3A_373] : memref<40000xf32, #tpu.memory_space<hbm>> -> memref<40000xf32, #tpu.memory_space<hbm>>
    tpu.enqueue_indirect_dma source(%dma_start3A_374 : memref<40000xf32, #tpu.memory_space<hbm>>) target(%dma_start3A_368 : memref<512xf32, #tpu.memory_space<vmem>>) offsets(%dma_start3A_370 : memref<512xi32, #tpu.memory_space<vmem>>) semaphore(%arg9 : memref<!tpu.dma_semaphore, #tpu.memory_space<semaphore_mem>>)
    %dma_wait3A_375 = arith.constant 13 : i32
    %dma_wait3A_376 = arith.constant 6656 : i32
    %dma_wait3A_377 = tpu.memref_slice %arg5[%dma_wait3A_376] : memref<8704xi32, #tpu.memory_space<vmem>> -> memref<512xi32, #tpu.memory_space<vmem>>
    %dma_wait3A_378 = tpu.memref_slice %arg2[%dma_wait3A_375, %mul3A_2] : memref<26x16384xi32, #tpu.memory_space<hbm>> -> memref<1x512xi32, #tpu.memory_space<hbm>>
    %dma_wait3A_379 = tpu.memref_squeeze %dma_wait3A_378 : memref<1x512xi32, #tpu.memory_space<hbm>> -> memref<512xi32, #tpu.memory_space<hbm>>
    %dma_wait3A_380 = arith.constant 6656 : i32
    %dma_wait3A_381 = tpu.memref_slice %arg5[%dma_wait3A_380] : memref<8704xi32, #tpu.memory_space<vmem>> -> memref<512xi32, #tpu.memory_space<vmem>>
    %dma_wait3A_382 = tpu.memref_slice %arg2[%dma_wait3A_375, %mul3A_2] : memref<26x16384xi32, #tpu.memory_space<hbm>> -> memref<1x512xi32, #tpu.memory_space<hbm>>
    %dma_wait3A_383 = tpu.memref_squeeze %dma_wait3A_382 : memref<1x512xi32, #tpu.memory_space<hbm>> -> memref<512xi32, #tpu.memory_space<hbm>>
    tpu.wait_dma2 semaphore(%arg8 : memref<!tpu.dma_semaphore, #tpu.memory_space<semaphore_mem>>) src(%dma_wait3A_383 : memref<512xi32, #tpu.memory_space<hbm>>) dst(%dma_wait3A_381 : memref<512xi32, #tpu.memory_space<vmem>>)
    %dma_start3A_384 = arith.constant 6656 : i32
    %dma_start3A_385 = tpu.memref_slice %arg6[%dma_start3A_384] : memref<8704xf32, #tpu.memory_space<vmem>> -> memref<512xf32, #tpu.memory_space<vmem>>
    %dma_start3A_386 = arith.constant 6656 : i32
    %dma_start3A_387 = tpu.memref_slice %arg5[%dma_start3A_386] : memref<8704xi32, #tpu.memory_space<vmem>> -> memref<512xi32, #tpu.memory_space<vmem>>
    %dma_start3A_388 = arith.constant 520000 : i32
    %dma_start3A_389 = tpu.memref_slice %arg3[%dma_start3A_388] : memref<680000xf32, #tpu.memory_space<hbm>> -> memref<40000xf32, #tpu.memory_space<hbm>>
    %dma_start3A_390 = arith.constant 0 : i32
    %dma_start3A_391 = tpu.memref_slice %dma_start3A_389[%dma_start3A_390] : memref<40000xf32, #tpu.memory_space<hbm>> -> memref<40000xf32, #tpu.memory_space<hbm>>
    tpu.enqueue_indirect_dma source(%dma_start3A_391 : memref<40000xf32, #tpu.memory_space<hbm>>) target(%dma_start3A_385 : memref<512xf32, #tpu.memory_space<vmem>>) offsets(%dma_start3A_387 : memref<512xi32, #tpu.memory_space<vmem>>) semaphore(%arg9 : memref<!tpu.dma_semaphore, #tpu.memory_space<semaphore_mem>>)
    %dma_wait3A_392 = arith.constant 14 : i32
    %dma_wait3A_393 = arith.constant 7168 : i32
    %dma_wait3A_394 = tpu.memref_slice %arg5[%dma_wait3A_393] : memref<8704xi32, #tpu.memory_space<vmem>> -> memref<512xi32, #tpu.memory_space<vmem>>
    %dma_wait3A_395 = tpu.memref_slice %arg2[%dma_wait3A_392, %mul3A_2] : memref<26x16384xi32, #tpu.memory_space<hbm>> -> memref<1x512xi32, #tpu.memory_space<hbm>>
    %dma_wait3A_396 = tpu.memref_squeeze %dma_wait3A_395 : memref<1x512xi32, #tpu.memory_space<hbm>> -> memref<512xi32, #tpu.memory_space<hbm>>
    %dma_wait3A_397 = arith.constant 7168 : i32
    %dma_wait3A_398 = tpu.memref_slice %arg5[%dma_wait3A_397] : memref<8704xi32, #tpu.memory_space<vmem>> -> memref<512xi32, #tpu.memory_space<vmem>>
    %dma_wait3A_399 = tpu.memref_slice %arg2[%dma_wait3A_392, %mul3A_2] : memref<26x16384xi32, #tpu.memory_space<hbm>> -> memref<1x512xi32, #tpu.memory_space<hbm>>
    %dma_wait3A_400 = tpu.memref_squeeze %dma_wait3A_399 : memref<1x512xi32, #tpu.memory_space<hbm>> -> memref<512xi32, #tpu.memory_space<hbm>>
    tpu.wait_dma2 semaphore(%arg8 : memref<!tpu.dma_semaphore, #tpu.memory_space<semaphore_mem>>) src(%dma_wait3A_400 : memref<512xi32, #tpu.memory_space<hbm>>) dst(%dma_wait3A_398 : memref<512xi32, #tpu.memory_space<vmem>>)
    %dma_start3A_401 = arith.constant 7168 : i32
    %dma_start3A_402 = tpu.memref_slice %arg6[%dma_start3A_401] : memref<8704xf32, #tpu.memory_space<vmem>> -> memref<512xf32, #tpu.memory_space<vmem>>
    %dma_start3A_403 = arith.constant 7168 : i32
    %dma_start3A_404 = tpu.memref_slice %arg5[%dma_start3A_403] : memref<8704xi32, #tpu.memory_space<vmem>> -> memref<512xi32, #tpu.memory_space<vmem>>
    %dma_start3A_405 = arith.constant 560000 : i32
    %dma_start3A_406 = tpu.memref_slice %arg3[%dma_start3A_405] : memref<680000xf32, #tpu.memory_space<hbm>> -> memref<40000xf32, #tpu.memory_space<hbm>>
    %dma_start3A_407 = arith.constant 0 : i32
    %dma_start3A_408 = tpu.memref_slice %dma_start3A_406[%dma_start3A_407] : memref<40000xf32, #tpu.memory_space<hbm>> -> memref<40000xf32, #tpu.memory_space<hbm>>
    tpu.enqueue_indirect_dma source(%dma_start3A_408 : memref<40000xf32, #tpu.memory_space<hbm>>) target(%dma_start3A_402 : memref<512xf32, #tpu.memory_space<vmem>>) offsets(%dma_start3A_404 : memref<512xi32, #tpu.memory_space<vmem>>) semaphore(%arg9 : memref<!tpu.dma_semaphore, #tpu.memory_space<semaphore_mem>>)
    %dma_wait3A_409 = arith.constant 15 : i32
    %dma_wait3A_410 = arith.constant 7680 : i32
    %dma_wait3A_411 = tpu.memref_slice %arg5[%dma_wait3A_410] : memref<8704xi32, #tpu.memory_space<vmem>> -> memref<512xi32, #tpu.memory_space<vmem>>
    %dma_wait3A_412 = tpu.memref_slice %arg2[%dma_wait3A_409, %mul3A_2] : memref<26x16384xi32, #tpu.memory_space<hbm>> -> memref<1x512xi32, #tpu.memory_space<hbm>>
    %dma_wait3A_413 = tpu.memref_squeeze %dma_wait3A_412 : memref<1x512xi32, #tpu.memory_space<hbm>> -> memref<512xi32, #tpu.memory_space<hbm>>
    %dma_wait3A_414 = arith.constant 7680 : i32
    %dma_wait3A_415 = tpu.memref_slice %arg5[%dma_wait3A_414] : memref<8704xi32, #tpu.memory_space<vmem>> -> memref<512xi32, #tpu.memory_space<vmem>>
    %dma_wait3A_416 = tpu.memref_slice %arg2[%dma_wait3A_409, %mul3A_2] : memref<26x16384xi32, #tpu.memory_space<hbm>> -> memref<1x512xi32, #tpu.memory_space<hbm>>
    %dma_wait3A_417 = tpu.memref_squeeze %dma_wait3A_416 : memref<1x512xi32, #tpu.memory_space<hbm>> -> memref<512xi32, #tpu.memory_space<hbm>>
    tpu.wait_dma2 semaphore(%arg8 : memref<!tpu.dma_semaphore, #tpu.memory_space<semaphore_mem>>) src(%dma_wait3A_417 : memref<512xi32, #tpu.memory_space<hbm>>) dst(%dma_wait3A_415 : memref<512xi32, #tpu.memory_space<vmem>>)
    %dma_start3A_418 = arith.constant 7680 : i32
    %dma_start3A_419 = tpu.memref_slice %arg6[%dma_start3A_418] : memref<8704xf32, #tpu.memory_space<vmem>> -> memref<512xf32, #tpu.memory_space<vmem>>
    %dma_start3A_420 = arith.constant 7680 : i32
    %dma_start3A_421 = tpu.memref_slice %arg5[%dma_start3A_420] : memref<8704xi32, #tpu.memory_space<vmem>> -> memref<512xi32, #tpu.memory_space<vmem>>
    %dma_start3A_422 = arith.constant 600000 : i32
    %dma_start3A_423 = tpu.memref_slice %arg3[%dma_start3A_422] : memref<680000xf32, #tpu.memory_space<hbm>> -> memref<40000xf32, #tpu.memory_space<hbm>>
    %dma_start3A_424 = arith.constant 0 : i32
    %dma_start3A_425 = tpu.memref_slice %dma_start3A_423[%dma_start3A_424] : memref<40000xf32, #tpu.memory_space<hbm>> -> memref<40000xf32, #tpu.memory_space<hbm>>
    tpu.enqueue_indirect_dma source(%dma_start3A_425 : memref<40000xf32, #tpu.memory_space<hbm>>) target(%dma_start3A_419 : memref<512xf32, #tpu.memory_space<vmem>>) offsets(%dma_start3A_421 : memref<512xi32, #tpu.memory_space<vmem>>) semaphore(%arg9 : memref<!tpu.dma_semaphore, #tpu.memory_space<semaphore_mem>>)
    %dma_wait3A_426 = arith.constant 16 : i32
    %dma_wait3A_427 = arith.constant 8192 : i32
    %dma_wait3A_428 = tpu.memref_slice %arg5[%dma_wait3A_427] : memref<8704xi32, #tpu.memory_space<vmem>> -> memref<512xi32, #tpu.memory_space<vmem>>
    %dma_wait3A_429 = tpu.memref_slice %arg2[%dma_wait3A_426, %mul3A_2] : memref<26x16384xi32, #tpu.memory_space<hbm>> -> memref<1x512xi32, #tpu.memory_space<hbm>>
    %dma_wait3A_430 = tpu.memref_squeeze %dma_wait3A_429 : memref<1x512xi32, #tpu.memory_space<hbm>> -> memref<512xi32, #tpu.memory_space<hbm>>
    %dma_wait3A_431 = arith.constant 8192 : i32
    %dma_wait3A_432 = tpu.memref_slice %arg5[%dma_wait3A_431] : memref<8704xi32, #tpu.memory_space<vmem>> -> memref<512xi32, #tpu.memory_space<vmem>>
    %dma_wait3A_433 = tpu.memref_slice %arg2[%dma_wait3A_426, %mul3A_2] : memref<26x16384xi32, #tpu.memory_space<hbm>> -> memref<1x512xi32, #tpu.memory_space<hbm>>
    %dma_wait3A_434 = tpu.memref_squeeze %dma_wait3A_433 : memref<1x512xi32, #tpu.memory_space<hbm>> -> memref<512xi32, #tpu.memory_space<hbm>>
    tpu.wait_dma2 semaphore(%arg8 : memref<!tpu.dma_semaphore, #tpu.memory_space<semaphore_mem>>) src(%dma_wait3A_434 : memref<512xi32, #tpu.memory_space<hbm>>) dst(%dma_wait3A_432 : memref<512xi32, #tpu.memory_space<vmem>>)
    %dma_start3A_435 = arith.constant 8192 : i32
    %dma_start3A_436 = tpu.memref_slice %arg6[%dma_start3A_435] : memref<8704xf32, #tpu.memory_space<vmem>> -> memref<512xf32, #tpu.memory_space<vmem>>
    %dma_start3A_437 = arith.constant 8192 : i32
    %dma_start3A_438 = tpu.memref_slice %arg5[%dma_start3A_437] : memref<8704xi32, #tpu.memory_space<vmem>> -> memref<512xi32, #tpu.memory_space<vmem>>
    %dma_start3A_439 = arith.constant 640000 : i32
    %dma_start3A_440 = tpu.memref_slice %arg3[%dma_start3A_439] : memref<680000xf32, #tpu.memory_space<hbm>> -> memref<40000xf32, #tpu.memory_space<hbm>>
    %dma_start3A_441 = arith.constant 0 : i32
    %dma_start3A_442 = tpu.memref_slice %dma_start3A_440[%dma_start3A_441] : memref<40000xf32, #tpu.memory_space<hbm>> -> memref<40000xf32, #tpu.memory_space<hbm>>
    tpu.enqueue_indirect_dma source(%dma_start3A_442 : memref<40000xf32, #tpu.memory_space<hbm>>) target(%dma_start3A_436 : memref<512xf32, #tpu.memory_space<vmem>>) offsets(%dma_start3A_438 : memref<512xi32, #tpu.memory_space<vmem>>) semaphore(%arg9 : memref<!tpu.dma_semaphore, #tpu.memory_space<semaphore_mem>>)
    %dma_wait3A_443 = arith.constant 0 : i32
    %dma_wait3A_444 = tpu.memref_slice %arg6[%dma_wait3A_443] : memref<8704xf32, #tpu.memory_space<vmem>> -> memref<512xf32, #tpu.memory_space<vmem>>
    %dma_wait3A_445 = arith.constant 0 : i32
    %dma_wait3A_446 = tpu.memref_slice %arg5[%dma_wait3A_445] : memref<8704xi32, #tpu.memory_space<vmem>> -> memref<512xi32, #tpu.memory_space<vmem>>
    %dma_wait3A_447 = arith.constant 0 : i32
    %dma_wait3A_448 = tpu.memref_slice %arg3[%dma_wait3A_447] : memref<680000xf32, #tpu.memory_space<hbm>> -> memref<40000xf32, #tpu.memory_space<hbm>>
    %dma_wait3A_449 = arith.constant 0 : i32
    %dma_wait3A_450 = tpu.memref_slice %dma_wait3A_448[%dma_wait3A_449] : memref<40000xf32, #tpu.memory_space<hbm>> -> memref<40000xf32, #tpu.memory_space<hbm>>
    tpu.wait_indirect_dma semaphore(%arg9 : memref<!tpu.dma_semaphore, #tpu.memory_space<semaphore_mem>>) src(%dma_wait3A_450 : memref<40000xf32, #tpu.memory_space<hbm>>) dst(%dma_wait3A_444 : memref<512xf32, #tpu.memory_space<vmem>>)
    %dma_wait3A_451 = arith.constant 512 : i32
    %dma_wait3A_452 = tpu.memref_slice %arg6[%dma_wait3A_451] : memref<8704xf32, #tpu.memory_space<vmem>> -> memref<512xf32, #tpu.memory_space<vmem>>
    %dma_wait3A_453 = arith.constant 512 : i32
    %dma_wait3A_454 = tpu.memref_slice %arg5[%dma_wait3A_453] : memref<8704xi32, #tpu.memory_space<vmem>> -> memref<512xi32, #tpu.memory_space<vmem>>
    %dma_wait3A_455 = arith.constant 40000 : i32
    %dma_wait3A_456 = tpu.memref_slice %arg3[%dma_wait3A_455] : memref<680000xf32, #tpu.memory_space<hbm>> -> memref<40000xf32, #tpu.memory_space<hbm>>
    %dma_wait3A_457 = arith.constant 0 : i32
    %dma_wait3A_458 = tpu.memref_slice %dma_wait3A_456[%dma_wait3A_457] : memref<40000xf32, #tpu.memory_space<hbm>> -> memref<40000xf32, #tpu.memory_space<hbm>>
    tpu.wait_indirect_dma semaphore(%arg9 : memref<!tpu.dma_semaphore, #tpu.memory_space<semaphore_mem>>) src(%dma_wait3A_458 : memref<40000xf32, #tpu.memory_space<hbm>>) dst(%dma_wait3A_452 : memref<512xf32, #tpu.memory_space<vmem>>)
    %dma_wait3A_459 = arith.constant 1024 : i32
    %dma_wait3A_460 = tpu.memref_slice %arg6[%dma_wait3A_459] : memref<8704xf32, #tpu.memory_space<vmem>> -> memref<512xf32, #tpu.memory_space<vmem>>
    %dma_wait3A_461 = arith.constant 1024 : i32
    %dma_wait3A_462 = tpu.memref_slice %arg5[%dma_wait3A_461] : memref<8704xi32, #tpu.memory_space<vmem>> -> memref<512xi32, #tpu.memory_space<vmem>>
    %dma_wait3A_463 = arith.constant 80000 : i32
    %dma_wait3A_464 = tpu.memref_slice %arg3[%dma_wait3A_463] : memref<680000xf32, #tpu.memory_space<hbm>> -> memref<40000xf32, #tpu.memory_space<hbm>>
    %dma_wait3A_465 = arith.constant 0 : i32
    %dma_wait3A_466 = tpu.memref_slice %dma_wait3A_464[%dma_wait3A_465] : memref<40000xf32, #tpu.memory_space<hbm>> -> memref<40000xf32, #tpu.memory_space<hbm>>
    tpu.wait_indirect_dma semaphore(%arg9 : memref<!tpu.dma_semaphore, #tpu.memory_space<semaphore_mem>>) src(%dma_wait3A_466 : memref<40000xf32, #tpu.memory_space<hbm>>) dst(%dma_wait3A_460 : memref<512xf32, #tpu.memory_space<vmem>>)
    %dma_wait3A_467 = arith.constant 1536 : i32
    %dma_wait3A_468 = tpu.memref_slice %arg6[%dma_wait3A_467] : memref<8704xf32, #tpu.memory_space<vmem>> -> memref<512xf32, #tpu.memory_space<vmem>>
    %dma_wait3A_469 = arith.constant 1536 : i32
    %dma_wait3A_470 = tpu.memref_slice %arg5[%dma_wait3A_469] : memref<8704xi32, #tpu.memory_space<vmem>> -> memref<512xi32, #tpu.memory_space<vmem>>
    %dma_wait3A_471 = arith.constant 120000 : i32
    %dma_wait3A_472 = tpu.memref_slice %arg3[%dma_wait3A_471] : memref<680000xf32, #tpu.memory_space<hbm>> -> memref<40000xf32, #tpu.memory_space<hbm>>
    %dma_wait3A_473 = arith.constant 0 : i32
    %dma_wait3A_474 = tpu.memref_slice %dma_wait3A_472[%dma_wait3A_473] : memref<40000xf32, #tpu.memory_space<hbm>> -> memref<40000xf32, #tpu.memory_space<hbm>>
    tpu.wait_indirect_dma semaphore(%arg9 : memref<!tpu.dma_semaphore, #tpu.memory_space<semaphore_mem>>) src(%dma_wait3A_474 : memref<40000xf32, #tpu.memory_space<hbm>>) dst(%dma_wait3A_468 : memref<512xf32, #tpu.memory_space<vmem>>)
    %dma_wait3A_475 = arith.constant 2048 : i32
    %dma_wait3A_476 = tpu.memref_slice %arg6[%dma_wait3A_475] : memref<8704xf32, #tpu.memory_space<vmem>> -> memref<512xf32, #tpu.memory_space<vmem>>
    %dma_wait3A_477 = arith.constant 2048 : i32
    %dma_wait3A_478 = tpu.memref_slice %arg5[%dma_wait3A_477] : memref<8704xi32, #tpu.memory_space<vmem>> -> memref<512xi32, #tpu.memory_space<vmem>>
    %dma_wait3A_479 = arith.constant 160000 : i32
    %dma_wait3A_480 = tpu.memref_slice %arg3[%dma_wait3A_479] : memref<680000xf32, #tpu.memory_space<hbm>> -> memref<40000xf32, #tpu.memory_space<hbm>>
    %dma_wait3A_481 = arith.constant 0 : i32
    %dma_wait3A_482 = tpu.memref_slice %dma_wait3A_480[%dma_wait3A_481] : memref<40000xf32, #tpu.memory_space<hbm>> -> memref<40000xf32, #tpu.memory_space<hbm>>
    tpu.wait_indirect_dma semaphore(%arg9 : memref<!tpu.dma_semaphore, #tpu.memory_space<semaphore_mem>>) src(%dma_wait3A_482 : memref<40000xf32, #tpu.memory_space<hbm>>) dst(%dma_wait3A_476 : memref<512xf32, #tpu.memory_space<vmem>>)
    %dma_wait3A_483 = arith.constant 2560 : i32
    %dma_wait3A_484 = tpu.memref_slice %arg6[%dma_wait3A_483] : memref<8704xf32, #tpu.memory_space<vmem>> -> memref<512xf32, #tpu.memory_space<vmem>>
    %dma_wait3A_485 = arith.constant 2560 : i32
    %dma_wait3A_486 = tpu.memref_slice %arg5[%dma_wait3A_485] : memref<8704xi32, #tpu.memory_space<vmem>> -> memref<512xi32, #tpu.memory_space<vmem>>
    %dma_wait3A_487 = arith.constant 200000 : i32
    %dma_wait3A_488 = tpu.memref_slice %arg3[%dma_wait3A_487] : memref<680000xf32, #tpu.memory_space<hbm>> -> memref<40000xf32, #tpu.memory_space<hbm>>
    %dma_wait3A_489 = arith.constant 0 : i32
    %dma_wait3A_490 = tpu.memref_slice %dma_wait3A_488[%dma_wait3A_489] : memref<40000xf32, #tpu.memory_space<hbm>> -> memref<40000xf32, #tpu.memory_space<hbm>>
    tpu.wait_indirect_dma semaphore(%arg9 : memref<!tpu.dma_semaphore, #tpu.memory_space<semaphore_mem>>) src(%dma_wait3A_490 : memref<40000xf32, #tpu.memory_space<hbm>>) dst(%dma_wait3A_484 : memref<512xf32, #tpu.memory_space<vmem>>)
    %dma_wait3A_491 = arith.constant 3072 : i32
    %dma_wait3A_492 = tpu.memref_slice %arg6[%dma_wait3A_491] : memref<8704xf32, #tpu.memory_space<vmem>> -> memref<512xf32, #tpu.memory_space<vmem>>
    %dma_wait3A_493 = arith.constant 3072 : i32
    %dma_wait3A_494 = tpu.memref_slice %arg5[%dma_wait3A_493] : memref<8704xi32, #tpu.memory_space<vmem>> -> memref<512xi32, #tpu.memory_space<vmem>>
    %dma_wait3A_495 = arith.constant 240000 : i32
    %dma_wait3A_496 = tpu.memref_slice %arg3[%dma_wait3A_495] : memref<680000xf32, #tpu.memory_space<hbm>> -> memref<40000xf32, #tpu.memory_space<hbm>>
    %dma_wait3A_497 = arith.constant 0 : i32
    %dma_wait3A_498 = tpu.memref_slice %dma_wait3A_496[%dma_wait3A_497] : memref<40000xf32, #tpu.memory_space<hbm>> -> memref<40000xf32, #tpu.memory_space<hbm>>
    tpu.wait_indirect_dma semaphore(%arg9 : memref<!tpu.dma_semaphore, #tpu.memory_space<semaphore_mem>>) src(%dma_wait3A_498 : memref<40000xf32, #tpu.memory_space<hbm>>) dst(%dma_wait3A_492 : memref<512xf32, #tpu.memory_space<vmem>>)
    %dma_wait3A_499 = arith.constant 3584 : i32
    %dma_wait3A_500 = tpu.memref_slice %arg6[%dma_wait3A_499] : memref<8704xf32, #tpu.memory_space<vmem>> -> memref<512xf32, #tpu.memory_space<vmem>>
    %dma_wait3A_501 = arith.constant 3584 : i32
    %dma_wait3A_502 = tpu.memref_slice %arg5[%dma_wait3A_501] : memref<8704xi32, #tpu.memory_space<vmem>> -> memref<512xi32, #tpu.memory_space<vmem>>
    %dma_wait3A_503 = arith.constant 280000 : i32
    %dma_wait3A_504 = tpu.memref_slice %arg3[%dma_wait3A_503] : memref<680000xf32, #tpu.memory_space<hbm>> -> memref<40000xf32, #tpu.memory_space<hbm>>
    %dma_wait3A_505 = arith.constant 0 : i32
    %dma_wait3A_506 = tpu.memref_slice %dma_wait3A_504[%dma_wait3A_505] : memref<40000xf32, #tpu.memory_space<hbm>> -> memref<40000xf32, #tpu.memory_space<hbm>>
    tpu.wait_indirect_dma semaphore(%arg9 : memref<!tpu.dma_semaphore, #tpu.memory_space<semaphore_mem>>) src(%dma_wait3A_506 : memref<40000xf32, #tpu.memory_space<hbm>>) dst(%dma_wait3A_500 : memref<512xf32, #tpu.memory_space<vmem>>)
    %dma_wait3A_507 = arith.constant 4096 : i32
    %dma_wait3A_508 = tpu.memref_slice %arg6[%dma_wait3A_507] : memref<8704xf32, #tpu.memory_space<vmem>> -> memref<512xf32, #tpu.memory_space<vmem>>
    %dma_wait3A_509 = arith.constant 4096 : i32
    %dma_wait3A_510 = tpu.memref_slice %arg5[%dma_wait3A_509] : memref<8704xi32, #tpu.memory_space<vmem>> -> memref<512xi32, #tpu.memory_space<vmem>>
    %dma_wait3A_511 = arith.constant 320000 : i32
    %dma_wait3A_512 = tpu.memref_slice %arg3[%dma_wait3A_511] : memref<680000xf32, #tpu.memory_space<hbm>> -> memref<40000xf32, #tpu.memory_space<hbm>>
    %dma_wait3A_513 = arith.constant 0 : i32
    %dma_wait3A_514 = tpu.memref_slice %dma_wait3A_512[%dma_wait3A_513] : memref<40000xf32, #tpu.memory_space<hbm>> -> memref<40000xf32, #tpu.memory_space<hbm>>
    tpu.wait_indirect_dma semaphore(%arg9 : memref<!tpu.dma_semaphore, #tpu.memory_space<semaphore_mem>>) src(%dma_wait3A_514 : memref<40000xf32, #tpu.memory_space<hbm>>) dst(%dma_wait3A_508 : memref<512xf32, #tpu.memory_space<vmem>>)
    %dma_wait3A_515 = arith.constant 4608 : i32
    %dma_wait3A_516 = tpu.memref_slice %arg6[%dma_wait3A_515] : memref<8704xf32, #tpu.memory_space<vmem>> -> memref<512xf32, #tpu.memory_space<vmem>>
    %dma_wait3A_517 = arith.constant 4608 : i32
    %dma_wait3A_518 = tpu.memref_slice %arg5[%dma_wait3A_517] : memref<8704xi32, #tpu.memory_space<vmem>> -> memref<512xi32, #tpu.memory_space<vmem>>
    %dma_wait3A_519 = arith.constant 360000 : i32
    %dma_wait3A_520 = tpu.memref_slice %arg3[%dma_wait3A_519] : memref<680000xf32, #tpu.memory_space<hbm>> -> memref<40000xf32, #tpu.memory_space<hbm>>
    %dma_wait3A_521 = arith.constant 0 : i32
    %dma_wait3A_522 = tpu.memref_slice %dma_wait3A_520[%dma_wait3A_521] : memref<40000xf32, #tpu.memory_space<hbm>> -> memref<40000xf32, #tpu.memory_space<hbm>>
    tpu.wait_indirect_dma semaphore(%arg9 : memref<!tpu.dma_semaphore, #tpu.memory_space<semaphore_mem>>) src(%dma_wait3A_522 : memref<40000xf32, #tpu.memory_space<hbm>>) dst(%dma_wait3A_516 : memref<512xf32, #tpu.memory_space<vmem>>)
    %dma_wait3A_523 = arith.constant 5120 : i32
    %dma_wait3A_524 = tpu.memref_slice %arg6[%dma_wait3A_523] : memref<8704xf32, #tpu.memory_space<vmem>> -> memref<512xf32, #tpu.memory_space<vmem>>
    %dma_wait3A_525 = arith.constant 5120 : i32
    %dma_wait3A_526 = tpu.memref_slice %arg5[%dma_wait3A_525] : memref<8704xi32, #tpu.memory_space<vmem>> -> memref<512xi32, #tpu.memory_space<vmem>>
    %dma_wait3A_527 = arith.constant 400000 : i32
    %dma_wait3A_528 = tpu.memref_slice %arg3[%dma_wait3A_527] : memref<680000xf32, #tpu.memory_space<hbm>> -> memref<40000xf32, #tpu.memory_space<hbm>>
    %dma_wait3A_529 = arith.constant 0 : i32
    %dma_wait3A_530 = tpu.memref_slice %dma_wait3A_528[%dma_wait3A_529] : memref<40000xf32, #tpu.memory_space<hbm>> -> memref<40000xf32, #tpu.memory_space<hbm>>
    tpu.wait_indirect_dma semaphore(%arg9 : memref<!tpu.dma_semaphore, #tpu.memory_space<semaphore_mem>>) src(%dma_wait3A_530 : memref<40000xf32, #tpu.memory_space<hbm>>) dst(%dma_wait3A_524 : memref<512xf32, #tpu.memory_space<vmem>>)
    %dma_wait3A_531 = arith.constant 5632 : i32
    %dma_wait3A_532 = tpu.memref_slice %arg6[%dma_wait3A_531] : memref<8704xf32, #tpu.memory_space<vmem>> -> memref<512xf32, #tpu.memory_space<vmem>>
    %dma_wait3A_533 = arith.constant 5632 : i32
    %dma_wait3A_534 = tpu.memref_slice %arg5[%dma_wait3A_533] : memref<8704xi32, #tpu.memory_space<vmem>> -> memref<512xi32, #tpu.memory_space<vmem>>
    %dma_wait3A_535 = arith.constant 440000 : i32
    %dma_wait3A_536 = tpu.memref_slice %arg3[%dma_wait3A_535] : memref<680000xf32, #tpu.memory_space<hbm>> -> memref<40000xf32, #tpu.memory_space<hbm>>
    %dma_wait3A_537 = arith.constant 0 : i32
    %dma_wait3A_538 = tpu.memref_slice %dma_wait3A_536[%dma_wait3A_537] : memref<40000xf32, #tpu.memory_space<hbm>> -> memref<40000xf32, #tpu.memory_space<hbm>>
    tpu.wait_indirect_dma semaphore(%arg9 : memref<!tpu.dma_semaphore, #tpu.memory_space<semaphore_mem>>) src(%dma_wait3A_538 : memref<40000xf32, #tpu.memory_space<hbm>>) dst(%dma_wait3A_532 : memref<512xf32, #tpu.memory_space<vmem>>)
    %dma_wait3A_539 = arith.constant 6144 : i32
    %dma_wait3A_540 = tpu.memref_slice %arg6[%dma_wait3A_539] : memref<8704xf32, #tpu.memory_space<vmem>> -> memref<512xf32, #tpu.memory_space<vmem>>
    %dma_wait3A_541 = arith.constant 6144 : i32
    %dma_wait3A_542 = tpu.memref_slice %arg5[%dma_wait3A_541] : memref<8704xi32, #tpu.memory_space<vmem>> -> memref<512xi32, #tpu.memory_space<vmem>>
    %dma_wait3A_543 = arith.constant 480000 : i32
    %dma_wait3A_544 = tpu.memref_slice %arg3[%dma_wait3A_543] : memref<680000xf32, #tpu.memory_space<hbm>> -> memref<40000xf32, #tpu.memory_space<hbm>>
    %dma_wait3A_545 = arith.constant 0 : i32
    %dma_wait3A_546 = tpu.memref_slice %dma_wait3A_544[%dma_wait3A_545] : memref<40000xf32, #tpu.memory_space<hbm>> -> memref<40000xf32, #tpu.memory_space<hbm>>
    tpu.wait_indirect_dma semaphore(%arg9 : memref<!tpu.dma_semaphore, #tpu.memory_space<semaphore_mem>>) src(%dma_wait3A_546 : memref<40000xf32, #tpu.memory_space<hbm>>) dst(%dma_wait3A_540 : memref<512xf32, #tpu.memory_space<vmem>>)
    %dma_wait3A_547 = arith.constant 6656 : i32
    %dma_wait3A_548 = tpu.memref_slice %arg6[%dma_wait3A_547] : memref<8704xf32, #tpu.memory_space<vmem>> -> memref<512xf32, #tpu.memory_space<vmem>>
    %dma_wait3A_549 = arith.constant 6656 : i32
    %dma_wait3A_550 = tpu.memref_slice %arg5[%dma_wait3A_549] : memref<8704xi32, #tpu.memory_space<vmem>> -> memref<512xi32, #tpu.memory_space<vmem>>
    %dma_wait3A_551 = arith.constant 520000 : i32
    %dma_wait3A_552 = tpu.memref_slice %arg3[%dma_wait3A_551] : memref<680000xf32, #tpu.memory_space<hbm>> -> memref<40000xf32, #tpu.memory_space<hbm>>
    %dma_wait3A_553 = arith.constant 0 : i32
    %dma_wait3A_554 = tpu.memref_slice %dma_wait3A_552[%dma_wait3A_553] : memref<40000xf32, #tpu.memory_space<hbm>> -> memref<40000xf32, #tpu.memory_space<hbm>>
    tpu.wait_indirect_dma semaphore(%arg9 : memref<!tpu.dma_semaphore, #tpu.memory_space<semaphore_mem>>) src(%dma_wait3A_554 : memref<40000xf32, #tpu.memory_space<hbm>>) dst(%dma_wait3A_548 : memref<512xf32, #tpu.memory_space<vmem>>)
    %dma_wait3A_555 = arith.constant 7168 : i32
    %dma_wait3A_556 = tpu.memref_slice %arg6[%dma_wait3A_555] : memref<8704xf32, #tpu.memory_space<vmem>> -> memref<512xf32, #tpu.memory_space<vmem>>
    %dma_wait3A_557 = arith.constant 7168 : i32
    %dma_wait3A_558 = tpu.memref_slice %arg5[%dma_wait3A_557] : memref<8704xi32, #tpu.memory_space<vmem>> -> memref<512xi32, #tpu.memory_space<vmem>>
    %dma_wait3A_559 = arith.constant 560000 : i32
    %dma_wait3A_560 = tpu.memref_slice %arg3[%dma_wait3A_559] : memref<680000xf32, #tpu.memory_space<hbm>> -> memref<40000xf32, #tpu.memory_space<hbm>>
    %dma_wait3A_561 = arith.constant 0 : i32
    %dma_wait3A_562 = tpu.memref_slice %dma_wait3A_560[%dma_wait3A_561] : memref<40000xf32, #tpu.memory_space<hbm>> -> memref<40000xf32, #tpu.memory_space<hbm>>
    tpu.wait_indirect_dma semaphore(%arg9 : memref<!tpu.dma_semaphore, #tpu.memory_space<semaphore_mem>>) src(%dma_wait3A_562 : memref<40000xf32, #tpu.memory_space<hbm>>) dst(%dma_wait3A_556 : memref<512xf32, #tpu.memory_space<vmem>>)
    %dma_wait3A_563 = arith.constant 7680 : i32
    %dma_wait3A_564 = tpu.memref_slice %arg6[%dma_wait3A_563] : memref<8704xf32, #tpu.memory_space<vmem>> -> memref<512xf32, #tpu.memory_space<vmem>>
    %dma_wait3A_565 = arith.constant 7680 : i32
    %dma_wait3A_566 = tpu.memref_slice %arg5[%dma_wait3A_565] : memref<8704xi32, #tpu.memory_space<vmem>> -> memref<512xi32, #tpu.memory_space<vmem>>
    %dma_wait3A_567 = arith.constant 600000 : i32
    %dma_wait3A_568 = tpu.memref_slice %arg3[%dma_wait3A_567] : memref<680000xf32, #tpu.memory_space<hbm>> -> memref<40000xf32, #tpu.memory_space<hbm>>
    %dma_wait3A_569 = arith.constant 0 : i32
    %dma_wait3A_570 = tpu.memref_slice %dma_wait3A_568[%dma_wait3A_569] : memref<40000xf32, #tpu.memory_space<hbm>> -> memref<40000xf32, #tpu.memory_space<hbm>>
    tpu.wait_indirect_dma semaphore(%arg9 : memref<!tpu.dma_semaphore, #tpu.memory_space<semaphore_mem>>) src(%dma_wait3A_570 : memref<40000xf32, #tpu.memory_space<hbm>>) dst(%dma_wait3A_564 : memref<512xf32, #tpu.memory_space<vmem>>)
    %dma_wait3A_571 = arith.constant 8192 : i32
    %dma_wait3A_572 = tpu.memref_slice %arg6[%dma_wait3A_571] : memref<8704xf32, #tpu.memory_space<vmem>> -> memref<512xf32, #tpu.memory_space<vmem>>
    %dma_wait3A_573 = arith.constant 8192 : i32
    %dma_wait3A_574 = tpu.memref_slice %arg5[%dma_wait3A_573] : memref<8704xi32, #tpu.memory_space<vmem>> -> memref<512xi32, #tpu.memory_space<vmem>>
    %dma_wait3A_575 = arith.constant 640000 : i32
    %dma_wait3A_576 = tpu.memref_slice %arg3[%dma_wait3A_575] : memref<680000xf32, #tpu.memory_space<hbm>> -> memref<40000xf32, #tpu.memory_space<hbm>>
    %dma_wait3A_577 = arith.constant 0 : i32
    %dma_wait3A_578 = tpu.memref_slice %dma_wait3A_576[%dma_wait3A_577] : memref<40000xf32, #tpu.memory_space<hbm>> -> memref<40000xf32, #tpu.memory_space<hbm>>
    tpu.wait_indirect_dma semaphore(%arg9 : memref<!tpu.dma_semaphore, #tpu.memory_space<semaphore_mem>>) src(%dma_wait3A_578 : memref<40000xf32, #tpu.memory_space<hbm>>) dst(%dma_wait3A_572 : memref<512xf32, #tpu.memory_space<vmem>>)
    %scan3A = arith.constant 0 : i32
    %scan3A_579 = arith.constant 0 : i32
    %scan3A_580 = arith.constant 32 : i32
    %scan3A_581 = arith.addi %scan3A_579, %scan3A_580 : i32
    %scan3A_582 = arith.constant 1 : i32
    %scan3A_583 = scf.for %scan3A_585 = %scan3A_579 to %scan3A_581 step %scan3A_582 iter_args(%scan3A_586 = %scan3A) -> (i32)  : i32 {
      %mul3A_587 = arith.constant 16 : i32
      %mul3A_588 = arith.muli %scan3A_585, %mul3A_587 : i32
      %get3A = arith.index_cast %mul3A_588 : i32 to index
      %get3A_589 = tpu.vector_load %arg6[%get3A] {strides = array<i32>} : memref<8704xf32, #tpu.memory_space<vmem>>, vector<16xf32>,
      %get3A_590 = vector.shape_cast %get3A_589 : vector<16xf32> to vector<16xf32>
      %mul3A_591 = arith.constant 16 : i32
      %mul3A_592 = arith.muli %scan3A_585, %mul3A_591 : i32
      %add3A_593 = arith.constant 512 : i32
      %add3A_594 = arith.addi %add3A_593, %mul3A_592 : i32
      %get3A_595 = arith.index_cast %add3A_594 : i32 to index
      %get3A_596 = tpu.vector_load %arg6[%get3A_595] {strides = array<i32>} : memref<8704xf32, #tpu.memory_space<vmem>>, vector<16xf32>,
      %get3A_597 = vector.shape_cast %get3A_596 : vector<16xf32> to vector<16xf32>
      %add3A_598 = arith.addf %get3A_590, %get3A_597 : vector<16xf32>
      %mul3A_599 = arith.constant 16 : i32
      %mul3A_600 = arith.muli %scan3A_585, %mul3A_599 : i32
      %add3A_601 = arith.constant 1024 : i32
      %add3A_602 = arith.addi %add3A_601, %mul3A_600 : i32
      %get3A_603 = arith.index_cast %add3A_602 : i32 to index
      %get3A_604 = tpu.vector_load %arg6[%get3A_603] {strides = array<i32>} : memref<8704xf32, #tpu.memory_space<vmem>>, vector<16xf32>,
      %get3A_605 = vector.shape_cast %get3A_604 : vector<16xf32> to vector<16xf32>
      %add3A_606 = arith.addf %add3A_598, %get3A_605 : vector<16xf32>
      %mul3A_607 = arith.constant 16 : i32
      %mul3A_608 = arith.muli %scan3A_585, %mul3A_607 : i32
      %add3A_609 = arith.constant 1536 : i32
      %add3A_610 = arith.addi %add3A_609, %mul3A_608 : i32
      %get3A_611 = arith.index_cast %add3A_610 : i32 to index
      %get3A_612 = tpu.vector_load %arg6[%get3A_611] {strides = array<i32>} : memref<8704xf32, #tpu.memory_space<vmem>>, vector<16xf32>,
      %get3A_613 = vector.shape_cast %get3A_612 : vector<16xf32> to vector<16xf32>
      %add3A_614 = arith.addf %add3A_606, %get3A_613 : vector<16xf32>
      %mul3A_615 = arith.constant 16 : i32
      %mul3A_616 = arith.muli %scan3A_585, %mul3A_615 : i32
      %add3A_617 = arith.constant 2048 : i32
      %add3A_618 = arith.addi %add3A_617, %mul3A_616 : i32
      %get3A_619 = arith.index_cast %add3A_618 : i32 to index
      %get3A_620 = tpu.vector_load %arg6[%get3A_619] {strides = array<i32>} : memref<8704xf32, #tpu.memory_space<vmem>>, vector<16xf32>,
      %get3A_621 = vector.shape_cast %get3A_620 : vector<16xf32> to vector<16xf32>
      %add3A_622 = arith.addf %add3A_614, %get3A_621 : vector<16xf32>
      %mul3A_623 = arith.constant 16 : i32
      %mul3A_624 = arith.muli %scan3A_585, %mul3A_623 : i32
      %add3A_625 = arith.constant 2560 : i32
      %add3A_626 = arith.addi %add3A_625, %mul3A_624 : i32
      %get3A_627 = arith.index_cast %add3A_626 : i32 to index
      %get3A_628 = tpu.vector_load %arg6[%get3A_627] {strides = array<i32>} : memref<8704xf32, #tpu.memory_space<vmem>>, vector<16xf32>,
      %get3A_629 = vector.shape_cast %get3A_628 : vector<16xf32> to vector<16xf32>
      %add3A_630 = arith.addf %add3A_622, %get3A_629 : vector<16xf32>
      %mul3A_631 = arith.constant 16 : i32
      %mul3A_632 = arith.muli %scan3A_585, %mul3A_631 : i32
      %add3A_633 = arith.constant 3072 : i32
      %add3A_634 = arith.addi %add3A_633, %mul3A_632 : i32
      %get3A_635 = arith.index_cast %add3A_634 : i32 to index
      %get3A_636 = tpu.vector_load %arg6[%get3A_635] {strides = array<i32>} : memref<8704xf32, #tpu.memory_space<vmem>>, vector<16xf32>,
      %get3A_637 = vector.shape_cast %get3A_636 : vector<16xf32> to vector<16xf32>
      %add3A_638 = arith.addf %add3A_630, %get3A_637 : vector<16xf32>
      %mul3A_639 = arith.constant 16 : i32
      %mul3A_640 = arith.muli %scan3A_585, %mul3A_639 : i32
      %add3A_641 = arith.constant 3584 : i32
      %add3A_642 = arith.addi %add3A_641, %mul3A_640 : i32
      %get3A_643 = arith.index_cast %add3A_642 : i32 to index
      %get3A_644 = tpu.vector_load %arg6[%get3A_643] {strides = array<i32>} : memref<8704xf32, #tpu.memory_space<vmem>>, vector<16xf32>,
      %get3A_645 = vector.shape_cast %get3A_644 : vector<16xf32> to vector<16xf32>
      %add3A_646 = arith.addf %add3A_638, %get3A_645 : vector<16xf32>
      %mul3A_647 = arith.constant 16 : i32
      %mul3A_648 = arith.muli %scan3A_585, %mul3A_647 : i32
      %add3A_649 = arith.constant 4096 : i32
      %add3A_650 = arith.addi %add3A_649, %mul3A_648 : i32
      %get3A_651 = arith.index_cast %add3A_650 : i32 to index
      %get3A_652 = tpu.vector_load %arg6[%get3A_651] {strides = array<i32>} : memref<8704xf32, #tpu.memory_space<vmem>>, vector<16xf32>,
      %get3A_653 = vector.shape_cast %get3A_652 : vector<16xf32> to vector<16xf32>
      %add3A_654 = arith.addf %add3A_646, %get3A_653 : vector<16xf32>
      %mul3A_655 = arith.constant 16 : i32
      %mul3A_656 = arith.muli %scan3A_585, %mul3A_655 : i32
      %add3A_657 = arith.constant 4608 : i32
      %add3A_658 = arith.addi %add3A_657, %mul3A_656 : i32
      %get3A_659 = arith.index_cast %add3A_658 : i32 to index
      %get3A_660 = tpu.vector_load %arg6[%get3A_659] {strides = array<i32>} : memref<8704xf32, #tpu.memory_space<vmem>>, vector<16xf32>,
      %get3A_661 = vector.shape_cast %get3A_660 : vector<16xf32> to vector<16xf32>
      %add3A_662 = arith.addf %add3A_654, %get3A_661 : vector<16xf32>
      %mul3A_663 = arith.constant 16 : i32
      %mul3A_664 = arith.muli %scan3A_585, %mul3A_663 : i32
      %add3A_665 = arith.constant 5120 : i32
      %add3A_666 = arith.addi %add3A_665, %mul3A_664 : i32
      %get3A_667 = arith.index_cast %add3A_666 : i32 to index
      %get3A_668 = tpu.vector_load %arg6[%get3A_667] {strides = array<i32>} : memref<8704xf32, #tpu.memory_space<vmem>>, vector<16xf32>,
      %get3A_669 = vector.shape_cast %get3A_668 : vector<16xf32> to vector<16xf32>
      %add3A_670 = arith.addf %add3A_662, %get3A_669 : vector<16xf32>
      %mul3A_671 = arith.constant 16 : i32
      %mul3A_672 = arith.muli %scan3A_585, %mul3A_671 : i32
      %add3A_673 = arith.constant 5632 : i32
      %add3A_674 = arith.addi %add3A_673, %mul3A_672 : i32
      %get3A_675 = arith.index_cast %add3A_674 : i32 to index
      %get3A_676 = tpu.vector_load %arg6[%get3A_675] {strides = array<i32>} : memref<8704xf32, #tpu.memory_space<vmem>>, vector<16xf32>,
      %get3A_677 = vector.shape_cast %get3A_676 : vector<16xf32> to vector<16xf32>
      %add3A_678 = arith.addf %add3A_670, %get3A_677 : vector<16xf32>
      %mul3A_679 = arith.constant 16 : i32
      %mul3A_680 = arith.muli %scan3A_585, %mul3A_679 : i32
      %add3A_681 = arith.constant 6144 : i32
      %add3A_682 = arith.addi %add3A_681, %mul3A_680 : i32
      %get3A_683 = arith.index_cast %add3A_682 : i32 to index
      %get3A_684 = tpu.vector_load %arg6[%get3A_683] {strides = array<i32>} : memref<8704xf32, #tpu.memory_space<vmem>>, vector<16xf32>,
      %get3A_685 = vector.shape_cast %get3A_684 : vector<16xf32> to vector<16xf32>
      %add3A_686 = arith.addf %add3A_678, %get3A_685 : vector<16xf32>
      %mul3A_687 = arith.constant 16 : i32
      %mul3A_688 = arith.muli %scan3A_585, %mul3A_687 : i32
      %add3A_689 = arith.constant 6656 : i32
      %add3A_690 = arith.addi %add3A_689, %mul3A_688 : i32
      %get3A_691 = arith.index_cast %add3A_690 : i32 to index
      %get3A_692 = tpu.vector_load %arg6[%get3A_691] {strides = array<i32>} : memref<8704xf32, #tpu.memory_space<vmem>>, vector<16xf32>,
      %get3A_693 = vector.shape_cast %get3A_692 : vector<16xf32> to vector<16xf32>
      %add3A_694 = arith.addf %add3A_686, %get3A_693 : vector<16xf32>
      %mul3A_695 = arith.constant 16 : i32
      %mul3A_696 = arith.muli %scan3A_585, %mul3A_695 : i32
      %add3A_697 = arith.constant 7168 : i32
      %add3A_698 = arith.addi %add3A_697, %mul3A_696 : i32
      %get3A_699 = arith.index_cast %add3A_698 : i32 to index
      %get3A_700 = tpu.vector_load %arg6[%get3A_699] {strides = array<i32>} : memref<8704xf32, #tpu.memory_space<vmem>>, vector<16xf32>,
      %get3A_701 = vector.shape_cast %get3A_700 : vector<16xf32> to vector<16xf32>
      %add3A_702 = arith.addf %add3A_694, %get3A_701 : vector<16xf32>
      %mul3A_703 = arith.constant 16 : i32
      %mul3A_704 = arith.muli %scan3A_585, %mul3A_703 : i32
      %add3A_705 = arith.constant 7680 : i32
      %add3A_706 = arith.addi %add3A_705, %mul3A_704 : i32
      %get3A_707 = arith.index_cast %add3A_706 : i32 to index
      %get3A_708 = tpu.vector_load %arg6[%get3A_707] {strides = array<i32>} : memref<8704xf32, #tpu.memory_space<vmem>>, vector<16xf32>,
      %get3A_709 = vector.shape_cast %get3A_708 : vector<16xf32> to vector<16xf32>
      %add3A_710 = arith.addf %add3A_702, %get3A_709 : vector<16xf32>
      %mul3A_711 = arith.constant 16 : i32
      %mul3A_712 = arith.muli %scan3A_585, %mul3A_711 : i32
      %add3A_713 = arith.constant 8192 : i32
      %add3A_714 = arith.addi %add3A_713, %mul3A_712 : i32
      %get3A_715 = arith.index_cast %add3A_714 : i32 to index
      %get3A_716 = tpu.vector_load %arg6[%get3A_715] {strides = array<i32>} : memref<8704xf32, #tpu.memory_space<vmem>>, vector<16xf32>,
      %get3A_717 = vector.shape_cast %get3A_716 : vector<16xf32> to vector<16xf32>
      %add3A_718 = arith.addf %add3A_710, %get3A_717 : vector<16xf32>
      %mul3A_719 = arith.constant 16 : i32
      %mul3A_720 = arith.muli %scan3A_585, %mul3A_719 : i32
      %swap3A = arith.index_cast %mul3A_720 : i32 to index
      %swap3A_721 = tpu.vector_load %arg7[%swap3A] {strides = array<i32>} : memref<512xf32, #tpu.memory_space<vmem>>, vector<16xf32>,
      %swap3A_722 = vector.shape_cast %swap3A_721 : vector<16xf32> to vector<16xf32>
      %swap3A_723 = vector.shape_cast %add3A_718 : vector<16xf32> to vector<16xf32>
      tpu.vector_store %arg7[%swap3A], %swap3A_723 {strides = array<i32>} : memref<512xf32, #tpu.memory_space<vmem>>, vector<16xf32>,
      %scan3A_724 = arith.constant 0 : i32
      scf.yield %scan3A_724 : i32
    }
    %scan3A_584 = arith.constant 32 : i32
    "tpu.region"() ({
      %run_scoped3A = tpu.sem_alloc : memref<!tpu.dma_semaphore, #tpu.memory_space<semaphore_mem>>
      %dma_start3A_585 = tpu.memref_slice %arg4[%mul3A_2] : memref<16384xf32, #tpu.memory_space<hbm>> -> memref<512xf32, #tpu.memory_space<hbm>>
      %dma_start3A_586 = tpu.memref_slice %arg4[%mul3A_2] : memref<16384xf32, #tpu.memory_space<hbm>> -> memref<512xf32, #tpu.memory_space<hbm>>
      tpu.enqueue_dma source(%arg7 : memref<512xf32, #tpu.memory_space<vmem>>) target(%dma_start3A_586 : memref<512xf32, #tpu.memory_space<hbm>>) target_semaphore(%run_scoped3A : memref<!tpu.dma_semaphore, #tpu.memory_space<semaphore_mem>>)
      %dma_wait3A_587 = tpu.memref_slice %arg4[%mul3A_2] : memref<16384xf32, #tpu.memory_space<hbm>> -> memref<512xf32, #tpu.memory_space<hbm>>
      %dma_wait3A_588 = tpu.memref_slice %arg4[%mul3A_2] : memref<16384xf32, #tpu.memory_space<hbm>> -> memref<512xf32, #tpu.memory_space<hbm>>
      tpu.wait_dma2 semaphore(%run_scoped3A : memref<!tpu.dma_semaphore, #tpu.memory_space<semaphore_mem>>) src(%arg7 : memref<512xf32, #tpu.memory_space<vmem>>) dst(%dma_wait3A_588 : memref<512xf32, #tpu.memory_space<hbm>>)
      tpu.yield
    }) : () -> ()
    return
  }
}

</mosaic_0001>

<sc_bundles>
// kernel: kernel.4.cloned.1.call-start
scs
__scs_entry_jumppad:
0x0: {  	(pc) =	sbr.rel $0x88, $3  }
0x1: {  	(tag) =	ssettag $0x0;
	lr =	simm.s32 $0x1  }
0x2: {  	[smem:$0x3F9E] =	sst lr;
	_ =	strace $0xD0000000  }
0x3: {  	_ = 	snop  }
0x4: {  	_ = 	snop  }
0x5: {  	_ = 	snop  }
0x6: {  	_ = 	snop  }
0x7: {  	_ = 	snop  }
__scs_overlays_trampoline_lowered:
0x8: {  	[smem:$0x3FAD] =	sst s0  }
0x9: {  	[smem:$0x3FAE] =	sst s1  }
0xa: {  	[smem:$0x3FAF] =	sst s2  }
0xb: {  	[smem:$0x3FB0] =	sst s3  }
0xc: {  	[smem:$0x3FB1] =	sst s4  }
0xd: {  	[smem:$0x3FB2] =	sst s5  }
0xe: {  	[smem:$0x3FB3] =	sst s6  }
0xf: {  	[smem:$0x3FB4] =	sst s7  }
0x10: {  	[smem:$0x3FB5] =	sst s8  }
0x11: {  	[smem:$0x3FB6] =	sst s9;
	s0 =	simm.s32 @!p0 $0x0  }
0x12: {  	s1 =	sld [smem:$0x3F9C];
	s0 =	simm.s32 @p0 $0x1  }
0x13: {  	[smem:$0x3FB7] =	sst s0;
	s0 =	simm.s32 @!p1 $0x0  }
0x14: {  	s2 =	sld [smem:$0x3F9B];
	s0 =	simm.s32 @p1 $0x1  }
0x15: {  	[smem:$0x3FB8] =	sst s0;
	s0 =	simm.s32 @!p2 $0x0  }
0x16: {  	s3 =	sld [smem:$0x3FDB];
	s0 =	simm.s32 @p2 $0x1  }
0x17: {  	s4 =	simm.s32 $0x1BF5;
	[smem:$0x3FBA] =	sst s0  }
0x18: {  	s0 =	sld [smem:$0x3F9D];
	_ =	swait.ge [sflag:s4], $0x0  }
0x19: {  	s7 =	sld [smem:$0x3F9E]  }
0x1a: {  	s8 =	sadd.s32 $0xFFFFE003, lr  }
0x1b: {  	s9 =	sadd.s32 $0xFFFFFEF7, lr;
	s5 =	simm.s32 $0xFFFFFFFF;
	p2 =	slt.u32 s8, $0xFFFFF086  }
0x1c: {  	p1 =	slt.u32 s9, $0xF7A;
	s5 =	simm.s32 @!p2 $0x0  }
0x1d: {  	s5 =	simm.s32 @p1 $0x1;
	p0 =	seq.s32 s7, s2  }
0x1e: {  	s7 =	smul.u32 @!p0 $0xF7A, s2;
	p2 =	seq.s32 @!p0 s5, $0x0  }
0x1f: {  	s9 =	smul.u32 $0xF7A, s1;
	s8 =	simm.s32 @!p0 $0x1BF5;
	p2 =	por !p2, p0  }
0x20: {  	[sflag:s8] =	ssyncset.s32 @!p0 $0xFFFFF086;
	s6 =	sadd.s32 @!p0 s3, s7;
	s7 =	simm.s32 @!p0 $0x108  }
0x21: {  	s3 =	sadd.s32 s3, s9;
	s6 =	sadd.s32 @!p0 $0x88, s6;
	s7 =	simm.s32 @p2 $0x1082  }
0x22: {  	[simem:s7], [sflag:s8] =	dma.local @!p0 [hbm:s6], $0xF7A  }
0x23: {  	s9 =	sor.u32 $0xD0000000, s2;
	s6 =	simm.s32 $0x108;
	_ =	swait.ge @!p0 [sflag:s8], $0x0  }
0x24: {  	s3 =	sadd.s32 $0x88, s3;
	s6 =	simm.s32 @!p1 $0x1082;
	[sflag:s4] =	ssyncset.s32 $0xFFFFF086  }
0x25: {  	[simem:s6], [sflag:s4] =	dma.local [hbm:s3], $0xF7A  }
0x26: {  	[smem:$0x3F9E] =	sst s1;
	(tag) =	ssettag s2;
	_ =	strace s9  }
0x27: {  	s1 =	sld [smem:$0x3FAE]  }
0x28: {  	s2 =	sld [smem:$0x3FAF]  }
0x29: {  	s4 =	sld [smem:$0x3FB1]  }
0x2a: {  	p0 =	seq.s32 s5, $0x0;
	s5 =	sld [smem:$0x3FB2]  }
0x2b: {  	s6 =	sld [smem:$0x3FB3]  }
0x2c: {  	s7 =	sld [smem:$0x3FB4]  }
0x2d: {  	s3 =	simm.s32 $0x108;
	s8 =	sld [smem:$0x3FB5]  }
0x2e: {  	s3 =	simm.s32 @!p0 $0x1082;
	s9 =	sld [smem:$0x3FB6]  }
0x2f: {  	lr =	sadd.s32 s0, s3;
	s0 =	sld [smem:$0x3FAD]  }
0x30: {  	s3 =	sld [smem:$0x3FB0]  }
0x31: {  	[smem:$0x3FB9] =	sst s10  }
0x32: {  	s10 =	sld [smem:$0x3FB7];
	_ =	sdelay $0x3  }
0x33: {  	p0 =	seq.s32 s10, $0x1;
	s10 =	sld [smem:$0x3FB9];
	_ =	sdelay $0x3  }
0x34: {  	[smem:$0x3FB9] =	sst s10  }
0x35: {  	s10 =	sld [smem:$0x3FB8];
	_ =	sdelay $0x3  }
0x36: {  	p1 =	seq.s32 s10, $0x1;
	s10 =	sld [smem:$0x3FB9];
	_ =	sdelay $0x3  }
0x37: {  	[smem:$0x3FB9] =	sst s10  }
0x38: {  	s10 =	sld [smem:$0x3FBA]  }
0x39: {  	_ = 	snop;
	(pc) =	sbr.ind lr, $3  }
0x3a: {  	_ = 	snop  }
0x3b: {  	_ = 	snop  }
0x3c: {  	p2 =	seq.s32 s10, $0x1;
	s10 =	sld [smem:$0x3FB9]  }
0x3d: {  	_ =	shalt  }
0x3e: {  	_ =	shalt  }
0x3f: {  	_ =	shalt  }
0x40: {  	_ =	shalt  }
0x41: {  	_ =	shalt  }
0x42: {  	_ =	shalt  }
0x43: {  	_ =	shalt  }
0x44: {  	_ =	shalt  }
0x45: {  	_ =	shalt  }
0x46: {  	_ =	shalt  }
0x47: {  	_ =	shalt  }
0x48: {  	_ =	shalt  }
0x49: {  	_ =	shalt  }
0x4a: {  	_ =	shalt  }
0x4b: {  	_ =	shalt  }
0x4c: {  	_ =	shalt  }
0x4d: {  	_ =	shalt  }
0x4e: {  	_ =	shalt  }
0x4f: {  	_ =	shalt  }
0x50: {  	_ =	shalt  }
0x51: {  	_ =	shalt  }
0x52: {  	_ =	shalt  }
0x53: {  	_ =	shalt  }
0x54: {  	_ =	shalt  }
0x55: {  	_ =	shalt  }
0x56: {  	_ =	shalt  }
0x57: {  	_ =	shalt  }
0x58: {  	_ =	shalt  }
0x59: {  	_ =	shalt  }
0x5a: {  	_ =	shalt  }
0x5b: {  	_ =	shalt  }
0x5c: {  	_ =	shalt  }
0x5d: {  	_ =	shalt  }
0x5e: {  	_ =	shalt  }
0x5f: {  	_ =	shalt  }
0x60: {  	_ =	shalt  }
0x61: {  	_ =	shalt  }
0x62: {  	_ =	shalt  }
0x63: {  	_ =	shalt  }
0x64: {  	_ =	shalt  }
0x65: {  	_ =	shalt  }
0x66: {  	_ =	shalt  }
0x67: {  	_ =	shalt  }
0x68: {  	_ =	shalt  }
0x69: {  	_ =	shalt  }
0x6a: {  	_ =	shalt  }
0x6b: {  	_ =	shalt  }
0x6c: {  	_ =	shalt  }
0x6d: {  	_ =	shalt  }
0x6e: {  	_ =	shalt  }
0x6f: {  	_ =	shalt  }
0x70: {  	_ =	shalt  }
0x71: {  	_ =	shalt  }
0x72: {  	_ =	shalt  }
0x73: {  	_ =	shalt  }
0x74: {  	_ =	shalt  }
0x75: {  	_ =	shalt  }
0x76: {  	_ =	shalt  }
0x77: {  	_ =	shalt  }
0x78: {  	_ =	shalt  }
0x79: {  	_ =	shalt  }
0x7a: {  	_ =	shalt  }
0x7b: {  	_ =	shalt  }
0x7c: {  	_ =	shalt  }
0x7d: {  	_ =	shalt  }
0x7e: {  	_ =	shalt  }
0x7f: {  	_ =	shalt  }
0x80: {  	_ =	shalt  }
0x81: {  	_ =	shalt  }
0x82: {  	_ =	shalt  }
0x83: {  	_ =	shalt  }
0x84: {  	_ =	shalt  }
0x85: {  	_ =	shalt  }
0x86: {  	_ =	shalt  }
0x87: {  	_ =	shalt  }
.Lfunc_end0:
.L_simem_size_0:
called_computation_lowered:
.L_overlay_start_0:
0x88: {  	s2 =	sld [smem:$0x3FD9]  }
0x89: {  	s3 =	sld [smem:$0x3FFE];
	_ =	sdelay $0x1  }
0x8a: {  	s1 =	srdreg.scid  }
0x8b: {  	s0 =	sand.u32 $0x1, s1  }
0x8c: {  	s17 =	sshll.u32 s0, $0xA;
	s2 =	sadd.s32 s3, s2  }
0x8d: {  	s2 =	sadd.s32 s2, s17  }
0x8e: {  	[smem:$0x3FC5] =	sst s2  }
0x8f: {  	_ = 	snop  }
0x90: {  	s2 =	sld [smem:$0x3FC9];
	(tm) =	ssettm $0x1  }
0x91: {  	s18 =	sld [smem:$0x3FFB];
	_ =	sdelay $0x3  }
0x92: {  	_ =	strace s18  }
0x93: {  	s3 =	sld [smem:$0x3FFC];
	_ =	sdelay $0x3  }
0x94: {  	_ =	strace s3  }
0x95: {  	s3 =	sld [smem:$0x3FFD];
	_ =	sdelay $0x3  }
0x96: {  	_ =	strace s3  }
0x97: {  	_ =	strace $0x8FFFFFFF  }
0x98: {  	s19 =	sld [smem:$0x3FDB];
	_ =	sdelay $0x1  }
0x99: {  	s4 =	simm.s32 $_scs_section_size  }
0x9a: {  	s5 =	simm.s32 $_size__tile_overlayer_lowered;
	s6 =	simm.s32 $_tile_overlayer_lowered  }
0x9b: {  	s22 =	simm.s32 $0x1BFF;
	s21 =	sshll.u32 s6, $0x1;
	s3 =	sadd.s32 s4, s19  }
0x9c: {  	s7 =	simm.s32 $0x0;
	s20 =	sshll.u32 s5, $0x1;
	s5 =	sadd.s32 s21, s3  }
0x9d: {  	[timem:s7], [sflag:s22] =	dma.local [hbm:s5], s20  }
0x9e: {  	_ =	swait.ge [sflag:s22], s20  }
0x9f: {  	s4 =	ssub.s32 $0x0, s20;
	[sflag:s22] =	ssyncset.done $0x0  }
0xa0: {  	[sflag:s22] =	ssyncadd.s32 s4;
	_ =	sdelay $0x1  }
0xa1: {  	s23 =	simm.s32 $0x1B8B  }
0xa2: {  	_ =	swait.ge [sflag:s23], $0x1  }
0xa3: {  	[sflag:s23] =	ssyncset.done $0x0  }
0xa4: {  	s25 =	simm.s32 $0x1B8E;
	s24 =	sld [smem:$0x3FFE];
	[sflag:s23] =	ssyncadd.s32 $0xFFFFFFFF  }
0xa5: {  	s26 =	simm.s32 $execute0_lowered;
	[smem:$0x3FD2] =	sst s25  }
0xa6: {  	s5 =	sshll.u32 s26, $0x1;
	_ =	strace $0x80000046;
	[dreg:$0x1] =	wrdreg $0xFFFFFFFF  }
0xa7: {  	s28 =	simm.s32 $_size_execute0_lowered;
	s3 =	sadd.s32 s3, s5;
	[dreg:$0x0] =	wrdreg $0x0  }
0xa8: {  	s5 =	sshll.u32 s28, $0x1;
	[dreg:$0x2] =	wrdreg s3  }
0xa9: {  	[dreg:$0x3] =	wrdreg s5  }
0xaa: {  	[dreg:$0x4] =	wrdreg $0xC0  }
0xab: {  	_ =	task [dreg:s7], $0x5FFFF  }
0xac: {  	[dreg:$0x1] =	wrdreg $0xFFFFFFFF  }
0xad: {  	[dreg:$0x0] =	wrdreg $0x60  }
0xae: {  	[dreg:$0x2] =	wrdreg s2  }
0xaf: {  	[dreg:$0x3] =	wrdreg s24  }
0xb0: {  	[dreg:$0x4] =	wrdreg $0x9  }
0xb1: {  	_ =	task.clear_ibuf [dreg:s7], $0x5FFFF;
	_ =	strace $0x90000046  }
0xb2: {  	s29 =	simm.s32 $0x9;
	_ =	strace $0x80000048  }
0xb3: {  	_ =	swait.ge [sflag:s29], $0x1  }
0xb4: {  	[sflag:s29] =	ssyncadd.s32 $0xFFFFFFFF  }
0xb5: {  	_ =	strace $0x90000048  }
0xb6: {  	_ =	sfence  }
0xb7: {  	s30 =	sld [smem:$0x0];
	_ =	sdelay $0x2  }
0xb8: {  	s31 =	sshll.u32 s1, $0xD;
	s1 =	sshrl.u32 s1, $0x2  }
0xb9: {  	s3 =	sand.u32 $0x4000, s31;
	s1 =	sadd.s32 s1, s30  }
0xba: {  	s0 =	sor.u32 s3, s0;
	s1 =	sshll.u32 s1, $0x11  }
0xbb: {  	s0 =	sor.u32 s1, s0  }
0xbc: {  	s0 =	sadd.s32 $0x8F2B, s0  }
0xbd: {  	[sflag:s0] =	ssyncadd.remote.s32 $0x1  }
0xbe: {  	_ =	sfence.sel $0xFFFF  }
0xbf: {  	[dreg:$0x0] =	wrdreg $0xFFFFFFFF;
	(pc) =	sbr.abs _section_cstart, $3  }
0xc0: {  	[dreg:$0x1] =	wrdreg $0xFFFFFFFF  }
0xc1: {  	_ =	task.clear_ibuf [dreg:s7], $0x2FFFF;
	_ =	strace $0x9FFFFFFF  }
0xc2: {  	(tm) =	ssettm $0x7FFFFFFF  }
0xc3: {  	_ =	shalt  }
tec
execute0_lowered:
.L_overlay_start_1:
0x0: {  	(tag) =	ssettag $0x1  }
0x1: {  	s0 =	rddreg [dreg:$0x0]  }
0x2: {  	s9 =	rddreg [dreg:$0x1]  }
0x3: {  	s1 =	srdreg.scid;
	s2 =	stileid.u32;
	s3 =	simm.s32 $0x0  }
0x4: {  	s1 =	sand.u32 $0x1, s1;
	s2 =	sshll.u32 s2, $0xA;
	[smem:$0x7FF] =	sst s3  }
0x5: {  	s12 =	sadd.s32 $0x1388, s9;
	s13 =	sadd.s32 $0x2710, s9;
	s14 =	sadd.s32 $0x3A98, s9  }
0x6: {  	s17 =	sadd.s32 $0x4E20, s9;
	_ =	strace $0x80000047;
	[dreg:$0x13] =	wrdreg s12  }
0x7: {  	s4 =	sshll.u32 s1, $0x9;
	s1 =	ssub.s32 $0x2, s1;
	[dreg:$0x14] =	wrdreg s13  }
0x8: {  	[dreg:$0x15] =	wrdreg s14;
	s2 =	sor.u32 s4, s2;
	s5 =	sshrl.u32 s1, $0x1  }
0x9: {  	[dreg:$0x18] =	wrdreg s17;
	s4 =	sshrl.u32 s2, $0x3;
	s1 =	ssub.s32 s1, s5  }
0xa: {  	s6 =	sadd.s32 s4, s9;
	s4 =	sadd.s32 s0, s2;
	s16 =	smax.u32 s1, $0x1  }
0xb: {  	s0 =	sadd.s32 $0x10, s4;
	[dreg:$0x17] =	wrdreg s16  }
0xc: {  	s18 =	sadd.s32 $0x20, s4;
	[dreg:$0x3] =	wrdreg s0  }
0xd: {  	s19 =	sadd.s32 $0x30, s4;
	[dreg:$0x4] =	wrdreg s18  }
0xe: {  	s20 =	sadd.s32 $0x40, s4;
	[dreg:$0x5] =	wrdreg s19  }
0xf: {  	s21 =	sadd.s32 $0x50, s4;
	[dreg:$0x6] =	wrdreg s20  }
0x10: {  	s22 =	sadd.s32 $0x60, s4;
	[dreg:$0x7] =	wrdreg s21  }
0x11: {  	s23 =	sadd.s32 $0x70, s4;
	[dreg:$0x8] =	wrdreg s22  }
0x12: {  	s24 =	sadd.s32 $0x4000, s4;
	[dreg:$0x9] =	wrdreg s23  }
0x13: {  	s25 =	sadd.s32 $0x4010, s4;
	[dreg:$0xa] =	wrdreg s24  }
0x14: {  	s26 =	sadd.s32 $0x4020, s4;
	[dreg:$0xb] =	wrdreg s25  }
0x15: {  	s2 =	sadd.s32 $0x4030, s4;
	[dreg:$0xc] =	wrdreg s26  }
0x16: {  	s5 =	sadd.s32 $0x4040, s4;
	[dreg:$0xd] =	wrdreg s2  }
0x17: {  	s28 =	simm.s32 $0x1;
	s7 =	sadd.s32 $0x4050, s4;
	[dreg:$0xe] =	wrdreg s5  }
0x18: {  	s29 =	simm.s32 $0x2;
	s8 =	sadd.s32 $0x4060, s4;
	[dreg:$0xf] =	wrdreg s7  }
0x19: {  	s30 =	simm.s32 $0x4400;
	s10 =	sadd.s32 $0x4070, s4;
	[dreg:$0x10] =	wrdreg s8  }
0x1a: {  	s31 =	simm.s32 $0x3;
	s11 =	sadd.s32 $0x8000, s4;
	[dreg:$0x11] =	wrdreg s10  }
0x1b: {  	s12 =	simm.s32 $0x200;
	s15 =	sadd.s32 $0x14E00, s6;
	[dreg:$0x12] =	wrdreg s11  }
0x1c: {  	s13 =	simm.s32 $0x600;
	[dreg:$0x16] =	wrdreg s15;
	s18 =	sadd.s32 $0x61A8, s9  }
0x1d: {  	s14 =	simm.s32 $0x800;
	s19 =	sadd.s32 $0x7530, s9;
	[dreg:$0x19] =	wrdreg s18  }
0x1e: {  	s17 =	simm.s32 $0xE00;
	s20 =	sadd.s32 $0x88B8, s9;
	[dreg:$0x1a] =	wrdreg s19  }
0x1f: {  	s16 =	simm.s32 $0xC00;
	s21 =	sadd.s32 $0x9C40, s9;
	[dreg:$0x1b] =	wrdreg s20  }
0x20: {  	s22 =	sadd.s32 $0xAFC8, s9;
	s23 =	sadd.s32 $0xC350, s9;
	[dreg:$0x1c] =	wrdreg s21  }
0x21: {  	s24 =	sadd.s32 $0xD6D8, s9;
	s25 =	sadd.s32 $0xEA60, s9;
	[dreg:$0x1d] =	wrdreg s22  }
0x22: {  	s26 =	sadd.s32 $0xFDE8, s9;
	s7 =	sadd.s32 $0x11170, s9;
	[dreg:$0x1e] =	wrdreg s23  }
0x23: {  	s8 =	sadd.s32 $0x124F8, s9;
	s9 =	sadd.s32 $0x13880, s9;
	[dreg:$0x1f] =	wrdreg s24  }
0x24: {  	s10 =	simm.s32 $0x80;
	s11 =	simm.s32 $0x400;
	[smem:$0x7FC] =	sst s25  }
0x25: {  	s15 =	simm.s32 $0xA00;
	s0 =	simm.s32 $0x0;
	[smem:$0x7FD] =	sst s26  }
0x26: {  	s18 =	simm.s32 $0x1000;
	s19 =	simm.s32 $0x1200;
	s20 =	simm.s32 $0x1400  }
0x27: {  	s21 =	simm.s32 $0x1600;
	s22 =	simm.s32 $0x1800;
	s23 =	simm.s32 $0x1A00  }
0x28: {  	s24 =	simm.s32 $0x1C00;
	s25 =	simm.s32 $0x1E00;
	s26 =	simm.s32 $0x2000  }
.LBB2_1:
0x29: {  	[tilespmem:s3], [sflag:$0x1] =	stream.strided.gather [hbm4b:s4+s10], $0x200, s11, s10, $0x38;
	[tilespmem:$0x4600] =	vst v63  }
0x2a: {  	s1 =	rddreg [dreg:$0x3]  }
0x2b: {  	[tilespmem:s12], [sflag:$0x1] =	stream.strided.gather [hbm4b:s1+s10], $0x200, s11, s10, $0x38;
	[tilespmem:$0x4600] =	vst v63  }
0x2c: {  	s6 =	rddreg [dreg:$0x4]  }
0x2d: {  	[tilespmem:s11], [sflag:$0x1] =	stream.strided.gather [hbm4b:s6+s10], $0x200, s11, s10, $0x38;
	[tilespmem:$0x4600] =	vst v63  }
0x2e: {  	s2 =	rddreg [dreg:$0x5]  }
0x2f: {  	[tilespmem:s13], [sflag:$0x1] =	stream.strided.gather [hbm4b:s2+s10], $0x200, s11, s10, $0x38;
	[tilespmem:$0x4600] =	vst v63  }
0x30: {  	s5 =	rddreg [dreg:$0x6]  }
0x31: {  	[tilespmem:s14], [sflag:$0x1] =	stream.strided.gather [hbm4b:s5+s10], $0x200, s11, s10, $0x38;
	[tilespmem:$0x4600] =	vst v63  }
0x32: {  	s6 =	rddreg [dreg:$0x7]  }
0x33: {  	[tilespmem:s15], [sflag:$0x1] =	stream.strided.gather [hbm4b:s6+s10], $0x200, s11, s10, $0x38;
	[tilespmem:$0x4600] =	vst v63  }
0x34: {  	s2 =	rddreg [dreg:$0x8]  }
0x35: {  	[tilespmem:s16], [sflag:$0x1] =	stream.strided.gather [hbm4b:s2+s10], $0x200, s11, s10, $0x38;
	[tilespmem:$0x4600] =	vst v63  }
0x36: {  	s5 =	rddreg [dreg:$0x9]  }
0x37: {  	[tilespmem:s17], [sflag:$0x1] =	stream.strided.gather [hbm4b:s5+s10], $0x200, s11, s10, $0x38;
	[tilespmem:$0x4600] =	vst v63  }
0x38: {  	s6 =	rddreg [dreg:$0xa]  }
0x39: {  	[tilespmem:s18], [sflag:$0x1] =	stream.strided.gather [hbm4b:s6+s10], $0x200, s11, s10, $0x38;
	[tilespmem:$0x4600] =	vst v63  }
0x3a: {  	s2 =	rddreg [dreg:$0xb]  }
0x3b: {  	[tilespmem:s19], [sflag:$0x1] =	stream.strided.gather [hbm4b:s2+s10], $0x200, s11, s10, $0x38;
	[tilespmem:$0x4600] =	vst v63  }
0x3c: {  	s5 =	rddreg [dreg:$0xc]  }
0x3d: {  	[tilespmem:s20], [sflag:$0x1] =	stream.strided.gather [hbm4b:s5+s10], $0x200, s11, s10, $0x38;
	[tilespmem:$0x4600] =	vst v63  }
0x3e: {  	s6 =	rddreg [dreg:$0xd]  }
0x3f: {  	[tilespmem:s21], [sflag:$0x1] =	stream.strided.gather [hbm4b:s6+s10], $0x200, s11, s10, $0x38;
	[tilespmem:$0x4600] =	vst v63  }
0x40: {  	s2 =	rddreg [dreg:$0xe]  }
0x41: {  	[tilespmem:s22], [sflag:$0x1] =	stream.strided.gather [hbm4b:s2+s10], $0x200, s11, s10, $0x38;
	[tilespmem:$0x4600] =	vst v63  }
0x42: {  	s5 =	rddreg [dreg:$0xf]  }
0x43: {  	[tilespmem:s23], [sflag:$0x1] =	stream.strided.gather [hbm4b:s5+s10], $0x200, s11, s10, $0x38;
	[tilespmem:$0x4600] =	vst v63  }
0x44: {  	s6 =	rddreg [dreg:$0x10]  }
0x45: {  	[tilespmem:s24], [sflag:$0x1] =	stream.strided.gather [hbm4b:s6+s10], $0x200, s11, s10, $0x38;
	[tilespmem:$0x4600] =	vst v63  }
0x46: {  	s2 =	rddreg [dreg:$0x11]  }
0x47: {  	[tilespmem:s25], [sflag:$0x1] =	stream.strided.gather [hbm4b:s2+s10], $0x200, s11, s10, $0x38;
	[tilespmem:$0x4600] =	vst v63  }
0x48: {  	s5 =	rddreg [dreg:$0x12]  }
0x49: {  	[tilespmem:s26], [sflag:$0x1] =	stream.strided.gather [hbm4b:s5+s10], $0x200, s11, s10, $0x38;
	[tilespmem:$0x4600] =	vst v63  }
0x4a: {  	_ =	swait.ge [sflag:s28], $0x200  }
0x4b: {  	[sflag:s28] =	ssyncset.done $0x0  }
0x4c: {  	[sflag:s28] =	ssyncadd.s32 $0xFFFFFE00  }
0x4d: {  	s1 =	simm.s32 $0x2200;
	s2 =	rddreg [dreg:$0x1]  }
0x4e: {  	[tilespmem:s1], [sflag:$0x2] =	stream.indirect.gather [hbm4b:s2+s12], $0x1, s3, s12, $0xb8;
	[tilespmem:$0x4600] =	vst v63  }
0x4f: {  	_ =	swait.ge [sflag:s28], $0x200  }
0x50: {  	[sflag:s28] =	ssyncset.done $0x0  }
0x51: {  	s5 =	simm.s32 $0x2400;
	s6 =	rddreg [dreg:$0x13];
	[sflag:s28] =	ssyncadd.s32 $0xFFFFFE00  }
0x52: {  	[tilespmem:s5], [sflag:$0x2] =	stream.indirect.gather [hbm4b:s6+s12], $0x1, s12, s12, $0xb8;
	[tilespmem:$0x4600] =	vst v63  }
0x53: {  	_ =	swait.ge [sflag:s28], $0x200  }
0x54: {  	[sflag:s28] =	ssyncset.done $0x0  }
0x55: {  	s6 =	simm.s32 $0x2600;
	s5 =	rddreg [dreg:$0x14];
	[sflag:s28] =	ssyncadd.s32 $0xFFFFFE00  }
0x56: {  	[tilespmem:s6], [sflag:$0x2] =	stream.indirect.gather [hbm4b:s5+s12], $0x1, s11, s12, $0xb8;
	[tilespmem:$0x4600] =	vst v63  }
0x57: {  	_ =	swait.ge [sflag:s28], $0x200  }
0x58: {  	[sflag:s28] =	ssyncset.done $0x0  }
0x59: {  	s6 =	simm.s32 $0x2800;
	s5 =	rddreg [dreg:$0x15];
	[sflag:s28] =	ssyncadd.s32 $0xFFFFFE00  }
0x5a: {  	[tilespmem:s6], [sflag:$0x2] =	stream.indirect.gather [hbm4b:s5+s12], $0x1, s13, s12, $0xb8;
	[tilespmem:$0x4600] =	vst v63  }
0x5b: {  	_ =	swait.ge [sflag:s28], $0x200  }
0x5c: {  	[sflag:s28] =	ssyncset.done $0x0  }
0x5d: {  	s6 =	simm.s32 $0x2A00;
	s5 =	rddreg [dreg:$0x18];
	[sflag:s28] =	ssyncadd.s32 $0xFFFFFE00  }
0x5e: {  	[tilespmem:s6], [sflag:$0x2] =	stream.indirect.gather [hbm4b:s5+s12], $0x1, s14, s12, $0xb8;
	[tilespmem:$0x4600] =	vst v63  }
0x5f: {  	_ =	swait.ge [sflag:s28], $0x200  }
0x60: {  	[sflag:s28] =	ssyncset.done $0x0  }
0x61: {  	s6 =	simm.s32 $0x2C00;
	s5 =	rddreg [dreg:$0x19];
	[sflag:s28] =	ssyncadd.s32 $0xFFFFFE00  }
0x62: {  	[tilespmem:s6], [sflag:$0x2] =	stream.indirect.gather [hbm4b:s5+s12], $0x1, s15, s12, $0xb8;
	[tilespmem:$0x4600] =	vst v63  }
0x63: {  	_ =	swait.ge [sflag:s28], $0x200  }
0x64: {  	[sflag:s28] =	ssyncset.done $0x0  }
0x65: {  	s6 =	simm.s32 $0x2E00;
	s5 =	rddreg [dreg:$0x1a];
	[sflag:s28] =	ssyncadd.s32 $0xFFFFFE00  }
0x66: {  	[tilespmem:s6], [sflag:$0x2] =	stream.indirect.gather [hbm4b:s5+s12], $0x1, s16, s12, $0xb8;
	[tilespmem:$0x4600] =	vst v63  }
0x67: {  	_ =	swait.ge [sflag:s28], $0x200  }
0x68: {  	[sflag:s28] =	ssyncset.done $0x0  }
0x69: {  	s6 =	simm.s32 $0x3000;
	s5 =	rddreg [dreg:$0x1b];
	[sflag:s28] =	ssyncadd.s32 $0xFFFFFE00  }
0x6a: {  	[tilespmem:s6], [sflag:$0x2] =	stream.indirect.gather [hbm4b:s5+s12], $0x1, s17, s12, $0xb8;
	[tilespmem:$0x4600] =	vst v63  }
0x6b: {  	_ =	swait.ge [sflag:s28], $0x200  }
0x6c: {  	[sflag:s28] =	ssyncset.done $0x0  }
0x6d: {  	s6 =	simm.s32 $0x3200;
	s5 =	rddreg [dreg:$0x1c];
	[sflag:s28] =	ssyncadd.s32 $0xFFFFFE00  }
0x6e: {  	[tilespmem:s6], [sflag:$0x2] =	stream.indirect.gather [hbm4b:s5+s12], $0x1, s18, s12, $0xb8;
	[tilespmem:$0x4600] =	vst v63  }
0x6f: {  	_ =	swait.ge [sflag:s28], $0x200  }
0x70: {  	[sflag:s28] =	ssyncset.done $0x0  }
0x71: {  	s6 =	simm.s32 $0x3400;
	s5 =	rddreg [dreg:$0x1d];
	[sflag:s28] =	ssyncadd.s32 $0xFFFFFE00  }
0x72: {  	[tilespmem:s6], [sflag:$0x2] =	stream.indirect.gather [hbm4b:s5+s12], $0x1, s19, s12, $0xb8;
	[tilespmem:$0x4600] =	vst v63  }
0x73: {  	_ =	swait.ge [sflag:s28], $0x200  }
0x74: {  	[sflag:s28] =	ssyncset.done $0x0  }
0x75: {  	s6 =	simm.s32 $0x3600;
	s5 =	rddreg [dreg:$0x1e];
	[sflag:s28] =	ssyncadd.s32 $0xFFFFFE00  }
0x76: {  	[tilespmem:s6], [sflag:$0x2] =	stream.indirect.gather [hbm4b:s5+s12], $0x1, s20, s12, $0xb8;
	[tilespmem:$0x4600] =	vst v63  }
0x77: {  	_ =	swait.ge [sflag:s28], $0x200  }
0x78: {  	[sflag:s28] =	ssyncset.done $0x0  }
0x79: {  	s6 =	simm.s32 $0x3800;
	s5 =	rddreg [dreg:$0x1f];
	[sflag:s28] =	ssyncadd.s32 $0xFFFFFE00  }
0x7a: {  	[tilespmem:s6], [sflag:$0x2] =	stream.indirect.gather [hbm4b:s5+s12], $0x1, s21, s12, $0xb8;
	[tilespmem:$0x4600] =	vst v63  }
0x7b: {  	_ =	swait.ge [sflag:s28], $0x200  }
0x7c: {  	s5 =	sld [smem:$0x7FC]  }
0x7d: {  	[sflag:s28] =	ssyncset.done $0x0  }
0x7e: {  	s6 =	simm.s32 $0x3A00;
	[sflag:s28] =	ssyncadd.s32 $0xFFFFFE00  }
0x7f: {  	[tilespmem:s6], [sflag:$0x2] =	stream.indirect.gather [hbm4b:s5+s12], $0x1, s22, s12, $0xb8;
	[tilespmem:$0x4600] =	vst v63  }
0x80: {  	_ =	swait.ge [sflag:s28], $0x200  }
0x81: {  	s5 =	sld [smem:$0x7FD]  }
0x82: {  	[sflag:s28] =	ssyncset.done $0x0  }
0x83: {  	s6 =	simm.s32 $0x3C00;
	[sflag:s28] =	ssyncadd.s32 $0xFFFFFE00  }
0x84: {  	[tilespmem:s6], [sflag:$0x2] =	stream.indirect.gather [hbm4b:s5+s12], $0x1, s23, s12, $0xb8;
	[tilespmem:$0x4600] =	vst v63  }
0x85: {  	_ =	swait.ge [sflag:s28], $0x200  }
0x86: {  	[sflag:s28] =	ssyncset.done $0x0  }
0x87: {  	s6 =	simm.s32 $0x3E00;
	[sflag:s28] =	ssyncadd.s32 $0xFFFFFE00  }
0x88: {  	[tilespmem:s6], [sflag:$0x2] =	stream.indirect.gather [hbm4b:s7+s12], $0x1, s24, s12, $0xb8;
	[tilespmem:$0x4600] =	vst v63  }
0x89: {  	_ =	swait.ge [sflag:s28], $0x200  }
0x8a: {  	[sflag:s28] =	ssyncset.done $0x0  }
0x8b: {  	s5 =	simm.s32 $0x4000;
	[sflag:s28] =	ssyncadd.s32 $0xFFFFFE00  }
0x8c: {  	[tilespmem:s5], [sflag:$0x2] =	stream.indirect.gather [hbm4b:s8+s12], $0x1, s25, s12, $0xb8;
	[tilespmem:$0x4600] =	vst v63  }
0x8d: {  	_ =	swait.ge [sflag:s28], $0x200  }
0x8e: {  	[sflag:s28] =	ssyncset.done $0x0  }
0x8f: {  	s6 =	simm.s32 $0x4200;
	[sflag:s28] =	ssyncadd.s32 $0xFFFFFE00  }
0x90: {  	[tilespmem:s6], [sflag:$0x2] =	stream.indirect.gather [hbm4b:s9+s12], $0x1, s26, s12, $0xb8;
	[tilespmem:$0x4600] =	vst v63  }
0x91: {  	_ =	swait.ge [sflag:s29], $0x200  }
0x92: {  	[sflag:s29] =	ssyncset.done $0x0  }
0x93: {  	[sflag:s29] =	ssyncadd.s32 $0xFFFFFE00  }
0x94: {  	_ =	swait.ge [sflag:s29], $0x200  }
0x95: {  	[sflag:s29] =	ssyncset.done $0x0  }
0x96: {  	[sflag:s29] =	ssyncadd.s32 $0xFFFFFE00  }
0x97: {  	_ =	swait.ge [sflag:s29], $0x200  }
0x98: {  	[sflag:s29] =	ssyncset.done $0x0  }
0x99: {  	[sflag:s29] =	ssyncadd.s32 $0xFFFFFE00  }
0x9a: {  	_ =	swait.ge [sflag:s29], $0x200  }
0x9b: {  	[sflag:s29] =	ssyncset.done $0x0  }
0x9c: {  	[sflag:s29] =	ssyncadd.s32 $0xFFFFFE00  }
0x9d: {  	_ =	swait.ge [sflag:s29], $0x200  }
0x9e: {  	[sflag:s29] =	ssyncset.done $0x0  }
0x9f: {  	[sflag:s29] =	ssyncadd.s32 $0xFFFFFE00  }
0xa0: {  	_ =	swait.ge [sflag:s29], $0x200  }
0xa1: {  	[sflag:s29] =	ssyncset.done $0x0  }
0xa2: {  	[sflag:s29] =	ssyncadd.s32 $0xFFFFFE00  }
0xa3: {  	_ =	swait.ge [sflag:s29], $0x200  }
0xa4: {  	[sflag:s29] =	ssyncset.done $0x0  }
0xa5: {  	[sflag:s29] =	ssyncadd.s32 $0xFFFFFE00  }
0xa6: {  	_ =	swait.ge [sflag:s29], $0x200  }
0xa7: {  	[sflag:s29] =	ssyncset.done $0x0  }
0xa8: {  	[sflag:s29] =	ssyncadd.s32 $0xFFFFFE00  }
0xa9: {  	_ =	swait.ge [sflag:s29], $0x200  }
0xaa: {  	[sflag:s29] =	ssyncset.done $0x0  }
0xab: {  	[sflag:s29] =	ssyncadd.s32 $0xFFFFFE00  }
0xac: {  	_ =	swait.ge [sflag:s29], $0x200  }
0xad: {  	[sflag:s29] =	ssyncset.done $0x0  }
0xae: {  	[sflag:s29] =	ssyncadd.s32 $0xFFFFFE00  }
0xaf: {  	_ =	swait.ge [sflag:s29], $0x200  }
0xb0: {  	[sflag:s29] =	ssyncset.done $0x0  }
0xb1: {  	[sflag:s29] =	ssyncadd.s32 $0xFFFFFE00  }
0xb2: {  	_ =	swait.ge [sflag:s29], $0x200  }
0xb3: {  	[sflag:s29] =	ssyncset.done $0x0  }
0xb4: {  	[sflag:s29] =	ssyncadd.s32 $0xFFFFFE00  }
0xb5: {  	_ =	swait.ge [sflag:s29], $0x200  }
0xb6: {  	[sflag:s29] =	ssyncset.done $0x0  }
0xb7: {  	[sflag:s29] =	ssyncadd.s32 $0xFFFFFE00  }
0xb8: {  	_ =	swait.ge [sflag:s29], $0x200  }
0xb9: {  	[sflag:s29] =	ssyncset.done $0x0  }
0xba: {  	[sflag:s29] =	ssyncadd.s32 $0xFFFFFE00  }
0xbb: {  	_ =	swait.ge [sflag:s29], $0x200  }
0xbc: {  	[sflag:s29] =	ssyncset.done $0x0  }
0xbd: {  	[sflag:s29] =	ssyncadd.s32 $0xFFFFFE00  }
0xbe: {  	_ =	swait.ge [sflag:s29], $0x200  }
0xbf: {  	[sflag:s29] =	ssyncset.done $0x0  }
0xc0: {  	[sflag:s29] =	ssyncadd.s32 $0xFFFFFE00  }
0xc1: {  	_ =	swait.ge [sflag:s29], $0x200  }
0xc2: {  	[sflag:s29] =	ssyncset.done $0x0  }
0xc3: {  	s5 =	sand.u32 $0x1F0, s3;
	[sflag:s29] =	ssyncadd.s32 $0xFFFFFE00  }
0xc4: {  	v0 =	vld [tilespmem:s5+$0x2400]  }
0xc5: {  	v1 =	vld [tilespmem:s1+$0x0];
	_ =	sdelay $0x1  }
0xc6: {  	v2 =	vld [tilespmem:s5+$0x2600];
	_ =	sdelay $0x1  }
0xc7: {  	v3 =	vld [tilespmem:s5+$0x2800]  }
0xc8: {  	v0 =	vadd.f32 v0, v1  }
0xc9: {  	v1 =	vld [tilespmem:s5+$0x2A00]  }
0xca: {  	v0 =	vadd.f32 v2, v0  }
0xcb: {  	v2 =	vld [tilespmem:s5+$0x2C00]  }
0xcc: {  	v0 =	vadd.f32 v3, v0  }
0xcd: {  	v3 =	vld [tilespmem:s5+$0x2E00]  }
0xce: {  	v0 =	vadd.f32 v1, v0  }
0xcf: {  	v1 =	vld [tilespmem:s5+$0x3000]  }
0xd0: {  	v0 =	vadd.f32 v2, v0  }
0xd1: {  	v2 =	vld [tilespmem:s5+$0x3200]  }
0xd2: {  	v0 =	vadd.f32 v3, v0  }
0xd3: {  	v3 =	vld [tilespmem:s5+$0x3400]  }
0xd4: {  	v0 =	vadd.f32 v1, v0  }
0xd5: {  	v1 =	vld [tilespmem:s5+$0x3600]  }
0xd6: {  	v0 =	vadd.f32 v2, v0  }
0xd7: {  	v2 =	vld [tilespmem:s5+$0x3800]  }
0xd8: {  	v0 =	vadd.f32 v3, v0  }
0xd9: {  	v3 =	vld [tilespmem:s5+$0x3A00]  }
0xda: {  	v0 =	vadd.f32 v1, v0  }
0xdb: {  	v1 =	vld [tilespmem:s5+$0x3C00]  }
0xdc: {  	v0 =	vadd.f32 v2, v0  }
0xdd: {  	v2 =	vld [tilespmem:s5+$0x3E00]  }
0xde: {  	v0 =	vadd.f32 v3, v0  }
0xdf: {  	v3 =	vld [tilespmem:s5+$0x4000]  }
0xe0: {  	v0 =	vadd.f32 v1, v0  }
0xe1: {  	v1 =	vld [tilespmem:s5+$0x4200]  }
0xe2: {  	v0 =	vadd.f32 v2, v0;
	_ =	sdelay $0x1  }
0xe3: {  	v0 =	vadd.f32 v3, v0;
	_ =	sdelay $0x1  }
0xe4: {  	v0 =	vadd.f32 v1, v0  }
0xe5: {  	s6 =	simm.s32 $0x10  }
0xe6: {  	s2 =	sand.u32 $0x1F0, s6;
	[tilespmem:s30+$0x0] =	vst v0  }
0xe7: {  	s6 =	simm.s32 $0x20;
	s1 =	simm.s32 $0x4400;
	s5 =	simm.s32 $0x2210;
	v0 =	vld [tilespmem:s2+$0x2400]  }
.LBB2_2:
0xe8: {  	p0 =	sne.s32 s6, $0x1F0;
	v1 =	vld [tilespmem:s5+$0x0];
	_ =	sdelay $0x1  }
0xe9: {  	v2 =	vld [tilespmem:s2+$0x2600];
	_ =	sdelay $0x1  }
0xea: {  	v3 =	vld [tilespmem:s2+$0x2800]  }
0xeb: {  	v0 =	vadd.f32 v0, v1  }
0xec: {  	v1 =	vld [tilespmem:s2+$0x2A00]  }
0xed: {  	v0 =	vadd.f32 v2, v0  }
0xee: {  	v2 =	vld [tilespmem:s2+$0x2C00]  }
0xef: {  	v0 =	vadd.f32 v3, v0  }
0xf0: {  	v3 =	vld [tilespmem:s2+$0x2E00]  }
0xf1: {  	v0 =	vadd.f32 v1, v0  }
0xf2: {  	v1 =	vld [tilespmem:s2+$0x3000]  }
0xf3: {  	v0 =	vadd.f32 v2, v0  }
0xf4: {  	v2 =	vld [tilespmem:s2+$0x3200]  }
0xf5: {  	v0 =	vadd.f32 v3, v0  }
0xf6: {  	v3 =	vld [tilespmem:s2+$0x3400]  }
0xf7: {  	v0 =	vadd.f32 v1, v0  }
0xf8: {  	v1 =	vld [tilespmem:s2+$0x3600]  }
0xf9: {  	v0 =	vadd.f32 v2, v0  }
0xfa: {  	v2 =	vld [tilespmem:s2+$0x3800]  }
0xfb: {  	v0 =	vadd.f32 v3, v0  }
0xfc: {  	v3 =	vld [tilespmem:s2+$0x3A00]  }
0xfd: {  	v0 =	vadd.f32 v1, v0  }
0xfe: {  	v1 =	vld [tilespmem:s2+$0x3C00]  }
0xff: {  	v0 =	vadd.f32 v2, v0  }
0x100: {  	v2 =	vld [tilespmem:s2+$0x3E00]  }
0x101: {  	v0 =	vadd.f32 v3, v0  }
0x102: {  	v3 =	vld [tilespmem:s2+$0x4000]  }
0x103: {  	v0 =	vadd.f32 v1, v0  }
0x104: {  	v1 =	vld [tilespmem:s2+$0x4200]  }
0x105: {  	v0 =	vadd.f32 v2, v0;
	_ =	sdelay $0x1  }
0x106: {  	v0 =	vadd.f32 v3, v0  }
.Ltmp0:
0x107: {  	(pc) =	sbr.rel @p0 .LBB2_2-.Ltmp0, $4  }
0x108: {  	v0 =	vadd.f32 v1, v0  }
0x109: {  	s1 =	sadd.s32 $0x10, s1  }
0x10a: {  	s2 =	sand.u32 $0x1F0, s6;
	[tilespmem:s1+$0x0] =	vst v0  }
0x10b: {  	s5 =	sadd.s32 $0x10, s5;
	s6 =	sadd.s32 $0x10, s6;
	v0 =	vld [tilespmem:s2+$0x2400]  }
0x10c: {  	v1 =	vld [tilespmem:s5+$0x0];
	_ =	sdelay $0x1  }
0x10d: {  	v2 =	vld [tilespmem:s2+$0x2600];
	_ =	sdelay $0x1  }
0x10e: {  	v3 =	vld [tilespmem:s2+$0x2800]  }
0x10f: {  	v0 =	vadd.f32 v0, v1  }
0x110: {  	v51 =	vld [tilespmem:s2+$0x2A00]  }
0x111: {  	v0 =	vadd.f32 v2, v0  }
0x112: {  	v52 =	vld [tilespmem:s2+$0x2C00]  }
0x113: {  	v0 =	vadd.f32 v3, v0  }
0x114: {  	v53 =	vld [tilespmem:s2+$0x2E00]  }
0x115: {  	v0 =	vadd.f32 v51, v0  }
0x116: {  	v54 =	vld [tilespmem:s2+$0x3000]  }
0x117: {  	v0 =	vadd.f32 v52, v0  }
0x118: {  	v55 =	vld [tilespmem:s2+$0x3200]  }
0x119: {  	v0 =	vadd.f32 v53, v0  }
0x11a: {  	v56 =	vld [tilespmem:s2+$0x3400]  }
0x11b: {  	v0 =	vadd.f32 v54, v0  }
0x11c: {  	v57 =	vld [tilespmem:s2+$0x3600]  }
0x11d: {  	v0 =	vadd.f32 v55, v0  }
0x11e: {  	v58 =	vld [tilespmem:s2+$0x3800]  }
0x11f: {  	v0 =	vadd.f32 v56, v0  }
0x120: {  	v59 =	vld [tilespmem:s2+$0x3A00]  }
0x121: {  	v0 =	vadd.f32 v57, v0  }
0x122: {  	v60 =	vld [tilespmem:s2+$0x3C00]  }
0x123: {  	v0 =	vadd.f32 v58, v0  }
0x124: {  	v61 =	vld [tilespmem:s2+$0x3E00]  }
0x125: {  	v0 =	vadd.f32 v59, v0  }
0x126: {  	v62 =	vld [tilespmem:s2+$0x4000]  }
0x127: {  	v0 =	vadd.f32 v60, v0  }
0x128: {  	v63 =	vld [tilespmem:s2+$0x4200]  }
0x129: {  	v0 =	vadd.f32 v61, v0;
	_ =	sdelay $0x1  }
0x12a: {  	v0 =	vadd.f32 v62, v0;
	_ =	sdelay $0x1  }
0x12b: {  	v0 =	vadd.f32 v63, v0  }
0x12c: {  	s1 =	sadd.s32 $0x10, s1  }
0x12d: {  	s5 =	rddreg [dreg:$0x16];
	[tilespmem:s1+$0x0] =	vst v0  }
0x12e: {  	[hbm4b:s5+s3] =	stream.linear.scatter [tilespmem:s30], [sflag:$0x3], $0x200, $0x38;
	[tilespmem:$0x4600] =	vst v63  }
0x12f: {  	_ =	swait.ge [sflag:s31], $0x200  }
0x130: {  	s0 =	sadd.s32 $0x1, s0;
	s6 =	rddreg [dreg:$0x17]  }
0x131: {  	p0 =	sne.s32 s0, s6  }
.Ltmp1:
0x132: {  	_ = 	snop;
	(pc) =	sbr.rel @p0 .LBB2_1-.Ltmp1, $3  }
0x133: {  	_ =	sdelay $0x1  }
0x134: {  	[sflag:s31] =	ssyncset.done $0x0  }
0x135: {  	[sflag:s31] =	ssyncadd.s32 $0xFFFFFE00  }
0x136: {  	_ =	sfence.sel $0x180000  }
0x137: {  	[bflag:$0x0] =	sbarrier.arrive $0xFFFF  }
0x138: {  	_ =	strace $0x90000047  }
0x139: {  	s0 =	stileid.u32;
	[bflag:$0x2] =	sbarrier.arrive $0xFFFF  }
0x13a: {  	p0 =	sne.s32 s0, $0x0;
	s0 =	rddreg [dreg:$0x2]  }
0x13b: {  	s0 =	sadd.s32 @!p0 $0x100000, s0  }
0x13c: {  	[sflag:s0] =	ssyncadd.tile.s32 @!p0 $0x1;
	_ =	shalt  }
.Lfunc_end2:
_tile_overlayer_lowered:
.L_overlay_start_2:
0x13d: {  	(tag) =	ssettag $0x2  }
0x13e: {  	s0 =	rddreg [dreg:$0x0];
	s2 =	stileid.u32  }
0x13f: {  	s1 =	rddreg [dreg:$0x1];
	p0 =	sne.s32 s2, $0x0  }
0x140: {  	s3 =	rddreg [dreg:$0x2];
	[bflag:$0x3] =	sbarrier.arrive $0xFFFF;
	s2 =	simm.s32 @!p0 $0x1C03  }
0x141: {  	[timem:s3], [sflag:s2] =	dma.local @!p0 [hbm:s0], s1  }
0x142: {  	s0 =	simm.s32 @!p0 $0x3  }
0x143: {  	_ =	swait.ge @!p0 [sflag:s0], s1  }
0x144: {  	s1 =	ssub.s32 @!p0 $0x0, s1;
	[sflag:s0] =	ssyncset.done @!p0 $0x0  }
0x145: {  	[sflag:s0] =	ssyncadd.s32 @!p0 s1  }
0x146: {  	[bflag:$0x3] =	sbarrier.arrive $0xFFFF  }
0x147: {  	_ =	shalt  }

// kernel: kernel.7.cloned.1.call-start
scs
__scs_entry_jumppad:
0x0: {  	(pc) =	sbr.rel $0x88, $3  }
0x1: {  	(tag) =	ssettag $0x0;
	lr =	simm.s32 $0x1  }
0x2: {  	[smem:$0x3F9E] =	sst lr;
	_ =	strace $0xD0000000  }
0x3: {  	_ = 	snop  }
0x4: {  	_ = 	snop  }
0x5: {  	_ = 	snop  }
0x6: {  	_ = 	snop  }
0x7: {  	_ = 	snop  }
__scs_overlays_trampoline_lowered:
0x8: {  	[smem:$0x3FAD] =	sst s0  }
0x9: {  	[smem:$0x3FAE] =	sst s1  }
0xa: {  	[smem:$0x3FAF] =	sst s2  }
0xb: {  	[smem:$0x3FB0] =	sst s3  }
0xc: {  	[smem:$0x3FB1] =	sst s4  }
0xd: {  	[smem:$0x3FB2] =	sst s5  }
0xe: {  	[smem:$0x3FB3] =	sst s6  }
0xf: {  	[smem:$0x3FB4] =	sst s7  }
0x10: {  	[smem:$0x3FB5] =	sst s8  }
0x11: {  	[smem:$0x3FB6] =	sst s9;
	s0 =	simm.s32 @!p0 $0x0  }
0x12: {  	s1 =	sld [smem:$0x3F9C];
	s0 =	simm.s32 @p0 $0x1  }
0x13: {  	[smem:$0x3FB7] =	sst s0;
	s0 =	simm.s32 @!p1 $0x0  }
0x14: {  	s2 =	sld [smem:$0x3F9B];
	s0 =	simm.s32 @p1 $0x1  }
0x15: {  	[smem:$0x3FB8] =	sst s0;
	s0 =	simm.s32 @!p2 $0x0  }
0x16: {  	s3 =	sld [smem:$0x3FDB];
	s0 =	simm.s32 @p2 $0x1  }
0x17: {  	s4 =	simm.s32 $0x1BF5;
	[smem:$0x3FBA] =	sst s0  }
0x18: {  	s0 =	sld [smem:$0x3F9D];
	_ =	swait.ge [sflag:s4], $0x0  }
0x19: {  	s7 =	sld [smem:$0x3F9E]  }
0x1a: {  	s8 =	sadd.s32 $0xFFFFE003, lr  }
0x1b: {  	s9 =	sadd.s32 $0xFFFFFEF7, lr;
	s5 =	simm.s32 $0xFFFFFFFF;
	p2 =	slt.u32 s8, $0xFFFFF086  }
0x1c: {  	p1 =	slt.u32 s9, $0xF7A;
	s5 =	simm.s32 @!p2 $0x0  }
0x1d: {  	s5 =	simm.s32 @p1 $0x1;
	p0 =	seq.s32 s7, s2  }
0x1e: {  	s7 =	smul.u32 @!p0 $0xF7A, s2;
	p2 =	seq.s32 @!p0 s5, $0x0  }
0x1f: {  	s9 =	smul.u32 $0xF7A, s1;
	s8 =	simm.s32 @!p0 $0x1BF5;
	p2 =	por !p2, p0  }
0x20: {  	[sflag:s8] =	ssyncset.s32 @!p0 $0xFFFFF086;
	s6 =	sadd.s32 @!p0 s3, s7;
	s7 =	simm.s32 @!p0 $0x108  }
0x21: {  	s3 =	sadd.s32 s3, s9;
	s6 =	sadd.s32 @!p0 $0x88, s6;
	s7 =	simm.s32 @p2 $0x1082  }
0x22: {  	[simem:s7], [sflag:s8] =	dma.local @!p0 [hbm:s6], $0xF7A  }
0x23: {  	s9 =	sor.u32 $0xD0000000, s2;
	s6 =	simm.s32 $0x108;
	_ =	swait.ge @!p0 [sflag:s8], $0x0  }
0x24: {  	s3 =	sadd.s32 $0x88, s3;
	s6 =	simm.s32 @!p1 $0x1082;
	[sflag:s4] =	ssyncset.s32 $0xFFFFF086  }
0x25: {  	[simem:s6], [sflag:s4] =	dma.local [hbm:s3], $0xF7A  }
0x26: {  	[smem:$0x3F9E] =	sst s1;
	(tag) =	ssettag s2;
	_ =	strace s9  }
0x27: {  	s1 =	sld [smem:$0x3FAE]  }
0x28: {  	s2 =	sld [smem:$0x3FAF]  }
0x29: {  	s4 =	sld [smem:$0x3FB1]  }
0x2a: {  	p0 =	seq.s32 s5, $0x0;
	s5 =	sld [smem:$0x3FB2]  }
0x2b: {  	s6 =	sld [smem:$0x3FB3]  }
0x2c: {  	s7 =	sld [smem:$0x3FB4]  }
0x2d: {  	s3 =	simm.s32 $0x108;
	s8 =	sld [smem:$0x3FB5]  }
0x2e: {  	s3 =	simm.s32 @!p0 $0x1082;
	s9 =	sld [smem:$0x3FB6]  }
0x2f: {  	lr =	sadd.s32 s0, s3;
	s0 =	sld [smem:$0x3FAD]  }
0x30: {  	s3 =	sld [smem:$0x3FB0]  }
0x31: {  	[smem:$0x3FB9] =	sst s10  }
0x32: {  	s10 =	sld [smem:$0x3FB7];
	_ =	sdelay $0x3  }
0x33: {  	p0 =	seq.s32 s10, $0x1;
	s10 =	sld [smem:$0x3FB9];
	_ =	sdelay $0x3  }
0x34: {  	[smem:$0x3FB9] =	sst s10  }
0x35: {  	s10 =	sld [smem:$0x3FB8];
	_ =	sdelay $0x3  }
0x36: {  	p1 =	seq.s32 s10, $0x1;
	s10 =	sld [smem:$0x3FB9];
	_ =	sdelay $0x3  }
0x37: {  	[smem:$0x3FB9] =	sst s10  }
0x38: {  	s10 =	sld [smem:$0x3FBA]  }
0x39: {  	_ = 	snop;
	(pc) =	sbr.ind lr, $3  }
0x3a: {  	_ = 	snop  }
0x3b: {  	_ = 	snop  }
0x3c: {  	p2 =	seq.s32 s10, $0x1;
	s10 =	sld [smem:$0x3FB9]  }
0x3d: {  	_ =	shalt  }
0x3e: {  	_ =	shalt  }
0x3f: {  	_ =	shalt  }
0x40: {  	_ =	shalt  }
0x41: {  	_ =	shalt  }
0x42: {  	_ =	shalt  }
0x43: {  	_ =	shalt  }
0x44: {  	_ =	shalt  }
0x45: {  	_ =	shalt  }
0x46: {  	_ =	shalt  }
0x47: {  	_ =	shalt  }
0x48: {  	_ =	shalt  }
0x49: {  	_ =	shalt  }
0x4a: {  	_ =	shalt  }
0x4b: {  	_ =	shalt  }
0x4c: {  	_ =	shalt  }
0x4d: {  	_ =	shalt  }
0x4e: {  	_ =	shalt  }
0x4f: {  	_ =	shalt  }
0x50: {  	_ =	shalt  }
0x51: {  	_ =	shalt  }
0x52: {  	_ =	shalt  }
0x53: {  	_ =	shalt  }
0x54: {  	_ =	shalt  }
0x55: {  	_ =	shalt  }
0x56: {  	_ =	shalt  }
0x57: {  	_ =	shalt  }
0x58: {  	_ =	shalt  }
0x59: {  	_ =	shalt  }
0x5a: {  	_ =	shalt  }
0x5b: {  	_ =	shalt  }
0x5c: {  	_ =	shalt  }
0x5d: {  	_ =	shalt  }
0x5e: {  	_ =	shalt  }
0x5f: {  	_ =	shalt  }
0x60: {  	_ =	shalt  }
0x61: {  	_ =	shalt  }
0x62: {  	_ =	shalt  }
0x63: {  	_ =	shalt  }
0x64: {  	_ =	shalt  }
0x65: {  	_ =	shalt  }
0x66: {  	_ =	shalt  }
0x67: {  	_ =	shalt  }
0x68: {  	_ =	shalt  }
0x69: {  	_ =	shalt  }
0x6a: {  	_ =	shalt  }
0x6b: {  	_ =	shalt  }
0x6c: {  	_ =	shalt  }
0x6d: {  	_ =	shalt  }
0x6e: {  	_ =	shalt  }
0x6f: {  	_ =	shalt  }
0x70: {  	_ =	shalt  }
0x71: {  	_ =	shalt  }
0x72: {  	_ =	shalt  }
0x73: {  	_ =	shalt  }
0x74: {  	_ =	shalt  }
0x75: {  	_ =	shalt  }
0x76: {  	_ =	shalt  }
0x77: {  	_ =	shalt  }
0x78: {  	_ =	shalt  }
0x79: {  	_ =	shalt  }
0x7a: {  	_ =	shalt  }
0x7b: {  	_ =	shalt  }
0x7c: {  	_ =	shalt  }
0x7d: {  	_ =	shalt  }
0x7e: {  	_ =	shalt  }
0x7f: {  	_ =	shalt  }
0x80: {  	_ =	shalt  }
0x81: {  	_ =	shalt  }
0x82: {  	_ =	shalt  }
0x83: {  	_ =	shalt  }
0x84: {  	_ =	shalt  }
0x85: {  	_ =	shalt  }
0x86: {  	_ =	shalt  }
0x87: {  	_ =	shalt  }
.Lfunc_end0:
.L_simem_size_0:
called_computation.1_lowered:
.L_overlay_start_0:
0x88: {  	s2 =	sld [smem:$0x3FD9]  }
0x89: {  	s3 =	sld [smem:$0x3FFE];
	_ =	sdelay $0x1  }
0x8a: {  	s1 =	srdreg.scid  }
0x8b: {  	s0 =	sand.u32 $0x1, s1  }
0x8c: {  	s17 =	sshll.u32 s0, $0xA;
	s2 =	sadd.s32 s3, s2  }
0x8d: {  	s2 =	sadd.s32 s2, s17  }
0x8e: {  	[smem:$0x3FC5] =	sst s2  }
0x8f: {  	_ = 	snop  }
0x90: {  	s4 =	sld [smem:$0x3FC9]  }
0x91: {  	s18 =	sld [smem:$0x3FD0];
	(tm) =	ssettm $0x1  }
0x92: {  	s19 =	sld [smem:$0x3FFB];
	_ =	sdelay $0x3  }
0x93: {  	_ =	strace s19  }
0x94: {  	s2 =	sld [smem:$0x3FFC];
	_ =	sdelay $0x3  }
0x95: {  	_ =	strace s2  }
0x96: {  	s2 =	sld [smem:$0x3FFD];
	_ =	sdelay $0x3  }
0x97: {  	_ =	strace s2  }
0x98: {  	_ =	strace $0x8FFFFFFF  }
0x99: {  	s20 =	sld [smem:$0x3FDB];
	_ =	sdelay $0x1  }
0x9a: {  	s5 =	simm.s32 $_scs_section_size  }
0x9b: {  	s6 =	simm.s32 $_size__tile_overlayer_lowered;
	s7 =	simm.s32 $_tile_overlayer_lowered  }
0x9c: {  	s8 =	simm.s32 $0x1BFF;
	s21 =	sshll.u32 s7, $0x1;
	s5 =	sadd.s32 s5, s20  }
0x9d: {  	s22 =	simm.s32 $0x0;
	s6 =	sshll.u32 s6, $0x1;
	s7 =	sadd.s32 s21, s5  }
0x9e: {  	[timem:s22], [sflag:s8] =	dma.local [hbm:s7], s6  }
0x9f: {  	_ =	swait.ge [sflag:s8], s6  }
0xa0: {  	s6 =	ssub.s32 $0x0, s6;
	[sflag:s8] =	ssyncset.done $0x0  }
0xa1: {  	[sflag:s8] =	ssyncadd.s32 s6;
	_ =	sdelay $0x1  }
0xa2: {  	s23 =	simm.s32 $0x1B8B  }
0xa3: {  	_ =	swait.ge [sflag:s23], $0x1  }
0xa4: {  	[sflag:s23] =	ssyncset.done $0x0  }
0xa5: {  	[sflag:s23] =	ssyncadd.s32 $0xFFFFFFFF  }
0xa6: {  	s6 =	sld [smem:$0x0]  }
0xa7: {  	s7 =	sand.u32 $0xFFFFFFFE, s1  }
0xa8: {  	p0 =	sne.s32 s1, s7  }
0xa9: {  	s7 =	sshll.u32 @p0 s7, $0xE  }
0xaa: {  	s7 =	sadd.s32 @p0 $0x11B8D, s7;
	s8 =	sshll.u32 @p0 s6, $0x11  }
0xab: {  	s7 =	sor.u32 @p0 s8, s7  }
0xac: {  	[sflag:s7] =	ssyncadd.remote.s32 @p0 $0x1;
	_ =	sdelay $0x1  }
0xad: {  	s7 =	simm.s32 @p0 $0x1B8D  }
0xae: {  	_ =	swait.eq @p0 [sflag:s7], $0x1  }
0xaf: {  	[sflag:s7] =	ssyncadd.s32 @p0 $0xFFFFFFFF  }
0xb0: {  	s8 =	sshll.u32 @!p0 s1, $0xE  }
0xb1: {  	s8 =	sor.u32 @!p0 $0x4000, s8;
	s7 =	simm.s32 @!p0 $0x1B8D  }
0xb2: {  	s6 =	sshll.u32 @!p0 s6, $0x11;
	s8 =	sadd.s32 @!p0 $0x11B8D, s8;
	_ =	swait.eq @!p0 [sflag:s7], $0x1  }
0xb3: {  	s6 =	sor.u32 @!p0 s6, s8;
	[sflag:s7] =	ssyncadd.s32 @!p0 $0xFFFFFFFF  }
0xb4: {  	s25 =	simm.s32 $0x1B8E;
	s24 =	sld [smem:$0x3FFE];
	[sflag:s6] =	ssyncadd.remote.s32 @!p0 $0x1  }
0xb5: {  	s26 =	simm.s32 $execute0_lowered;
	[smem:$0x3FD2] =	sst s25  }
0xb6: {  	s7 =	sshll.u32 s26, $0x1;
	_ =	strace $0x80000049;
	[dreg:$0x1] =	wrdreg $0xFFFFFFFF  }
0xb7: {  	s28 =	simm.s32 $_size_execute0_lowered;
	s5 =	sadd.s32 s5, s7;
	[dreg:$0x0] =	wrdreg $0x0  }
0xb8: {  	s7 =	sshll.u32 s28, $0x1;
	[dreg:$0x2] =	wrdreg s5  }
0xb9: {  	[dreg:$0x3] =	wrdreg s7  }
0xba: {  	[dreg:$0x4] =	wrdreg $0xC0  }
0xbb: {  	_ =	task [dreg:s22], $0x5FFFF  }
0xbc: {  	[dreg:$0x1] =	wrdreg $0xFFFFFFFF  }
0xbd: {  	[dreg:$0x0] =	wrdreg $0x60  }
0xbe: {  	[dreg:$0x2] =	wrdreg s4  }
0xbf: {  	[dreg:$0x3] =	wrdreg s24  }
0xc0: {  	[dreg:$0x4] =	wrdreg s18  }
0xc1: {  	[dreg:$0x5] =	wrdreg $0xA  }
0xc2: {  	_ =	task.clear_ibuf [dreg:s22], $0x6FFFF;
	_ =	strace $0x90000049  }
0xc3: {  	s29 =	simm.s32 $0xA;
	_ =	strace $0x8000004B  }
0xc4: {  	_ =	swait.ge [sflag:s29], $0x1  }
0xc5: {  	[sflag:s29] =	ssyncadd.s32 $0xFFFFFFFF  }
0xc6: {  	_ =	strace $0x9000004B  }
0xc7: {  	_ =	sfence  }
0xc8: {  	s30 =	sld [smem:$0x0];
	_ =	sdelay $0x2  }
0xc9: {  	s31 =	sshll.u32 s1, $0xD;
	s1 =	sshrl.u32 s1, $0x2  }
0xca: {  	s4 =	sand.u32 $0x4000, s31;
	s1 =	sadd.s32 s1, s30  }
0xcb: {  	s0 =	sor.u32 s4, s0;
	s1 =	sshll.u32 s1, $0x11  }
0xcc: {  	s0 =	sor.u32 s1, s0  }
0xcd: {  	s0 =	sadd.s32 $0x8F2B, s0  }
0xce: {  	[sflag:s0] =	ssyncadd.remote.s32 $0x1  }
0xcf: {  	_ =	sfence.sel $0xFFFF  }
0xd0: {  	[dreg:$0x0] =	wrdreg $0xFFFFFFFF;
	(pc) =	sbr.abs _section_cstart, $3  }
0xd1: {  	[dreg:$0x1] =	wrdreg $0xFFFFFFFF  }
0xd2: {  	_ =	task.clear_ibuf [dreg:s22], $0x2FFFF;
	_ =	strace $0x9FFFFFFF  }
0xd3: {  	(tm) =	ssettm $0x7FFFFFFF  }
tec
execute0_lowered:
.L_overlay_start_1:
0x0: {  	(tag) =	ssettag $0x1  }
0x1: {  	s0 =	rddreg [dreg:$0x0]  }
0x2: {  	s1 =	rddreg [dreg:$0x1]  }
0x3: {  	s3 =	rddreg [dreg:$0x2];
	s2 =	simm.s32 $0x0;
	s4 =	srdreg.scid  }
0x4: {  	s6 =	stileid.u32;
	s28 =	simm.s32 $0x800;
	s29 =	simm.s32 $0xA00  }
0x5: {  	s30 =	simm.s32 $0xC00;
	s31 =	simm.s32 $0xE00;
	[smem:$0x7FF] =	sst s2  }
0x6: {  	s4 =	sand.u32 $0x1, s4;
	s6 =	sshll.u32 s6, $0xA;
	s18 =	sadd.s32 $0x15600, s1  }
0x7: {  	s13 =	sadd.s32 $0x16988, s1;
	s14 =	sadd.s32 $0x17D10, s1;
	s15 =	sadd.s32 $0x19098, s1  }
0x8: {  	s16 =	sadd.s32 $0x1A420, s1;
	s5 =	ssub.s32 $0x2, s4;
	s4 =	sshll.u32 s4, $0x9  }
0x9: {  	s17 =	sadd.s32 $0x1B7A8, s1;
	_ =	strace $0x8000004A;
	s4 =	sor.u32 s4, s6  }
0xa: {  	[dreg:$0x4] =	wrdreg s18;
	s18 =	sadd.s32 $0x1CB30, s1;
	s0 =	sadd.s32 s4, s0  }
0xb: {  	s7 =	sshrl.u32 s5, $0x1;
	s6 =	simm.s32 $0x0;
	s19 =	sadd.s32 $0x8010, s0  }
0xc: {  	s5 =	ssub.s32 s5, s7;
	s20 =	sadd.s32 $0x8020, s0;
	[dreg:$0x5] =	wrdreg s19  }
0xd: {  	s26 =	sshrl.u32 s4, $0x3;
	s21 =	sadd.s32 $0x8030, s0;
	[dreg:$0x6] =	wrdreg s20  }
0xe: {  	s4 =	simm.s32 $0x2400;
	s22 =	sadd.s32 $0x8040, s0;
	[dreg:$0x7] =	wrdreg s21  }
0xf: {  	s23 =	sadd.s32 $0x8050, s0;
	s24 =	sadd.s32 $0x8060, s0;
	[dreg:$0x8] =	wrdreg s22  }
0x10: {  	s25 =	sadd.s32 $0x8070, s0;
	s11 =	sadd.s32 $0xC000, s0;
	[dreg:$0x9] =	wrdreg s23  }
0x11: {  	s12 =	sadd.s32 $0xC010, s0;
	s0 =	simm.s32 $0x1000;
	[dreg:$0xa] =	wrdreg s24  }
0x12: {  	[dreg:$0xb] =	wrdreg s25;
	s19 =	sadd.s32 $0x1DEB8, s1;
	s20 =	sadd.s32 $0x1F240, s1  }
0x13: {  	s21 =	sadd.s32 s3, s26;
	s22 =	smax.u32 s5, $0x1;
	s23 =	simm.s32 $0x80  }
0x14: {  	s24 =	simm.s32 $0x400;
	s25 =	simm.s32 $0x200;
	s26 =	simm.s32 $0x600  }
0x15: {  	s1 =	simm.s32 $0x1;
	s3 =	simm.s32 $0x2;
	s5 =	simm.s32 $0x3  }
.LBB2_1:
0x16: {  	s7 =	rddreg [dreg:$0x5]  }
0x17: {  	[tilespmem:s2], [sflag:$0x1] =	stream.strided.gather [hbm4b:s7+s23], $0x200, s24, s23, $0x38;
	[tilespmem:$0x2600] =	vst v63  }
0x18: {  	s9 =	rddreg [dreg:$0x6]  }
0x19: {  	[tilespmem:s25], [sflag:$0x1] =	stream.strided.gather [hbm4b:s9+s23], $0x200, s24, s23, $0x38;
	[tilespmem:$0x2600] =	vst v63  }
0x1a: {  	s10 =	rddreg [dreg:$0x7]  }
0x1b: {  	[tilespmem:s24], [sflag:$0x1] =	stream.strided.gather [hbm4b:s10+s23], $0x200, s24, s23, $0x38;
	[tilespmem:$0x2600] =	vst v63  }
0x1c: {  	s8 =	rddreg [dreg:$0x8]  }
0x1d: {  	[tilespmem:s26], [sflag:$0x1] =	stream.strided.gather [hbm4b:s8+s23], $0x200, s24, s23, $0x38;
	[tilespmem:$0x2600] =	vst v63  }
0x1e: {  	s9 =	rddreg [dreg:$0x9]  }
0x1f: {  	[tilespmem:s28], [sflag:$0x1] =	stream.strided.gather [hbm4b:s9+s23], $0x200, s24, s23, $0x38;
	[tilespmem:$0x2600] =	vst v63  }
0x20: {  	s10 =	rddreg [dreg:$0xa]  }
0x21: {  	[tilespmem:s29], [sflag:$0x1] =	stream.strided.gather [hbm4b:s10+s23], $0x200, s24, s23, $0x38;
	[tilespmem:$0x2600] =	vst v63  }
0x22: {  	s8 =	rddreg [dreg:$0xb]  }
0x23: {  	[tilespmem:s30], [sflag:$0x1] =	stream.strided.gather [hbm4b:s8+s23], $0x200, s24, s23, $0x38;
	[tilespmem:$0x2600] =	vst v63  }
0x24: {  	_ = 	snop  }
0x25: {  	[tilespmem:s31], [sflag:$0x1] =	stream.strided.gather [hbm4b:s11+s23], $0x200, s24, s23, $0x38;
	[tilespmem:$0x2600] =	vst v63  }
0x26: {  	_ = 	snop  }
0x27: {  	[tilespmem:s0], [sflag:$0x1] =	stream.strided.gather [hbm4b:s12+s23], $0x200, s24, s23, $0x38;
	[tilespmem:$0x2600] =	vst v63  }
0x28: {  	_ =	swait.ge [sflag:s1], $0x200  }
0x29: {  	[sflag:s1] =	ssyncset.done $0x0  }
0x2a: {  	s7 =	simm.s32 $0x1200;
	s8 =	rddreg [dreg:$0x4];
	[sflag:s1] =	ssyncadd.s32 $0xFFFFFE00  }
0x2b: {  	[tilespmem:s7], [sflag:$0x2] =	stream.indirect.gather [hbm4b:s8+s25], $0x1, s2, s25, $0xb8;
	[tilespmem:$0x2600] =	vst v63  }
0x2c: {  	_ =	swait.ge [sflag:s1], $0x200  }
0x2d: {  	[sflag:s1] =	ssyncset.done $0x0  }
0x2e: {  	s9 =	simm.s32 $0x1400;
	[sflag:s1] =	ssyncadd.s32 $0xFFFFFE00  }
0x2f: {  	[tilespmem:s9], [sflag:$0x2] =	stream.indirect.gather [hbm4b:s13+s25], $0x1, s25, s25, $0xb8;
	[tilespmem:$0x2600] =	vst v63  }
0x30: {  	_ =	swait.ge [sflag:s1], $0x200  }
0x31: {  	[sflag:s1] =	ssyncset.done $0x0  }
0x32: {  	s10 =	simm.s32 $0x1600;
	[sflag:s1] =	ssyncadd.s32 $0xFFFFFE00  }
0x33: {  	[tilespmem:s10], [sflag:$0x2] =	stream.indirect.gather [hbm4b:s14+s25], $0x1, s24, s25, $0xb8;
	[tilespmem:$0x2600] =	vst v63  }
0x34: {  	_ =	swait.ge [sflag:s1], $0x200  }
0x35: {  	[sflag:s1] =	ssyncset.done $0x0  }
0x36: {  	s9 =	simm.s32 $0x1800;
	[sflag:s1] =	ssyncadd.s32 $0xFFFFFE00  }
0x37: {  	[tilespmem:s9], [sflag:$0x2] =	stream.indirect.gather [hbm4b:s15+s25], $0x1, s26, s25, $0xb8;
	[tilespmem:$0x2600] =	vst v63  }
0x38: {  	_ =	swait.ge [sflag:s1], $0x200  }
0x39: {  	[sflag:s1] =	ssyncset.done $0x0  }
0x3a: {  	s10 =	simm.s32 $0x1A00;
	[sflag:s1] =	ssyncadd.s32 $0xFFFFFE00  }
0x3b: {  	[tilespmem:s10], [sflag:$0x2] =	stream.indirect.gather [hbm4b:s16+s25], $0x1, s28, s25, $0xb8;
	[tilespmem:$0x2600] =	vst v63  }
0x3c: {  	_ =	swait.ge [sflag:s1], $0x200  }
0x3d: {  	[sflag:s1] =	ssyncset.done $0x0  }
0x3e: {  	s9 =	simm.s32 $0x1C00;
	[sflag:s1] =	ssyncadd.s32 $0xFFFFFE00  }
0x3f: {  	[tilespmem:s9], [sflag:$0x2] =	stream.indirect.gather [hbm4b:s17+s25], $0x1, s29, s25, $0xb8;
	[tilespmem:$0x2600] =	vst v63  }
0x40: {  	_ =	swait.ge [sflag:s1], $0x200  }
0x41: {  	[sflag:s1] =	ssyncset.done $0x0  }
0x42: {  	s10 =	simm.s32 $0x1E00;
	[sflag:s1] =	ssyncadd.s32 $0xFFFFFE00  }
0x43: {  	[tilespmem:s10], [sflag:$0x2] =	stream.indirect.gather [hbm4b:s18+s25], $0x1, s30, s25, $0xb8;
	[tilespmem:$0x2600] =	vst v63  }
0x44: {  	_ =	swait.ge [sflag:s1], $0x200  }
0x45: {  	[sflag:s1] =	ssyncset.done $0x0  }
0x46: {  	s9 =	simm.s32 $0x2000;
	[sflag:s1] =	ssyncadd.s32 $0xFFFFFE00  }
0x47: {  	[tilespmem:s9], [sflag:$0x2] =	stream.indirect.gather [hbm4b:s19+s25], $0x1, s31, s25, $0xb8;
	[tilespmem:$0x2600] =	vst v63  }
0x48: {  	_ =	swait.ge [sflag:s1], $0x200  }
0x49: {  	[sflag:s1] =	ssyncset.done $0x0  }
0x4a: {  	s10 =	simm.s32 $0x2200;
	[sflag:s1] =	ssyncadd.s32 $0xFFFFFE00  }
0x4b: {  	[tilespmem:s10], [sflag:$0x2] =	stream.indirect.gather [hbm4b:s20+s25], $0x1, s0, s25, $0xb8;
	[tilespmem:$0x2600] =	vst v63  }
0x4c: {  	_ =	swait.ge [sflag:s3], $0x200  }
0x4d: {  	[sflag:s3] =	ssyncset.done $0x0  }
0x4e: {  	[sflag:s3] =	ssyncadd.s32 $0xFFFFFE00  }
0x4f: {  	_ =	swait.ge [sflag:s3], $0x200  }
0x50: {  	[sflag:s3] =	ssyncset.done $0x0  }
0x51: {  	[sflag:s3] =	ssyncadd.s32 $0xFFFFFE00  }
0x52: {  	_ =	swait.ge [sflag:s3], $0x200  }
0x53: {  	[sflag:s3] =	ssyncset.done $0x0  }
0x54: {  	[sflag:s3] =	ssyncadd.s32 $0xFFFFFE00  }
0x55: {  	_ =	swait.ge [sflag:s3], $0x200  }
0x56: {  	[sflag:s3] =	ssyncset.done $0x0  }
0x57: {  	[sflag:s3] =	ssyncadd.s32 $0xFFFFFE00  }
0x58: {  	_ =	swait.ge [sflag:s3], $0x200  }
0x59: {  	[sflag:s3] =	ssyncset.done $0x0  }
0x5a: {  	[sflag:s3] =	ssyncadd.s32 $0xFFFFFE00  }
0x5b: {  	_ =	swait.ge [sflag:s3], $0x200  }
0x5c: {  	[sflag:s3] =	ssyncset.done $0x0  }
0x5d: {  	[sflag:s3] =	ssyncadd.s32 $0xFFFFFE00  }
0x5e: {  	_ =	swait.ge [sflag:s3], $0x200  }
0x5f: {  	[sflag:s3] =	ssyncset.done $0x0  }
0x60: {  	[sflag:s3] =	ssyncadd.s32 $0xFFFFFE00  }
0x61: {  	_ =	swait.ge [sflag:s3], $0x200  }
0x62: {  	[sflag:s3] =	ssyncset.done $0x0  }
0x63: {  	[sflag:s3] =	ssyncadd.s32 $0xFFFFFE00  }
0x64: {  	_ =	swait.ge [sflag:s3], $0x200  }
0x65: {  	[sflag:s3] =	ssyncset.done $0x0  }
0x66: {  	s9 =	sand.u32 $0x1F0, s2;
	[sflag:s3] =	ssyncadd.s32 $0xFFFFFE00  }
0x67: {  	v0 =	vld [tilespmem:s9+$0x1400]  }
0x68: {  	v1 =	vld [tilespmem:s7+$0x0];
	_ =	sdelay $0x1  }
0x69: {  	v2 =	vld [tilespmem:s9+$0x1600];
	_ =	sdelay $0x1  }
0x6a: {  	v3 =	vld [tilespmem:s9+$0x1800]  }
0x6b: {  	v0 =	vadd.f32 v0, v1  }
0x6c: {  	v1 =	vld [tilespmem:s9+$0x1A00]  }
0x6d: {  	v0 =	vadd.f32 v2, v0  }
0x6e: {  	v2 =	vld [tilespmem:s9+$0x1C00]  }
0x6f: {  	v0 =	vadd.f32 v3, v0  }
0x70: {  	v3 =	vld [tilespmem:s9+$0x1E00]  }
0x71: {  	v0 =	vadd.f32 v1, v0  }
0x72: {  	v1 =	vld [tilespmem:s9+$0x2000]  }
0x73: {  	v0 =	vadd.f32 v2, v0  }
0x74: {  	v2 =	vld [tilespmem:s9+$0x2200]  }
0x75: {  	v0 =	vadd.f32 v3, v0;
	_ =	sdelay $0x1  }
0x76: {  	v0 =	vadd.f32 v1, v0;
	_ =	sdelay $0x1  }
0x77: {  	v0 =	vadd.f32 v2, v0  }
0x78: {  	s10 =	simm.s32 $0x10  }
0x79: {  	s8 =	sand.u32 $0x1F0, s10;
	[tilespmem:s4+$0x0] =	vst v0  }
0x7a: {  	s10 =	simm.s32 $0x20;
	s7 =	simm.s32 $0x2400;
	s9 =	simm.s32 $0x1210;
	v0 =	vld [tilespmem:s8+$0x1400]  }
.LBB2_2:
0x7b: {  	p0 =	sne.s32 s10, $0x1F0;
	v1 =	vld [tilespmem:s9+$0x0];
	_ =	sdelay $0x1  }
0x7c: {  	v2 =	vld [tilespmem:s8+$0x1600];
	_ =	sdelay $0x1  }
0x7d: {  	v3 =	vld [tilespmem:s8+$0x1800]  }
0x7e: {  	v0 =	vadd.f32 v0, v1  }
0x7f: {  	v1 =	vld [tilespmem:s8+$0x1A00]  }
0x80: {  	v0 =	vadd.f32 v2, v0  }
0x81: {  	v2 =	vld [tilespmem:s8+$0x1C00]  }
0x82: {  	v0 =	vadd.f32 v3, v0  }
0x83: {  	v3 =	vld [tilespmem:s8+$0x1E00]  }
0x84: {  	v0 =	vadd.f32 v1, v0  }
0x85: {  	v1 =	vld [tilespmem:s8+$0x2000]  }
0x86: {  	v0 =	vadd.f32 v2, v0  }
0x87: {  	v2 =	vld [tilespmem:s8+$0x2200]  }
0x88: {  	v0 =	vadd.f32 v3, v0;
	_ =	sdelay $0x1  }
0x89: {  	v0 =	vadd.f32 v1, v0  }
.Ltmp0:
0x8a: {  	(pc) =	sbr.rel @p0 .LBB2_2-.Ltmp0, $4  }
0x8b: {  	v0 =	vadd.f32 v2, v0  }
0x8c: {  	s7 =	sadd.s32 $0x10, s7  }
0x8d: {  	s8 =	sand.u32 $0x1F0, s10;
	[tilespmem:s7+$0x0] =	vst v0  }
0x8e: {  	s9 =	sadd.s32 $0x10, s9;
	s10 =	sadd.s32 $0x10, s10;
	v0 =	vld [tilespmem:s8+$0x1400]  }
0x8f: {  	v1 =	vld [tilespmem:s9+$0x0];
	_ =	sdelay $0x1  }
0x90: {  	v2 =	vld [tilespmem:s8+$0x1600];
	_ =	sdelay $0x1  }
0x91: {  	v3 =	vld [tilespmem:s8+$0x1800]  }
0x92: {  	v0 =	vadd.f32 v0, v1  }
0x93: {  	v59 =	vld [tilespmem:s8+$0x1A00]  }
0x94: {  	v0 =	vadd.f32 v2, v0  }
0x95: {  	v60 =	vld [tilespmem:s8+$0x1C00]  }
0x96: {  	v0 =	vadd.f32 v3, v0  }
0x97: {  	v61 =	vld [tilespmem:s8+$0x1E00]  }
0x98: {  	v0 =	vadd.f32 v59, v0  }
0x99: {  	v62 =	vld [tilespmem:s8+$0x2000]  }
0x9a: {  	v0 =	vadd.f32 v60, v0  }
0x9b: {  	v63 =	vld [tilespmem:s8+$0x2200]  }
0x9c: {  	v0 =	vadd.f32 v61, v0;
	_ =	sdelay $0x1  }
0x9d: {  	v0 =	vadd.f32 v62, v0;
	_ =	sdelay $0x1  }
0x9e: {  	s6 =	sadd.s32 $0x1, s6;
	v0 =	vadd.f32 v63, v0  }
0x9f: {  	s7 =	sadd.s32 $0x10, s7;
	p0 =	sne.s32 s6, s22  }
.Ltmp1:
0xa0: {  	[tilespmem:s7+$0x0] =	vst v0;
	(pc) =	sbr.rel @p0 .LBB2_1-.Ltmp1, $4  }
0xa1: {  	[hbm4b:s21+s2] =	stream.linear.scatter [tilespmem:s4], [sflag:$0x3], $0x200, $0x38;
	[tilespmem:$0x2600] =	vst v63  }
0xa2: {  	_ =	swait.ge [sflag:s5], $0x200  }
0xa3: {  	[sflag:s5] =	ssyncset.done $0x0  }
0xa4: {  	[sflag:s5] =	ssyncadd.s32 $0xFFFFFE00  }
0xa5: {  	_ =	sfence.sel $0x180000  }
0xa6: {  	[bflag:$0x0] =	sbarrier.arrive $0xFFFF  }
0xa7: {  	_ =	strace $0x9000004A  }
0xa8: {  	s0 =	stileid.u32;
	[bflag:$0x2] =	sbarrier.arrive $0xFFFF  }
0xa9: {  	p0 =	sne.s32 s0, $0x0;
	s0 =	rddreg [dreg:$0x3]  }
0xaa: {  	s0 =	sadd.s32 @!p0 $0x100000, s0  }
0xab: {  	[sflag:s0] =	ssyncadd.tile.s32 @!p0 $0x1;
	_ =	shalt  }
.Lfunc_end2:
_tile_overlayer_lowered:
.L_overlay_start_2:
0xac: {  	(tag) =	ssettag $0x2  }
0xad: {  	s0 =	rddreg [dreg:$0x0];
	s2 =	stileid.u32  }
0xae: {  	s1 =	rddreg [dreg:$0x1];
	p0 =	sne.s32 s2, $0x0  }
0xaf: {  	s3 =	rddreg [dreg:$0x2];
	[bflag:$0x3] =	sbarrier.arrive $0xFFFF;
	s2 =	simm.s32 @!p0 $0x1C03  }
0xb0: {  	[timem:s3], [sflag:s2] =	dma.local @!p0 [hbm:s0], s1  }
0xb1: {  	s0 =	simm.s32 @!p0 $0x3  }
0xb2: {  	_ =	swait.ge @!p0 [sflag:s0], s1  }
0xb3: {  	s1 =	ssub.s32 @!p0 $0x0, s1;
	[sflag:s0] =	ssyncset.done @!p0 $0x0  }
0xb4: {  	[sflag:s0] =	ssyncadd.s32 @!p0 s1  }
0xb5: {  	[bflag:$0x3] =	sbarrier.arrive $0xFFFF  }
0xb6: {  	_ =	shalt  }

</sc_bundles>
